<compile_context>
chip_gen: v7x
topology: tpu7x:2x2x1
jax: 0.10.2.dev20260603
libtpu: 0.0.44.dev20260713+nightly
codegen_flags: <defaults>
</compile_context>

<pallas_src>
import jax
import jax.numpy as jnp
from jax.experimental import pallas as pl

N = 10000
DEG = 16
E = N * DEG
H = 256
SB = 16
NG = 64
BN = 400
GRID = N // BN
KK = DEG + 1


def _fold_kernel(emb_v_ref, emb_edge_ref, emb_static_ref, emb_r_ref,
                 wq_ref, wk_ref, wv_ref, wc_ref, wev_ref, wek_ref,
                 wg1_ref, bg1_ref, wg2_ref, bg2_ref,
                 tq_ref, tk_ref, tv_ref, su_ref,
                 tv1_ref, tv2_ref, tv3_ref, trk_ref):
    f32 = jnp.float32
    ev = emb_v_ref[...]
    wc = wc_ref[...]
    wev = wev_ref[...]
    ee = emb_edge_ref[...]
    es = emb_static_ref[...]
    tq_ref[...] = jnp.dot(ev, wq_ref[...], preferred_element_type=f32)
    tk_ref[...] = jnp.dot(ev, wk_ref[...], preferred_element_type=f32)
    tv_ref[...] = jnp.dot(ev, wv_ref[...], preferred_element_type=f32)
    h1 = jax.nn.relu(jnp.dot(ev, wg1_ref[...], preferred_element_type=f32)
                     + bg1_ref[...])
    su_ref[...] = jax.nn.sigmoid(jnp.dot(h1, wg2_ref[...], preferred_element_type=f32)
                                 + bg2_ref[...])
    tv1_ref[...] = jnp.dot(jnp.dot(ee, wc[0:H, :], preferred_element_type=f32),
                           wev, preferred_element_type=f32)
    tv2_ref[...] = jnp.dot(jnp.dot(ee, wc[H:2 * H, :], preferred_element_type=f32),
                           wev, preferred_element_type=f32)
    tv3_ref[...] = jnp.dot(jnp.dot(es, wc[2 * H:3 * H, :], preferred_element_type=f32),
                           wev, preferred_element_type=f32)
    trk_ref[...] = jnp.dot(emb_r_ref[...], wek_ref[...], preferred_element_type=f32)


def _attn_kernel(idxv_ref, idxvsrc_ref, eidx_ref, eidxrev_ref, state_ref,
                 scal_ref, sender_ref, nscal_ref,
                 emb_v_ref, tq_ref, tk_ref, tv_ref, su16_ref,
                 tv1_ref, tv2_ref, tv3_ref, trk_ref, emb_edge_ref,
                 nout_ref, eout_ref):
    f32 = jnp.float32
    i32 = jnp.int32
    nscal = nscal_ref[...]
    scal = scal_ref[...]
    sender = sender_ref[...]
    state = state_ref[...]
    eidx = eidx_ref[...]
    eidxrev = eidxrev_ref[...]
    idxvsrc = idxvsrc_ref[...]
    tq = tq_ref[...]
    tk = tk_ref[...]
    tv = tv_ref[...]
    su16 = su16_ref[...]
    tv1 = tv1_ref[...]
    tv2 = tv2_ref[...]
    tv3 = tv3_ref[...]
    trk = trk_ref[...]
    emb_edge = emb_edge_ref[...]

    iota16 = jax.lax.broadcasted_iota(i32, (BN, SB), 1)
    iota4 = jax.lax.broadcasted_iota(i32, (BN, 4), 1)

    oh_n = (idxv_ref[...] == iota16).astype(f32)
    nf = jnp.dot(oh_n, emb_v_ref[...], preferred_element_type=f32)
    q = jnp.dot(oh_n, tq, preferred_element_type=f32)
    kn = jnp.dot(oh_n, tk, preferred_element_type=f32)
    vn = jnp.dot(oh_n, tv, preferred_element_type=f32)
    su = jnp.dot(oh_n, su16, preferred_element_type=f32)

    r1 = (scal < nscal).astype(i32)
    r2 = ((sender + scal) < nscal).astype(i32)
    fidx = r1 + 2 * r2

    logit_cols = [jnp.sum(q * kn, axis=1, keepdims=True) * (1.0 / 16.0)]
    v_list = []
    ef_list = []
    for d in range(DEG):
        sc_d = scal[:, d:d + 1]
        st_d = state[:, d:d + 1]
        eq = (state == st_d)
        minv = jnp.min(jnp.where(eq, scal, 1e9), axis=1, keepdims=True)
        best = (sc_d == minv).astype(i32)
        oh_r = (st_d + best == iota16).astype(f32)
        oh_e = (eidx[:, d:d + 1] == iota16).astype(f32)
        oh_rev = (eidxrev[:, d:d + 1] == iota16).astype(f32)
        oh_f = (fidx[:, d:d + 1] == iota4).astype(f32)
        oh_s = (idxvsrc[:, d:d + 1] == iota16).astype(f32)
        ef_d = jnp.dot(oh_e, emb_edge, preferred_element_type=f32)
        ev_d = (jnp.dot(oh_e, tv1, preferred_element_type=f32)
                + jnp.dot(oh_rev, tv2, preferred_element_type=f32)
                + jnp.dot(oh_f, tv3, preferred_element_type=f32))
        ek_d = jnp.dot(oh_r, trk, preferred_element_type=f32)
        k_d = jnp.dot(oh_s, tk, preferred_element_type=f32) + ek_d
        v_d = jnp.dot(oh_s, tv, preferred_element_type=f32) + ev_d
        logit_cols.append(jnp.sum(q * k_d, axis=1, keepdims=True) * (1.0 / 16.0))
        v_list.append(v_d)
        ef_list.append(ef_d)

    logits = jnp.concatenate(logit_cols, axis=1)

    col = jax.lax.broadcasted_iota(i32, (BN, KK), 1)
    colf = col.astype(f32)
    ranks = jnp.zeros((BN, KK), dtype=i32)
    for j in range(KK):
        xj = logits[:, j:j + 1]
        ranks = ranks + (xj > logits).astype(i32) \
            + ((xj == logits) & (j < col)).astype(i32)

    lsq = logits * logits
    cz_cols = []
    cz2_cols = []
    s_cols = []
    for k in range(KK):
        le = (ranks <= k)
        cz_cols.append(jnp.sum(jnp.where(le, logits, 0.0), axis=1, keepdims=True))
        cz2_cols.append(jnp.sum(jnp.where(le, lsq, 0.0), axis=1, keepdims=True))
        eqk = (ranks == k)
        s_cols.append(jnp.sum(jnp.where(eqk, logits, 0.0), axis=1, keepdims=True))
    cz = jnp.concatenate(cz_cols, axis=1)
    cz2 = jnp.concatenate(cz2_cols, axis=1)
    s = jnp.concatenate(s_cols, axis=1)

    kr = colf + 1.0
    mz = cz / kr
    mz2 = cz2 / kr
    discr = jax.nn.relu(mz * mz - mz2 + 1.0 / kr)
    tau_c = mz - jnp.sqrt(discr + 1e-12)
    kidx15 = jnp.sum((s > tau_c).astype(f32), axis=1, keepdims=True)
    tau15 = jnp.sum(jnp.where(colf == (kidx15 - 1.0), tau_c, 0.0),
                    axis=1, keepdims=True)
    t15 = jax.nn.relu(logits - tau15)
    p15 = t15 * t15
    kidxsp = jnp.sum((kr * s > cz - 1.0).astype(f32), axis=1, keepdims=True)
    ck = jnp.sum(jnp.where(colf == (kidxsp - 1.0), cz, 0.0), axis=1, keepdims=True)
    tausp = (ck - 1.0) / kidxsp
    psp = jax.nn.relu(logits - tausp)
    m = jnp.max(logits, axis=1, keepdims=True)
    ex = jnp.exp(logits - m)
    psoft = ex / jnp.sum(ex, axis=1, keepdims=True)

    w_low = su * 2.0
    w_high = (su - 0.5) * 2.0
    probs_low = (1.0 - w_low) * psoft + w_low * p15
    probs_high = (1.0 - w_high) * p15 + w_high * psp
    probs = jnp.where(su <= 0.5, probs_low, probs_high)

    is_sel = (probs > 1e-06).astype(f32)
    nsel = jnp.sum(is_sel, axis=1, keepdims=True)
    attn = is_sel / (nsel + 1e-09)

    agg = attn[:, 0:1] * vn
    for d in range(DEG):
        agg = agg + attn[:, d + 1:d + 2] * v_list[d]

    nout_ref[...] = nf + agg
    for d in range(DEG):
        eout_ref[:, d * H:(d + 1) * H] = ef_list[d] + agg


def kernel(node_states, edge_states, scalars, edge_index, batch, batched_reverse_idx,
           training_step, emb_v, emb_r, emb_edge, emb_static, Wq, Wk, Wv, Wek, Wev,
           Wc, Wg1, bg1, Wg2, bg2):
    f32 = jnp.float32
    i32 = jnp.int32
    src = edge_index[0]
    node_states = node_states.astype(i32)
    edge_states = edge_states.astype(i32)
    batch = batch.astype(i32)
    rev = batched_reverse_idx.astype(i32)

    w3 = (2 ** jnp.arange(3, dtype=i32))
    w4 = (2 ** jnp.arange(4, dtype=i32))
    s2 = 2 * jnp.sum(node_states * w3, axis=-1)
    node_scal = scalars[0::DEG, 0]
    seg = batch * SB + s2
    segmin = jax.ops.segment_min(node_scal, seg, num_segments=NG * SB)
    best_n = (node_scal == segmin[seg]).astype(i32)
    idx_v = s2 + best_n

    eidx = jnp.sum(edge_states * w4, axis=-1)
    eidx_rev = eidx[rev]
    state_e = s2[src]
    sender = node_scal[src]
    idxv_src = idx_v[src]

    eidx_g = eidx.reshape(N, DEG)
    eidxrev_g = eidx_rev.reshape(N, DEG)
    state_g = state_e.reshape(N, DEG)
    scal_g = scalars[:, 0].reshape(N, DEG)
    sender_g = sender.reshape(N, DEG)
    idxvsrc_g = idxv_src.reshape(N, DEG)
    nscal = node_scal.reshape(N, 1)

    bfull = lambda shp: pl.BlockSpec(shp, lambda i: tuple(0 for _ in shp))
    bnode = lambda w: pl.BlockSpec((BN, w), lambda i: (i, 0))

    tq, tk, tv, su16, tv1, tv2, tv3, trk = pl.pallas_call(
        _fold_kernel,
        grid=(1,),
        in_specs=[bfull((SB, H)), bfull((SB, H)), bfull((4, H)), bfull((SB, H)),
                  bfull((H, H)), bfull((H, H)), bfull((H, H)),
                  bfull((3 * H, H)), bfull((H, H)), bfull((H, H)),
                  bfull((H, H)), bfull((1, H)), bfull((H, 1)), bfull((1, 1))],
        out_specs=[bfull((SB, H)), bfull((SB, H)), bfull((SB, H)), bfull((SB, 1)),
                   bfull((SB, H)), bfull((SB, H)), bfull((4, H)), bfull((SB, H))],
        out_shape=[jax.ShapeDtypeStruct((SB, H), f32)] * 3
        + [jax.ShapeDtypeStruct((SB, 1), f32)]
        + [jax.ShapeDtypeStruct((SB, H), f32),
           jax.ShapeDtypeStruct((SB, H), f32),
           jax.ShapeDtypeStruct((4, H), f32),
           jax.ShapeDtypeStruct((SB, H), f32)],
    )(emb_v, emb_edge, emb_static, emb_r, Wq, Wk, Wv, Wc, Wev, Wek,
      Wg1, bg1.reshape(1, H), Wg2, bg2.reshape(1, 1))

    bedge = pl.BlockSpec((BN, DEG * H), lambda i: (i, 0))
    nout, eout = pl.pallas_call(
        _attn_kernel,
        grid=(GRID,),
        in_specs=[bnode(1), bnode(DEG), bnode(DEG), bnode(DEG), bnode(DEG),
                  bnode(DEG), bnode(DEG), bnode(1),
                  bfull((SB, H)), bfull((SB, H)), bfull((SB, H)), bfull((SB, H)),
                  bfull((SB, 1)),
                  bfull((SB, H)), bfull((SB, H)), bfull((4, H)), bfull((SB, H)),
                  bfull((SB, H))],
        out_specs=[bnode(H), bedge],
        out_shape=[jax.ShapeDtypeStruct((N, H), f32),
                   jax.ShapeDtypeStruct((N, DEG * H), f32)],
    )(idx_v.reshape(N, 1), idxvsrc_g, eidx_g, eidxrev_g, state_g,
      scal_g, sender_g, nscal,
      emb_v, tq, tk, tv, su16, tv1, tv2, tv3, trk, emb_edge)

    edge_out = eout.reshape(E, H)
    return (nout, edge_out)

# --- scband reference (transcript-rebuilt; emitter-appended) ---
"""Pipeline reference for scband-discrete-processor-1924145349110 (READ-ONLY COPY).

The authoritative reference and input builder live on the scoring server;
editing this copy changes nothing except your own understanding.
"""

import jax, jax.numpy as jnp
import numpy as np
import math

N = 10000
DEG = 16
E = N * DEG
H = 256
NUM_NODE_STATES = 3
NUM_EDGE_STATES = 4
NUM_GRAPHS = 64
SB = 2 ** (NUM_NODE_STATES + 1)


def from_binary(states):
    w = 2 ** jnp.arange(states.shape[-1], dtype=states.dtype)
    return jnp.sum(states * w, axis=-1)


def entmax15(logits):
    K = logits.shape[-1]
    s = -jnp.sort(-logits, axis=-1)
    cz = jnp.cumsum(s, axis=-1)
    cz2 = jnp.cumsum(s ** 2, axis=-1)
    kr = jnp.arange(1, K + 1, dtype=logits.dtype)
    mz = cz / kr
    mz2 = cz2 / kr
    discr = jax.nn.relu(mz ** 2 - mz2 + 1.0 / kr)
    tau_c = mz - jnp.sqrt(discr + 1e-12)
    support = s > tau_c
    kidx = jnp.sum(support, axis=-1, keepdims=True)
    tau = jnp.take_along_axis(tau_c, kidx - 1, axis=-1)
    return jax.nn.relu(logits - tau) ** 2


def sparsemax(logits):
    K = logits.shape[-1]
    s = -jnp.sort(-logits, axis=-1)
    cz = jnp.cumsum(s, axis=-1)
    kr = jnp.arange(1, K + 1, dtype=logits.dtype)
    support = kr * s > cz - 1.0
    kidx = jnp.sum(support, axis=-1, keepdims=True)
    ck = jnp.take_along_axis(cz, kidx - 1, axis=-1)
    tau = (ck - 1.0) / kidx.astype(logits.dtype)
    return jax.nn.relu(logits - tau)


def select_best(emb, binary_states, scalars_vec, index, num_index):
    # SelectBest with use_select_best=True: states = 2*from_binary; group by (states, index);
    # gumbel_softmax(-scalars, tau=0, no noise) == indicator of min scalar per group.
    states = 2 * from_binary(binary_states)
    seg = index * SB + states
    seg_min = jax.ops.segment_min(scalars_vec, seg, num_segments=num_index * SB)
    best = (scalars_vec == seg_min[seg]).astype(states.dtype)
    return emb[states + best]


def forward_core(node_states, edge_states, scalars, src, dst, rev_idx, batch_vec,
                 emb_v, emb_r, emb_edge, emb_static,
                 Wq, Wk, Wv, Wek, Wev, Wc, Wg1, bg1, Wg2, bg2):
    scal = scalars[:, 0]
    # edges are laid out dst-major with the self-loop (d, d) first in each group,
    # so scalars[src == dst] == scalars[0::DEG] in node order
    node_scalars = scalars[0::DEG]
    node_scal = node_scalars[:, 0]
    # select_best_from_virtual
    node_fts = select_best(emb_v, node_states, node_scal, batch_vec, NUM_GRAPHS)
    edge_fts_emb = emb_edge[from_binary(edge_states)]
    sparsity_u = jax.nn.sigmoid(jax.nn.relu(node_fts @ Wg1 + bg1) @ Wg2 + bg2)
    Q = node_fts @ Wq
    K_nodes = node_fts @ Wk
    V_nodes = node_fts @ Wv
    # combined_edge_KV
    sel_r = select_best(emb_r, node_states[src], scal, dst, N)
    sender_s = node_scalars[src]
    recv_s = node_scalars[dst]
    rlx = (scalars < recv_s).astype(node_states.dtype)
    rlx_d = ((sender_s + scalars) < recv_s).astype(node_states.dtype)
    fts = jnp.concatenate([rlx, rlx_d], axis=-1)
    static_fts = emb_static[from_binary(fts)]
    combined = jnp.concatenate([edge_fts_emb, edge_fts_emb[rev_idx], static_fts], axis=1) @ Wc
    edge_K = sel_r @ Wek
    edge_V = combined @ Wev
    K_comb_e = K_nodes[src] + edge_K
    V_comb_e = V_nodes[src] + edge_V
    # to_dense_batch: fixed in-degree DEG per dst, edges already grouped by dst
    dense_K = K_comb_e.reshape(N, DEG, H)
    dense_V = V_comb_e.reshape(N, DEG, H)
    combined_K = jnp.concatenate([K_nodes[:, None, :], dense_K], axis=1)
    combined_V = jnp.concatenate([V_nodes[:, None, :], dense_V], axis=1)
    # mask is all-True here (full fixed-degree batch), so no masked_fill is needed
    logits = jnp.sum(Q[:, None, :] * combined_K, axis=-1) / math.sqrt(H)
    p15 = entmax15(logits)
    w_low = sparsity_u * 2.0
    p_soft = jax.nn.softmax(logits, axis=-1)
    probs_low = (1.0 - w_low) * p_soft + w_low * p15
    w_high = (sparsity_u - 0.5) * 2.0
    p_sparse = sparsemax(logits)
    probs_high = (1.0 - w_high) * p15 + w_high * p_sparse
    probs = jnp.where(sparsity_u <= 0.5, probs_low, probs_high)
    is_selected = (probs > 1e-06).astype(logits.dtype)
    num_selected = jnp.sum(is_selected, axis=1, keepdims=True)
    hard_weights = is_selected / (num_selected + 1e-09)
    attn = jax.lax.stop_gradient(hard_weights - probs) + probs
    agg = jnp.sum(attn[..., None] * combined_V, axis=1)
    node_out = node_fts + agg
    edge_out = edge_fts_emb + agg[dst]
    return (node_out, edge_out)


def setup_inputs(seed: int = 0):
    key = jax.random.key(seed)
    ks = jax.random.split(key, 24)
    dst = jnp.repeat(jnp.arange(N), DEG)
    off = jax.random.randint(ks[0], (N, DEG - 1), 0, N - 1)
    src_r = (jnp.arange(N)[:, None] + 1 + off) % N
    src = jnp.concatenate([jnp.arange(N)[:, None], src_r], axis=1).reshape(-1)
    edge_index = jnp.stack([src, dst])
    node_states = jax.random.randint(ks[1], (N, NUM_NODE_STATES), 0, 2)
    edge_states = jax.random.randint(ks[2], (E, NUM_EDGE_STATES), 0, 2)
    scalars = jax.random.uniform(ks[3], (E, 1), dtype=jnp.float32)
    batch = jnp.sort(jax.random.randint(ks[4], (N,), 0, NUM_GRAPHS))
    batched_reverse_idx = jax.random.randint(ks[5], (E,), 0, E)
    sc = 0.02
    emb_v = jax.random.normal(ks[6], (SB, H), dtype=jnp.float32) * sc
    emb_r = jax.random.normal(ks[7], (SB, H), dtype=jnp.float32) * sc
    emb_edge = jax.random.normal(ks[8], (2 ** NUM_EDGE_STATES, H), dtype=jnp.float32) * sc
    emb_static = jax.random.normal(ks[9], (4, H), dtype=jnp.float32) * sc
    Wq = jax.random.normal(ks[10], (H, H), dtype=jnp.float32) * sc
    Wk = jax.random.normal(ks[11], (H, H), dtype=jnp.float32) * sc
    Wv = jax.random.normal(ks[12], (H, H), dtype=jnp.float32) * sc
    Wek = jax.random.normal(ks[13], (H, H), dtype=jnp.float32) * sc
    Wev = jax.random.normal(ks[14], (H, H), dtype=jnp.float32) * sc
    Wc = jax.random.normal(ks[15], (3 * H, H), dtype=jnp.float32) * sc
    Wg1 = jax.random.normal(ks[16], (H, H), dtype=jnp.float32) * sc
    bg1 = jnp.zeros((H,), dtype=jnp.float32)
    Wg2 = jax.random.normal(ks[17], (H, 1), dtype=jnp.float32) * sc
    bg2 = jnp.zeros((1,), dtype=jnp.float32)
    return {"node_states": node_states, "edge_states": edge_states, "scalars": scalars,
            "edge_index": edge_index, "batch": batch, "batched_reverse_idx": batched_reverse_idx,
            "training_step": 0, "emb_v": emb_v, "emb_r": emb_r, "emb_edge": emb_edge,
            "emb_static": emb_static, "Wq": Wq, "Wk": Wk, "Wv": Wv, "Wek": Wek, "Wev": Wev,
            "Wc": Wc, "Wg1": Wg1, "bg1": bg1, "Wg2": Wg2, "bg2": bg2}


def reference(node_states, edge_states, scalars, edge_index, batch, batched_reverse_idx, training_step,
              emb_v, emb_r, emb_edge, emb_static, Wq, Wk, Wv, Wek, Wev, Wc, Wg1, bg1, Wg2, bg2):
    src = edge_index[0]
    dst = edge_index[1]
    return forward_core(node_states, edge_states, scalars, src, dst, batched_reverse_idx, batch,
                        emb_v, emb_r, emb_edge, emb_static, Wq, Wk, Wv, Wek, Wev, Wc, Wg1, bg1, Wg2, bg2)

if __name__ == "__main__":
    import jax
    _d = setup_inputs()
    print(jax.jit(kernel)(*tuple(_d.values())))

</pallas_src>

<mosaic_0001>
module attributes {stable_mosaic.version = 14 : i64} {
  func.func @_fold_kernel(%arg0: i32, %arg1: memref<16x256xf32, #tpu.memory_space<vmem>>, %arg2: memref<16x256xf32, #tpu.memory_space<vmem>>, %arg3: memref<4x256xf32, #tpu.memory_space<vmem>>, %arg4: memref<16x256xf32, #tpu.memory_space<vmem>>, %arg5: memref<256x256xf32, #tpu.memory_space<vmem>>, %arg6: memref<256x256xf32, #tpu.memory_space<vmem>>, %arg7: memref<256x256xf32, #tpu.memory_space<vmem>>, %arg8: memref<768x256xf32, #tpu.memory_space<vmem>>, %arg9: memref<256x256xf32, #tpu.memory_space<vmem>>, %arg10: memref<256x256xf32, #tpu.memory_space<vmem>>, %arg11: memref<256x256xf32, #tpu.memory_space<vmem>>, %arg12: memref<1x256xf32, #tpu.memory_space<vmem>>, %arg13: memref<256x1xf32, #tpu.memory_space<vmem>>, %arg14: memref<1x1xf32, #tpu.memory_space<vmem>>, %arg15: memref<16x256xf32, #tpu.memory_space<vmem>>, %arg16: memref<16x256xf32, #tpu.memory_space<vmem>>, %arg17: memref<16x256xf32, #tpu.memory_space<vmem>>, %arg18: memref<16x1xf32, #tpu.memory_space<vmem>>, %arg19: memref<16x256xf32, #tpu.memory_space<vmem>>, %arg20: memref<16x256xf32, #tpu.memory_space<vmem>>, %arg21: memref<4x256xf32, #tpu.memory_space<vmem>>, %arg22: memref<16x256xf32, #tpu.memory_space<vmem>>) attributes {dimension_semantics = [#tpu.dimension_semantics<arbitrary>], iteration_bounds = array<i64: 1>, scalar_prefetch = 0 : i64, scratch_operands = 0 : i64, tpu.core_type = #tpu.core_type<tc>, window_params = [{pipeline_mode = #tpu.pipeline_mode<synchronous>, transform_indices = @transform_0, window_bounds = array<i64: 16, 256>}, {pipeline_mode = #tpu.pipeline_mode<synchronous>, transform_indices = @transform_1, window_bounds = array<i64: 16, 256>}, {pipeline_mode = #tpu.pipeline_mode<synchronous>, transform_indices = @transform_2, window_bounds = array<i64: 4, 256>}, {pipeline_mode = #tpu.pipeline_mode<synchronous>, transform_indices = @transform_3, window_bounds = array<i64: 16, 256>}, {pipeline_mode = #tpu.pipeline_mode<synchronous>, transform_indices = @transform_4, window_bounds = array<i64: 256, 256>}, {pipeline_mode = #tpu.pipeline_mode<synchronous>, transform_indices = @transform_5, window_bounds = array<i64: 256, 256>}, {pipeline_mode = #tpu.pipeline_mode<synchronous>, transform_indices = @transform_6, window_bounds = array<i64: 256, 256>}, {pipeline_mode = #tpu.pipeline_mode<synchronous>, transform_indices = @transform_7, window_bounds = array<i64: 768, 256>}, {pipeline_mode = #tpu.pipeline_mode<synchronous>, transform_indices = @transform_8, window_bounds = array<i64: 256, 256>}, {pipeline_mode = #tpu.pipeline_mode<synchronous>, transform_indices = @transform_9, window_bounds = array<i64: 256, 256>}, {pipeline_mode = #tpu.pipeline_mode<synchronous>, transform_indices = @transform_10, window_bounds = array<i64: 256, 256>}, {pipeline_mode = #tpu.pipeline_mode<synchronous>, transform_indices = @transform_11, window_bounds = array<i64: 1, 256>}, {pipeline_mode = #tpu.pipeline_mode<synchronous>, transform_indices = @transform_12, window_bounds = array<i64: 256, 1>}, {pipeline_mode = #tpu.pipeline_mode<synchronous>, transform_indices = @transform_13, window_bounds = array<i64: 1, 1>}, {pipeline_mode = #tpu.pipeline_mode<synchronous>, transform_indices = @transform_14, window_bounds = array<i64: 16, 256>}, {pipeline_mode = #tpu.pipeline_mode<synchronous>, transform_indices = @transform_15, window_bounds = array<i64: 16, 256>}, {pipeline_mode = #tpu.pipeline_mode<synchronous>, transform_indices = @transform_16, window_bounds = array<i64: 16, 256>}, {pipeline_mode = #tpu.pipeline_mode<synchronous>, transform_indices = @transform_17, window_bounds = array<i64: 16, 1>}, {pipeline_mode = #tpu.pipeline_mode<synchronous>, transform_indices = @transform_18, window_bounds = array<i64: 16, 256>}, {pipeline_mode = #tpu.pipeline_mode<synchronous>, transform_indices = @transform_19, window_bounds = array<i64: 16, 256>}, {pipeline_mode = #tpu.pipeline_mode<synchronous>, transform_indices = @transform_20, window_bounds = array<i64: 4, 256>}, {pipeline_mode = #tpu.pipeline_mode<synchronous>, transform_indices = @transform_21, window_bounds = array<i64: 16, 256>}]} {
    %get3A = arith.constant 0 : index
    %get3A_0 = arith.constant 0 : index
    %get3A_1 = vector.load %arg1[%get3A, %get3A_0] : memref<16x256xf32, #tpu.memory_space<vmem>>, vector<16x256xf32>
    %get3A_2 = arith.constant 0 : index
    %get3A_3 = arith.constant 0 : index
    %get3A_4 = vector.load %arg8[%get3A_2, %get3A_3] : memref<768x256xf32, #tpu.memory_space<vmem>>, vector<768x256xf32>
    %get3A_5 = arith.constant 0 : index
    %get3A_6 = arith.constant 0 : index
    %get3A_7 = vector.load %arg9[%get3A_5, %get3A_6] : memref<256x256xf32, #tpu.memory_space<vmem>>, vector<256x256xf32>
    %get3A_8 = arith.constant 0 : index
    %get3A_9 = arith.constant 0 : index
    %get3A_10 = vector.load %arg2[%get3A_8, %get3A_9] : memref<16x256xf32, #tpu.memory_space<vmem>>, vector<16x256xf32>
    %get3A_11 = arith.constant 0 : index
    %get3A_12 = arith.constant 0 : index
    %get3A_13 = vector.load %arg3[%get3A_11, %get3A_12] : memref<4x256xf32, #tpu.memory_space<vmem>>, vector<4x256xf32>
    %get3A_14 = arith.constant 0 : index
    %get3A_15 = arith.constant 0 : index
    %get3A_16 = vector.load %arg5[%get3A_14, %get3A_15] : memref<256x256xf32, #tpu.memory_space<vmem>>, vector<256x256xf32>
    %dot_general3A = arith.constant dense<0.000000e+00> : vector<16x256xf32>
    %dot_general3A_17 = tpu.matmul %get3A_1, %get3A_16, %dot_general3A {dimension_numbers = #tpu.dot_dimension_numbers<[1], [0], [0], [1], [0, 0, 1, 1], [], []>, transpose_lhs_hint = false} : vector<16x256xf32>, vector<256x256xf32>, vector<16x256xf32> -> vector<16x256xf32>
    %swap3A = arith.constant 0 : index
    %swap3A_18 = arith.constant 0 : index
    %swap3A_19 = vector.load %arg15[%swap3A, %swap3A_18] : memref<16x256xf32, #tpu.memory_space<vmem>>, vector<16x256xf32>
    tpu.vector_store %arg15[%swap3A, %swap3A_18], %dot_general3A_17 {strides = array<i32>} : memref<16x256xf32, #tpu.memory_space<vmem>>, vector<16x256xf32>,
    %get3A_20 = arith.constant 0 : index
    %get3A_21 = arith.constant 0 : index
    %get3A_22 = vector.load %arg6[%get3A_20, %get3A_21] : memref<256x256xf32, #tpu.memory_space<vmem>>, vector<256x256xf32>
    %dot_general3A_23 = arith.constant dense<0.000000e+00> : vector<16x256xf32>
    %dot_general3A_24 = tpu.matmul %get3A_1, %get3A_22, %dot_general3A_23 {dimension_numbers = #tpu.dot_dimension_numbers<[1], [0], [0], [1], [0, 0, 1, 1], [], []>, transpose_lhs_hint = false} : vector<16x256xf32>, vector<256x256xf32>, vector<16x256xf32> -> vector<16x256xf32>
    %swap3A_25 = arith.constant 0 : index
    %swap3A_26 = arith.constant 0 : index
    %swap3A_27 = vector.load %arg16[%swap3A_25, %swap3A_26] : memref<16x256xf32, #tpu.memory_space<vmem>>, vector<16x256xf32>
    tpu.vector_store %arg16[%swap3A_25, %swap3A_26], %dot_general3A_24 {strides = array<i32>} : memref<16x256xf32, #tpu.memory_space<vmem>>, vector<16x256xf32>,
    %get3A_28 = arith.constant 0 : index
    %get3A_29 = arith.constant 0 : index
    %get3A_30 = vector.load %arg7[%get3A_28, %get3A_29] : memref<256x256xf32, #tpu.memory_space<vmem>>, vector<256x256xf32>
    %dot_general3A_31 = arith.constant dense<0.000000e+00> : vector<16x256xf32>
    %dot_general3A_32 = tpu.matmul %get3A_1, %get3A_30, %dot_general3A_31 {dimension_numbers = #tpu.dot_dimension_numbers<[1], [0], [0], [1], [0, 0, 1, 1], [], []>, transpose_lhs_hint = false} : vector<16x256xf32>, vector<256x256xf32>, vector<16x256xf32> -> vector<16x256xf32>
    %swap3A_33 = arith.constant 0 : index
    %swap3A_34 = arith.constant 0 : index
    %swap3A_35 = vector.load %arg17[%swap3A_33, %swap3A_34] : memref<16x256xf32, #tpu.memory_space<vmem>>, vector<16x256xf32>
    tpu.vector_store %arg17[%swap3A_33, %swap3A_34], %dot_general3A_32 {strides = array<i32>} : memref<16x256xf32, #tpu.memory_space<vmem>>, vector<16x256xf32>,
    %get3A_36 = arith.constant 0 : index
    %get3A_37 = arith.constant 0 : index
    %get3A_38 = vector.load %arg11[%get3A_36, %get3A_37] : memref<256x256xf32, #tpu.memory_space<vmem>>, vector<256x256xf32>
    %dot_general3A_39 = arith.constant dense<0.000000e+00> : vector<16x256xf32>
    %dot_general3A_40 = tpu.matmul %get3A_1, %get3A_38, %dot_general3A_39 {dimension_numbers = #tpu.dot_dimension_numbers<[1], [0], [0], [1], [0, 0, 1, 1], [], []>, transpose_lhs_hint = false} : vector<16x256xf32>, vector<256x256xf32>, vector<16x256xf32> -> vector<16x256xf32>
    %get3A_41 = arith.constant 0 : index
    %get3A_42 = arith.constant 0 : index
    %get3A_43 = vector.load %arg12[%get3A_41, %get3A_42] : memref<1x256xf32, #tpu.memory_space<vmem>>, vector<1x256xf32>
    %add3A = vector.broadcast %get3A_43 : vector<1x256xf32> to vector<16x256xf32>
    %add3A_44 = arith.addf %dot_general3A_40, %add3A : vector<16x256xf32>
    %max3A = arith.constant 0.000000e+00 : f32
    %max3A_45 = vector.broadcast %max3A : f32 to vector<16x256xf32>
    %max3A_46 = arith.maximumf %add3A_44, %max3A_45 : vector<16x256xf32>
    %get3A_47 = arith.constant 0 : index
    %get3A_48 = arith.constant 0 : index
    %get3A_49 = vector.load %arg13[%get3A_47, %get3A_48] : memref<256x1xf32, #tpu.memory_space<vmem>>, vector<256x1xf32>
    %dot_general3A_50 = arith.constant dense<0.000000e+00> : vector<16x1xf32>
    %dot_general3A_51 = tpu.matmul %max3A_46, %get3A_49, %dot_general3A_50 {dimension_numbers = #tpu.dot_dimension_numbers<[1], [0], [0], [1], [0, 0, 1, 1], [], []>, transpose_lhs_hint = false} : vector<16x256xf32>, vector<256x1xf32>, vector<16x1xf32> -> vector<16x1xf32>
    %get3A_52 = arith.constant 0 : index
    %get3A_53 = arith.constant 0 : index
    %get3A_54 = vector.load %arg14[%get3A_52, %get3A_53] : memref<1x1xf32, #tpu.memory_space<vmem>>, vector<1x1xf32>
    %add3A_55 = vector.broadcast %get3A_54 : vector<1x1xf32> to vector<16x1xf32>
    %add3A_56 = arith.addf %dot_general3A_51, %add3A_55 : vector<16x1xf32>
    %logistic3A = arith.negf %add3A_56 : vector<16x1xf32>
    %logistic3A_57 = math.exp %logistic3A : vector<16x1xf32>
    %logistic3A_58 = arith.constant 1.000000e+00 : f32
    %logistic3A_59 = vector.broadcast %logistic3A_58 : f32 to vector<16x1xf32>
    %logistic3A_60 = arith.addf %logistic3A_59, %logistic3A_57 : vector<16x1xf32>
    %logistic3A_61 = arith.divf %logistic3A_59, %logistic3A_60 : vector<16x1xf32>
    %swap3A_62 = arith.constant 0 : index
    %swap3A_63 = arith.constant 0 : index
    %swap3A_64 = vector.load %arg18[%swap3A_62, %swap3A_63] : memref<16x1xf32, #tpu.memory_space<vmem>>, vector<16x1xf32>
    tpu.vector_store %arg18[%swap3A_62, %swap3A_63], %logistic3A_61 {strides = array<i32>} : memref<16x1xf32, #tpu.memory_space<vmem>>, vector<16x1xf32>,
    %slice3A = vector.extract_strided_slice %get3A_4 {offsets = [0, 0], sizes = [256, 256], strides = [1, 1]} : vector<768x256xf32> to vector<256x256xf32>
    %dot_general3A_65 = arith.constant dense<0.000000e+00> : vector<16x256xf32>
    %dot_general3A_66 = tpu.matmul %get3A_10, %slice3A, %dot_general3A_65 {dimension_numbers = #tpu.dot_dimension_numbers<[1], [0], [0], [1], [0, 0, 1, 1], [], []>, transpose_lhs_hint = false} : vector<16x256xf32>, vector<256x256xf32>, vector<16x256xf32> -> vector<16x256xf32>
    %dot_general3A_67 = arith.constant dense<0.000000e+00> : vector<16x256xf32>
    %dot_general3A_68 = tpu.matmul %dot_general3A_66, %get3A_7, %dot_general3A_67 {dimension_numbers = #tpu.dot_dimension_numbers<[1], [0], [0], [1], [0, 0, 1, 1], [], []>, transpose_lhs_hint = false} : vector<16x256xf32>, vector<256x256xf32>, vector<16x256xf32> -> vector<16x256xf32>
    %swap3A_69 = arith.constant 0 : index
    %swap3A_70 = arith.constant 0 : index
    %swap3A_71 = vector.load %arg19[%swap3A_69, %swap3A_70] : memref<16x256xf32, #tpu.memory_space<vmem>>, vector<16x256xf32>
    tpu.vector_store %arg19[%swap3A_69, %swap3A_70], %dot_general3A_68 {strides = array<i32>} : memref<16x256xf32, #tpu.memory_space<vmem>>, vector<16x256xf32>,
    %slice3A_72 = vector.extract_strided_slice %get3A_4 {offsets = [256, 0], sizes = [256, 256], strides = [1, 1]} : vector<768x256xf32> to vector<256x256xf32>
    %dot_general3A_73 = arith.constant dense<0.000000e+00> : vector<16x256xf32>
    %dot_general3A_74 = tpu.matmul %get3A_10, %slice3A_72, %dot_general3A_73 {dimension_numbers = #tpu.dot_dimension_numbers<[1], [0], [0], [1], [0, 0, 1, 1], [], []>, transpose_lhs_hint = false} : vector<16x256xf32>, vector<256x256xf32>, vector<16x256xf32> -> vector<16x256xf32>
    %dot_general3A_75 = arith.constant dense<0.000000e+00> : vector<16x256xf32>
    %dot_general3A_76 = tpu.matmul %dot_general3A_74, %get3A_7, %dot_general3A_75 {dimension_numbers = #tpu.dot_dimension_numbers<[1], [0], [0], [1], [0, 0, 1, 1], [], []>, transpose_lhs_hint = false} : vector<16x256xf32>, vector<256x256xf32>, vector<16x256xf32> -> vector<16x256xf32>
    %swap3A_77 = arith.constant 0 : index
    %swap3A_78 = arith.constant 0 : index
    %swap3A_79 = vector.load %arg20[%swap3A_77, %swap3A_78] : memref<16x256xf32, #tpu.memory_space<vmem>>, vector<16x256xf32>
    tpu.vector_store %arg20[%swap3A_77, %swap3A_78], %dot_general3A_76 {strides = array<i32>} : memref<16x256xf32, #tpu.memory_space<vmem>>, vector<16x256xf32>,
    %slice3A_80 = vector.extract_strided_slice %get3A_4 {offsets = [512, 0], sizes = [256, 256], strides = [1, 1]} : vector<768x256xf32> to vector<256x256xf32>
    %dot_general3A_81 = arith.constant dense<0.000000e+00> : vector<4x256xf32>
    %dot_general3A_82 = tpu.matmul %get3A_13, %slice3A_80, %dot_general3A_81 {dimension_numbers = #tpu.dot_dimension_numbers<[1], [0], [0], [1], [0, 0, 1, 1], [], []>, transpose_lhs_hint = false} : vector<4x256xf32>, vector<256x256xf32>, vector<4x256xf32> -> vector<4x256xf32>
    %dot_general3A_83 = arith.constant dense<0.000000e+00> : vector<4x256xf32>
    %dot_general3A_84 = tpu.matmul %dot_general3A_82, %get3A_7, %dot_general3A_83 {dimension_numbers = #tpu.dot_dimension_numbers<[1], [0], [0], [1], [0, 0, 1, 1], [], []>, transpose_lhs_hint = false} : vector<4x256xf32>, vector<256x256xf32>, vector<4x256xf32> -> vector<4x256xf32>
    %swap3A_85 = arith.constant 0 : index
    %swap3A_86 = arith.constant 0 : index
    %swap3A_87 = vector.load %arg21[%swap3A_85, %swap3A_86] : memref<4x256xf32, #tpu.memory_space<vmem>>, vector<4x256xf32>
    tpu.vector_store %arg21[%swap3A_85, %swap3A_86], %dot_general3A_84 {strides = array<i32>} : memref<4x256xf32, #tpu.memory_space<vmem>>, vector<4x256xf32>,
    %get3A_88 = arith.constant 0 : index
    %get3A_89 = arith.constant 0 : index
    %get3A_90 = vector.load %arg4[%get3A_88, %get3A_89] : memref<16x256xf32, #tpu.memory_space<vmem>>, vector<16x256xf32>
    %get3A_91 = arith.constant 0 : index
    %get3A_92 = arith.constant 0 : index
    %get3A_93 = vector.load %arg10[%get3A_91, %get3A_92] : memref<256x256xf32, #tpu.memory_space<vmem>>, vector<256x256xf32>
    %dot_general3A_94 = arith.constant dense<0.000000e+00> : vector<16x256xf32>
    %dot_general3A_95 = tpu.matmul %get3A_90, %get3A_93, %dot_general3A_94 {dimension_numbers = #tpu.dot_dimension_numbers<[1], [0], [0], [1], [0, 0, 1, 1], [], []>, transpose_lhs_hint = false} : vector<16x256xf32>, vector<256x256xf32>, vector<16x256xf32> -> vector<16x256xf32>
    %swap3A_96 = arith.constant 0 : index
    %swap3A_97 = arith.constant 0 : index
    %swap3A_98 = vector.load %arg22[%swap3A_96, %swap3A_97] : memref<16x256xf32, #tpu.memory_space<vmem>>, vector<16x256xf32>
    tpu.vector_store %arg22[%swap3A_96, %swap3A_97], %dot_general3A_95 {strides = array<i32>} : memref<16x256xf32, #tpu.memory_space<vmem>>, vector<16x256xf32>,
    return
  }
  func.func @transform_0(%arg0: i32) -> (i32, i32) {
    %c0_i32 = arith.constant 0 : i32
    %c0_i32_0 = arith.constant 0 : i32
    %c0_i32_1 = arith.constant 0 : i32
    return %c0_i32, %c0_i32_0 : i32, i32
  }
  func.func @transform_1(%arg0: i32) -> (i32, i32) {
    %c0_i32 = arith.constant 0 : i32
    %c0_i32_0 = arith.constant 0 : i32
    %c0_i32_1 = arith.constant 0 : i32
    return %c0_i32, %c0_i32_0 : i32, i32
  }
  func.func @transform_2(%arg0: i32) -> (i32, i32) {
    %c0_i32 = arith.constant 0 : i32
    %c0_i32_0 = arith.constant 0 : i32
    %c0_i32_1 = arith.constant 0 : i32
    return %c0_i32, %c0_i32_0 : i32, i32
  }
  func.func @transform_3(%arg0: i32) -> (i32, i32) {
    %c0_i32 = arith.constant 0 : i32
    %c0_i32_0 = arith.constant 0 : i32
    %c0_i32_1 = arith.constant 0 : i32
    return %c0_i32, %c0_i32_0 : i32, i32
  }
  func.func @transform_4(%arg0: i32) -> (i32, i32) {
    %c0_i32 = arith.constant 0 : i32
    %c0_i32_0 = arith.constant 0 : i32
    %c0_i32_1 = arith.constant 0 : i32
    return %c0_i32, %c0_i32_0 : i32, i32
  }
  func.func @transform_5(%arg0: i32) -> (i32, i32) {
    %c0_i32 = arith.constant 0 : i32
    %c0_i32_0 = arith.constant 0 : i32
    %c0_i32_1 = arith.constant 0 : i32
    return %c0_i32, %c0_i32_0 : i32, i32
  }
  func.func @transform_6(%arg0: i32) -> (i32, i32) {
    %c0_i32 = arith.constant 0 : i32
    %c0_i32_0 = arith.constant 0 : i32
    %c0_i32_1 = arith.constant 0 : i32
    return %c0_i32, %c0_i32_0 : i32, i32
  }
  func.func @transform_7(%arg0: i32) -> (i32, i32) {
    %c0_i32 = arith.constant 0 : i32
    %c0_i32_0 = arith.constant 0 : i32
    %c0_i32_1 = arith.constant 0 : i32
    return %c0_i32, %c0_i32_0 : i32, i32
  }
  func.func @transform_8(%arg0: i32) -> (i32, i32) {
    %c0_i32 = arith.constant 0 : i32
    %c0_i32_0 = arith.constant 0 : i32
    %c0_i32_1 = arith.constant 0 : i32
    return %c0_i32, %c0_i32_0 : i32, i32
  }
  func.func @transform_9(%arg0: i32) -> (i32, i32) {
    %c0_i32 = arith.constant 0 : i32
    %c0_i32_0 = arith.constant 0 : i32
    %c0_i32_1 = arith.constant 0 : i32
    return %c0_i32, %c0_i32_0 : i32, i32
  }
  func.func @transform_10(%arg0: i32) -> (i32, i32) {
    %c0_i32 = arith.constant 0 : i32
    %c0_i32_0 = arith.constant 0 : i32
    %c0_i32_1 = arith.constant 0 : i32
    return %c0_i32, %c0_i32_0 : i32, i32
  }
  func.func @transform_11(%arg0: i32) -> (i32, i32) {
    %c0_i32 = arith.constant 0 : i32
    %c0_i32_0 = arith.constant 0 : i32
    %c0_i32_1 = arith.constant 0 : i32
    return %c0_i32, %c0_i32_0 : i32, i32
  }
  func.func @transform_12(%arg0: i32) -> (i32, i32) {
    %c0_i32 = arith.constant 0 : i32
    %c0_i32_0 = arith.constant 0 : i32
    %c0_i32_1 = arith.constant 0 : i32
    return %c0_i32, %c0_i32_0 : i32, i32
  }
  func.func @transform_13(%arg0: i32) -> (i32, i32) {
    %c0_i32 = arith.constant 0 : i32
    %c0_i32_0 = arith.constant 0 : i32
    %c0_i32_1 = arith.constant 0 : i32
    return %c0_i32, %c0_i32_0 : i32, i32
  }
  func.func @transform_14(%arg0: i32) -> (i32, i32) {
    %c0_i32 = arith.constant 0 : i32
    %c0_i32_0 = arith.constant 0 : i32
    %c0_i32_1 = arith.constant 0 : i32
    return %c0_i32, %c0_i32_0 : i32, i32
  }
  func.func @transform_15(%arg0: i32) -> (i32, i32) {
    %c0_i32 = arith.constant 0 : i32
    %c0_i32_0 = arith.constant 0 : i32
    %c0_i32_1 = arith.constant 0 : i32
    return %c0_i32, %c0_i32_0 : i32, i32
  }
  func.func @transform_16(%arg0: i32) -> (i32, i32) {
    %c0_i32 = arith.constant 0 : i32
    %c0_i32_0 = arith.constant 0 : i32
    %c0_i32_1 = arith.constant 0 : i32
    return %c0_i32, %c0_i32_0 : i32, i32
  }
  func.func @transform_17(%arg0: i32) -> (i32, i32) {
    %c0_i32 = arith.constant 0 : i32
    %c0_i32_0 = arith.constant 0 : i32
    %c0_i32_1 = arith.constant 0 : i32
    return %c0_i32, %c0_i32_0 : i32, i32
  }
  func.func @transform_18(%arg0: i32) -> (i32, i32) {
    %c0_i32 = arith.constant 0 : i32
    %c0_i32_0 = arith.constant 0 : i32
    %c0_i32_1 = arith.constant 0 : i32
    return %c0_i32, %c0_i32_0 : i32, i32
  }
  func.func @transform_19(%arg0: i32) -> (i32, i32) {
    %c0_i32 = arith.constant 0 : i32
    %c0_i32_0 = arith.constant 0 : i32
    %c0_i32_1 = arith.constant 0 : i32
    return %c0_i32, %c0_i32_0 : i32, i32
  }
  func.func @transform_20(%arg0: i32) -> (i32, i32) {
    %c0_i32 = arith.constant 0 : i32
    %c0_i32_0 = arith.constant 0 : i32
    %c0_i32_1 = arith.constant 0 : i32
    return %c0_i32, %c0_i32_0 : i32, i32
  }
  func.func @transform_21(%arg0: i32) -> (i32, i32) {
    %c0_i32 = arith.constant 0 : i32
    %c0_i32_0 = arith.constant 0 : i32
    %c0_i32_1 = arith.constant 0 : i32
    return %c0_i32, %c0_i32_0 : i32, i32
  }
}

module attributes {stable_mosaic.version = 14 : i64} {
  func.func @_attn_kernel(%arg0: i32, %arg1: memref<400x1xi32, #tpu.memory_space<vmem>>, %arg2: memref<400x16xi32, #tpu.memory_space<vmem>>, %arg3: memref<400x16xi32, #tpu.memory_space<vmem>>, %arg4: memref<400x16xi32, #tpu.memory_space<vmem>>, %arg5: memref<400x16xi32, #tpu.memory_space<vmem>>, %arg6: memref<400x16xf32, #tpu.memory_space<vmem>>, %arg7: memref<400x16xf32, #tpu.memory_space<vmem>>, %arg8: memref<400x1xf32, #tpu.memory_space<vmem>>, %arg9: memref<16x256xf32, #tpu.memory_space<vmem>>, %arg10: memref<16x256xf32, #tpu.memory_space<vmem>>, %arg11: memref<16x256xf32, #tpu.memory_space<vmem>>, %arg12: memref<16x256xf32, #tpu.memory_space<vmem>>, %arg13: memref<16x1xf32, #tpu.memory_space<vmem>>, %arg14: memref<16x256xf32, #tpu.memory_space<vmem>>, %arg15: memref<16x256xf32, #tpu.memory_space<vmem>>, %arg16: memref<4x256xf32, #tpu.memory_space<vmem>>, %arg17: memref<16x256xf32, #tpu.memory_space<vmem>>, %arg18: memref<16x256xf32, #tpu.memory_space<vmem>>, %arg19: memref<400x256xf32, #tpu.memory_space<vmem>>, %arg20: memref<400x4096xf32, #tpu.memory_space<vmem>>) attributes {dimension_semantics = [#tpu.dimension_semantics<arbitrary>], iteration_bounds = array<i64: 25>, scalar_prefetch = 0 : i64, scratch_operands = 0 : i64, tpu.core_type = #tpu.core_type<tc>, window_params = [{transform_indices = @transform_0, window_bounds = array<i64: 400, 1>}, {transform_indices = @transform_1, window_bounds = array<i64: 400, 16>}, {transform_indices = @transform_2, window_bounds = array<i64: 400, 16>}, {transform_indices = @transform_3, window_bounds = array<i64: 400, 16>}, {transform_indices = @transform_4, window_bounds = array<i64: 400, 16>}, {transform_indices = @transform_5, window_bounds = array<i64: 400, 16>}, {transform_indices = @transform_6, window_bounds = array<i64: 400, 16>}, {transform_indices = @transform_7, window_bounds = array<i64: 400, 1>}, {pipeline_mode = #tpu.pipeline_mode<synchronous>, transform_indices = @transform_8, window_bounds = array<i64: 16, 256>}, {pipeline_mode = #tpu.pipeline_mode<synchronous>, transform_indices = @transform_9, window_bounds = array<i64: 16, 256>}, {pipeline_mode = #tpu.pipeline_mode<synchronous>, transform_indices = @transform_10, window_bounds = array<i64: 16, 256>}, {pipeline_mode = #tpu.pipeline_mode<synchronous>, transform_indices = @transform_11, window_bounds = array<i64: 16, 256>}, {pipeline_mode = #tpu.pipeline_mode<synchronous>, transform_indices = @transform_12, window_bounds = array<i64: 16, 1>}, {pipeline_mode = #tpu.pipeline_mode<synchronous>, transform_indices = @transform_13, window_bounds = array<i64: 16, 256>}, {pipeline_mode = #tpu.pipeline_mode<synchronous>, transform_indices = @transform_14, window_bounds = array<i64: 16, 256>}, {pipeline_mode = #tpu.pipeline_mode<synchronous>, transform_indices = @transform_15, window_bounds = array<i64: 4, 256>}, {pipeline_mode = #tpu.pipeline_mode<synchronous>, transform_indices = @transform_16, window_bounds = array<i64: 16, 256>}, {pipeline_mode = #tpu.pipeline_mode<synchronous>, transform_indices = @transform_17, window_bounds = array<i64: 16, 256>}, {transform_indices = @transform_18, window_bounds = array<i64: 400, 256>}, {transform_indices = @transform_19, window_bounds = array<i64: 400, 4096>}]} {
    %get3A = arith.constant 0 : index
    %get3A_0 = arith.constant 0 : index
    %get3A_1 = vector.load %arg8[%get3A, %get3A_0] : memref<400x1xf32, #tpu.memory_space<vmem>>, vector<400x1xf32>
    %get3A_2 = arith.constant 0 : index
    %get3A_3 = arith.constant 0 : index
    %get3A_4 = vector.load %arg6[%get3A_2, %get3A_3] : memref<400x16xf32, #tpu.memory_space<vmem>>, vector<400x16xf32>
    %get3A_5 = arith.constant 0 : index
    %get3A_6 = arith.constant 0 : index
    %get3A_7 = vector.load %arg7[%get3A_5, %get3A_6] : memref<400x16xf32, #tpu.memory_space<vmem>>, vector<400x16xf32>
    %get3A_8 = arith.constant 0 : index
    %get3A_9 = arith.constant 0 : index
    %get3A_10 = vector.load %arg5[%get3A_8, %get3A_9] : memref<400x16xi32, #tpu.memory_space<vmem>>, vector<400x16xi32>
    %get3A_11 = arith.constant 0 : index
    %get3A_12 = arith.constant 0 : index
    %get3A_13 = vector.load %arg3[%get3A_11, %get3A_12] : memref<400x16xi32, #tpu.memory_space<vmem>>, vector<400x16xi32>
    %get3A_14 = arith.constant 0 : index
    %get3A_15 = arith.constant 0 : index
    %get3A_16 = vector.load %arg4[%get3A_14, %get3A_15] : memref<400x16xi32, #tpu.memory_space<vmem>>, vector<400x16xi32>
    %get3A_17 = arith.constant 0 : index
    %get3A_18 = arith.constant 0 : index
    %get3A_19 = vector.load %arg2[%get3A_17, %get3A_18] : memref<400x16xi32, #tpu.memory_space<vmem>>, vector<400x16xi32>
    %get3A_20 = arith.constant 0 : index
    %get3A_21 = arith.constant 0 : index
    %get3A_22 = vector.load %arg10[%get3A_20, %get3A_21] : memref<16x256xf32, #tpu.memory_space<vmem>>, vector<16x256xf32>
    %get3A_23 = arith.constant 0 : index
    %get3A_24 = arith.constant 0 : index
    %get3A_25 = vector.load %arg11[%get3A_23, %get3A_24] : memref<16x256xf32, #tpu.memory_space<vmem>>, vector<16x256xf32>
    %get3A_26 = arith.constant 0 : index
    %get3A_27 = arith.constant 0 : index
    %get3A_28 = vector.load %arg12[%get3A_26, %get3A_27] : memref<16x256xf32, #tpu.memory_space<vmem>>, vector<16x256xf32>
    %get3A_29 = arith.constant 0 : index
    %get3A_30 = arith.constant 0 : index
    %get3A_31 = vector.load %arg13[%get3A_29, %get3A_30] : memref<16x1xf32, #tpu.memory_space<vmem>>, vector<16x1xf32>
    %get3A_32 = arith.constant 0 : index
    %get3A_33 = arith.constant 0 : index
    %get3A_34 = vector.load %arg14[%get3A_32, %get3A_33] : memref<16x256xf32, #tpu.memory_space<vmem>>, vector<16x256xf32>
    %get3A_35 = arith.constant 0 : index
    %get3A_36 = arith.constant 0 : index
    %get3A_37 = vector.load %arg15[%get3A_35, %get3A_36] : memref<16x256xf32, #tpu.memory_space<vmem>>, vector<16x256xf32>
    %get3A_38 = arith.constant 0 : index
    %get3A_39 = arith.constant 0 : index
    %get3A_40 = vector.load %arg16[%get3A_38, %get3A_39] : memref<4x256xf32, #tpu.memory_space<vmem>>, vector<4x256xf32>
    %get3A_41 = arith.constant 0 : index
    %get3A_42 = arith.constant 0 : index
    %get3A_43 = vector.load %arg17[%get3A_41, %get3A_42] : memref<16x256xf32, #tpu.memory_space<vmem>>, vector<16x256xf32>
    %get3A_44 = arith.constant 0 : index
    %get3A_45 = arith.constant 0 : index
    %get3A_46 = vector.load %arg18[%get3A_44, %get3A_45] : memref<16x256xf32, #tpu.memory_space<vmem>>, vector<16x256xf32>
    %iota3A = tpu.iota {dimensions = array<i32: 1>} : vector<400x16xi32>
    %iota3A_47 = tpu.iota {dimensions = array<i32: 1>} : vector<400x4xi32>
    %get3A_48 = arith.constant 0 : index
    %get3A_49 = arith.constant 0 : index
    %get3A_50 = vector.load %arg1[%get3A_48, %get3A_49] : memref<400x1xi32, #tpu.memory_space<vmem>>, vector<400x1xi32>
    %eq3A = vector.broadcast %get3A_50 : vector<400x1xi32> to vector<400x16xi32>
    %eq3A_51 = arith.cmpi eq, %eq3A, %iota3A : vector<400x16xi32>
    %convert_element_type3A = arith.extui %eq3A_51 : vector<400x16xi1> to vector<400x16xi32>
    %convert_element_type3A_52 = arith.sitofp %convert_element_type3A : vector<400x16xi32> to vector<400x16xf32>
    %get3A_53 = arith.constant 0 : index
    %get3A_54 = arith.constant 0 : index
    %get3A_55 = vector.load %arg9[%get3A_53, %get3A_54] : memref<16x256xf32, #tpu.memory_space<vmem>>, vector<16x256xf32>
    %dot_general3A = arith.constant dense<0.000000e+00> : vector<400x256xf32>
    %dot_general3A_56 = tpu.matmul %convert_element_type3A_52, %get3A_55, %dot_general3A {dimension_numbers = #tpu.dot_dimension_numbers<[1], [0], [0], [1], [0, 0, 1, 1], [], []>, transpose_lhs_hint = false} : vector<400x16xf32>, vector<16x256xf32>, vector<400x256xf32> -> vector<400x256xf32>
    %dot_general3A_57 = arith.constant dense<0.000000e+00> : vector<400x256xf32>
    %dot_general3A_58 = tpu.matmul %convert_element_type3A_52, %get3A_22, %dot_general3A_57 {dimension_numbers = #tpu.dot_dimension_numbers<[1], [0], [0], [1], [0, 0, 1, 1], [], []>, transpose_lhs_hint = false} : vector<400x16xf32>, vector<16x256xf32>, vector<400x256xf32> -> vector<400x256xf32>
    %dot_general3A_59 = arith.constant dense<0.000000e+00> : vector<400x256xf32>
    %dot_general3A_60 = tpu.matmul %convert_element_type3A_52, %get3A_25, %dot_general3A_59 {dimension_numbers = #tpu.dot_dimension_numbers<[1], [0], [0], [1], [0, 0, 1, 1], [], []>, transpose_lhs_hint = false} : vector<400x16xf32>, vector<16x256xf32>, vector<400x256xf32> -> vector<400x256xf32>
    %dot_general3A_61 = arith.constant dense<0.000000e+00> : vector<400x256xf32>
    %dot_general3A_62 = tpu.matmul %convert_element_type3A_52, %get3A_28, %dot_general3A_61 {dimension_numbers = #tpu.dot_dimension_numbers<[1], [0], [0], [1], [0, 0, 1, 1], [], []>, transpose_lhs_hint = false} : vector<400x16xf32>, vector<16x256xf32>, vector<400x256xf32> -> vector<400x256xf32>
    %dot_general3A_63 = arith.constant dense<0.000000e+00> : vector<400x1xf32>
    %dot_general3A_64 = tpu.matmul %convert_element_type3A_52, %get3A_31, %dot_general3A_63 {dimension_numbers = #tpu.dot_dimension_numbers<[1], [0], [0], [1], [0, 0, 1, 1], [], []>, transpose_lhs_hint = false} : vector<400x16xf32>, vector<16x1xf32>, vector<400x1xf32> -> vector<400x1xf32>
    %lt3A = vector.broadcast %get3A_1 : vector<400x1xf32> to vector<400x16xf32>
    %lt3A_65 = arith.cmpf olt, %get3A_4, %lt3A : vector<400x16xf32>
    %convert_element_type3A_66 = arith.extui %lt3A_65 : vector<400x16xi1> to vector<400x16xi32>
    %add3A = arith.addf %get3A_7, %get3A_4 : vector<400x16xf32>
    %lt3A_67 = vector.broadcast %get3A_1 : vector<400x1xf32> to vector<400x16xf32>
    %lt3A_68 = arith.cmpf olt, %add3A, %lt3A_67 : vector<400x16xf32>
    %convert_element_type3A_69 = arith.extui %lt3A_68 : vector<400x16xi1> to vector<400x16xi32>
    %mul3A = arith.constant 2 : i32
    %mul3A_70 = vector.broadcast %mul3A : i32 to vector<400x16xi32>
    %mul3A_71 = arith.muli %mul3A_70, %convert_element_type3A_69 : vector<400x16xi32>
    %add3A_72 = arith.addi %convert_element_type3A_66, %mul3A_71 : vector<400x16xi32>
    %mul3A_73 = arith.mulf %dot_general3A_58, %dot_general3A_60 : vector<400x256xf32>
    %reduce_sum3A = arith.constant dense<0.000000e+00> : vector<400xf32>
    %reduce_sum3A_74 = vector.multi_reduction <add>, %mul3A_73, %reduce_sum3A [1] : vector<400x256xf32> to vector<400xf32>
    %broadcast_in_dim3A = vector.shape_cast %reduce_sum3A_74 : vector<400xf32> to vector<400x1xf32>
    %mul3A_75 = arith.constant 6.250000e-02 : f32
    %mul3A_76 = vector.broadcast %mul3A_75 : f32 to vector<400x1xf32>
    %mul3A_77 = arith.mulf %broadcast_in_dim3A, %mul3A_76 : vector<400x1xf32>
    %slice3A = vector.extract_strided_slice %get3A_4 {offsets = [0, 0], sizes = [400, 1], strides = [1, 1]} : vector<400x16xf32> to vector<400x1xf32>
    %slice3A_78 = vector.extract_strided_slice %get3A_10 {offsets = [0, 0], sizes = [400, 1], strides = [1, 1]} : vector<400x16xi32> to vector<400x1xi32>
    %eq3A_79 = vector.broadcast %slice3A_78 : vector<400x1xi32> to vector<400x16xi32>
    %eq3A_80 = arith.cmpi eq, %get3A_10, %eq3A_79 : vector<400x16xi32>
    %jit3A = arith.constant 1.000000e+09 : f32
    %broadcast_in_dim3A_81 = vector.broadcast %jit3A : f32 to vector<400x16xf32>
    %select_n3A = arith.select %eq3A_80, %get3A_4, %broadcast_in_dim3A_81 : vector<400x16xi1>, vector<400x16xf32>
    %reduce_min3A = arith.constant dense<0x7F800000> : vector<400xf32>
    %reduce_min3A_82 = vector.multi_reduction <minimumf>, %select_n3A, %reduce_min3A [1] : vector<400x16xf32> to vector<400xf32>
    %broadcast_in_dim3A_83 = vector.shape_cast %reduce_min3A_82 : vector<400xf32> to vector<400x1xf32>
    %eq3A_84 = arith.cmpf oeq, %slice3A, %broadcast_in_dim3A_83 : vector<400x1xf32>
    %convert_element_type3A_85 = arith.extui %eq3A_84 : vector<400x1xi1> to vector<400x1xi32>
    %add3A_86 = arith.addi %slice3A_78, %convert_element_type3A_85 : vector<400x1xi32>
    %eq3A_87 = vector.broadcast %add3A_86 : vector<400x1xi32> to vector<400x16xi32>
    %eq3A_88 = arith.cmpi eq, %eq3A_87, %iota3A : vector<400x16xi32>
    %convert_element_type3A_89 = arith.extui %eq3A_88 : vector<400x16xi1> to vector<400x16xi32>
    %convert_element_type3A_90 = arith.sitofp %convert_element_type3A_89 : vector<400x16xi32> to vector<400x16xf32>
    %slice3A_91 = vector.extract_strided_slice %get3A_13 {offsets = [0, 0], sizes = [400, 1], strides = [1, 1]} : vector<400x16xi32> to vector<400x1xi32>
    %eq3A_92 = vector.broadcast %slice3A_91 : vector<400x1xi32> to vector<400x16xi32>
    %eq3A_93 = arith.cmpi eq, %eq3A_92, %iota3A : vector<400x16xi32>
    %convert_element_type3A_94 = arith.extui %eq3A_93 : vector<400x16xi1> to vector<400x16xi32>
    %convert_element_type3A_95 = arith.sitofp %convert_element_type3A_94 : vector<400x16xi32> to vector<400x16xf32>
    %slice3A_96 = vector.extract_strided_slice %get3A_16 {offsets = [0, 0], sizes = [400, 1], strides = [1, 1]} : vector<400x16xi32> to vector<400x1xi32>
    %eq3A_97 = vector.broadcast %slice3A_96 : vector<400x1xi32> to vector<400x16xi32>
    %eq3A_98 = arith.cmpi eq, %eq3A_97, %iota3A : vector<400x16xi32>
    %convert_element_type3A_99 = arith.extui %eq3A_98 : vector<400x16xi1> to vector<400x16xi32>
    %convert_element_type3A_100 = arith.sitofp %convert_element_type3A_99 : vector<400x16xi32> to vector<400x16xf32>
    %slice3A_101 = vector.extract_strided_slice %add3A_72 {offsets = [0, 0], sizes = [400, 1], strides = [1, 1]} : vector<400x16xi32> to vector<400x1xi32>
    %eq3A_102 = vector.broadcast %slice3A_101 : vector<400x1xi32> to vector<400x4xi32>
    %eq3A_103 = arith.cmpi eq, %eq3A_102, %iota3A_47 : vector<400x4xi32>
    %convert_element_type3A_104 = arith.extui %eq3A_103 : vector<400x4xi1> to vector<400x4xi32>
    %convert_element_type3A_105 = arith.sitofp %convert_element_type3A_104 : vector<400x4xi32> to vector<400x4xf32>
    %slice3A_106 = vector.extract_strided_slice %get3A_19 {offsets = [0, 0], sizes = [400, 1], strides = [1, 1]} : vector<400x16xi32> to vector<400x1xi32>
    %eq3A_107 = vector.broadcast %slice3A_106 : vector<400x1xi32> to vector<400x16xi32>
    %eq3A_108 = arith.cmpi eq, %eq3A_107, %iota3A : vector<400x16xi32>
    %convert_element_type3A_109 = arith.extui %eq3A_108 : vector<400x16xi1> to vector<400x16xi32>
    %convert_element_type3A_110 = arith.sitofp %convert_element_type3A_109 : vector<400x16xi32> to vector<400x16xf32>
    %dot_general3A_111 = arith.constant dense<0.000000e+00> : vector<400x256xf32>
    %dot_general3A_112 = tpu.matmul %convert_element_type3A_95, %get3A_46, %dot_general3A_111 {dimension_numbers = #tpu.dot_dimension_numbers<[1], [0], [0], [1], [0, 0, 1, 1], [], []>, transpose_lhs_hint = false} : vector<400x16xf32>, vector<16x256xf32>, vector<400x256xf32> -> vector<400x256xf32>
    %dot_general3A_113 = arith.constant dense<0.000000e+00> : vector<400x256xf32>
    %dot_general3A_114 = tpu.matmul %convert_element_type3A_95, %get3A_34, %dot_general3A_113 {dimension_numbers = #tpu.dot_dimension_numbers<[1], [0], [0], [1], [0, 0, 1, 1], [], []>, transpose_lhs_hint = false} : vector<400x16xf32>, vector<16x256xf32>, vector<400x256xf32> -> vector<400x256xf32>
    %dot_general3A_115 = arith.constant dense<0.000000e+00> : vector<400x256xf32>
    %dot_general3A_116 = tpu.matmul %convert_element_type3A_100, %get3A_37, %dot_general3A_115 {dimension_numbers = #tpu.dot_dimension_numbers<[1], [0], [0], [1], [0, 0, 1, 1], [], []>, transpose_lhs_hint = false} : vector<400x16xf32>, vector<16x256xf32>, vector<400x256xf32> -> vector<400x256xf32>
    %add3A_117 = arith.addf %dot_general3A_114, %dot_general3A_116 : vector<400x256xf32>
    %dot_general3A_118 = arith.constant dense<0.000000e+00> : vector<400x256xf32>
    %dot_general3A_119 = tpu.matmul %convert_element_type3A_105, %get3A_40, %dot_general3A_118 {dimension_numbers = #tpu.dot_dimension_numbers<[1], [0], [0], [1], [0, 0, 1, 1], [], []>, transpose_lhs_hint = false} : vector<400x4xf32>, vector<4x256xf32>, vector<400x256xf32> -> vector<400x256xf32>
    %add3A_120 = arith.addf %add3A_117, %dot_general3A_119 : vector<400x256xf32>
    %dot_general3A_121 = arith.constant dense<0.000000e+00> : vector<400x256xf32>
    %dot_general3A_122 = tpu.matmul %convert_element_type3A_90, %get3A_43, %dot_general3A_121 {dimension_numbers = #tpu.dot_dimension_numbers<[1], [0], [0], [1], [0, 0, 1, 1], [], []>, transpose_lhs_hint = false} : vector<400x16xf32>, vector<16x256xf32>, vector<400x256xf32> -> vector<400x256xf32>
    %dot_general3A_123 = arith.constant dense<0.000000e+00> : vector<400x256xf32>
    %dot_general3A_124 = tpu.matmul %convert_element_type3A_110, %get3A_25, %dot_general3A_123 {dimension_numbers = #tpu.dot_dimension_numbers<[1], [0], [0], [1], [0, 0, 1, 1], [], []>, transpose_lhs_hint = false} : vector<400x16xf32>, vector<16x256xf32>, vector<400x256xf32> -> vector<400x256xf32>
    %add3A_125 = arith.addf %dot_general3A_124, %dot_general3A_122 : vector<400x256xf32>
    %dot_general3A_126 = arith.constant dense<0.000000e+00> : vector<400x256xf32>
    %dot_general3A_127 = tpu.matmul %convert_element_type3A_110, %get3A_28, %dot_general3A_126 {dimension_numbers = #tpu.dot_dimension_numbers<[1], [0], [0], [1], [0, 0, 1, 1], [], []>, transpose_lhs_hint = false} : vector<400x16xf32>, vector<16x256xf32>, vector<400x256xf32> -> vector<400x256xf32>
    %add3A_128 = arith.addf %dot_general3A_127, %add3A_120 : vector<400x256xf32>
    %mul3A_129 = arith.mulf %dot_general3A_58, %add3A_125 : vector<400x256xf32>
    %reduce_sum3A_130 = arith.constant dense<0.000000e+00> : vector<400xf32>
    %reduce_sum3A_131 = vector.multi_reduction <add>, %mul3A_129, %reduce_sum3A_130 [1] : vector<400x256xf32> to vector<400xf32>
    %broadcast_in_dim3A_132 = vector.shape_cast %reduce_sum3A_131 : vector<400xf32> to vector<400x1xf32>
    %mul3A_133 = arith.constant 6.250000e-02 : f32
    %mul3A_134 = vector.broadcast %mul3A_133 : f32 to vector<400x1xf32>
    %mul3A_135 = arith.mulf %broadcast_in_dim3A_132, %mul3A_134 : vector<400x1xf32>
    %slice3A_136 = vector.extract_strided_slice %get3A_4 {offsets = [0, 1], sizes = [400, 1], strides = [1, 1]} : vector<400x16xf32> to vector<400x1xf32>
    %slice3A_137 = vector.extract_strided_slice %get3A_10 {offsets = [0, 1], sizes = [400, 1], strides = [1, 1]} : vector<400x16xi32> to vector<400x1xi32>
    %eq3A_138 = vector.broadcast %slice3A_137 : vector<400x1xi32> to vector<400x16xi32>
    %eq3A_139 = arith.cmpi eq, %get3A_10, %eq3A_138 : vector<400x16xi32>
    %jit3A_140 = arith.constant 1.000000e+09 : f32
    %broadcast_in_dim3A_141 = vector.broadcast %jit3A_140 : f32 to vector<400x16xf32>
    %select_n3A_142 = arith.select %eq3A_139, %get3A_4, %broadcast_in_dim3A_141 : vector<400x16xi1>, vector<400x16xf32>
    %reduce_min3A_143 = arith.constant dense<0x7F800000> : vector<400xf32>
    %reduce_min3A_144 = vector.multi_reduction <minimumf>, %select_n3A_142, %reduce_min3A_143 [1] : vector<400x16xf32> to vector<400xf32>
    %broadcast_in_dim3A_145 = vector.shape_cast %reduce_min3A_144 : vector<400xf32> to vector<400x1xf32>
    %eq3A_146 = arith.cmpf oeq, %slice3A_136, %broadcast_in_dim3A_145 : vector<400x1xf32>
    %convert_element_type3A_147 = arith.extui %eq3A_146 : vector<400x1xi1> to vector<400x1xi32>
    %add3A_148 = arith.addi %slice3A_137, %convert_element_type3A_147 : vector<400x1xi32>
    %eq3A_149 = vector.broadcast %add3A_148 : vector<400x1xi32> to vector<400x16xi32>
    %eq3A_150 = arith.cmpi eq, %eq3A_149, %iota3A : vector<400x16xi32>
    %convert_element_type3A_151 = arith.extui %eq3A_150 : vector<400x16xi1> to vector<400x16xi32>
    %convert_element_type3A_152 = arith.sitofp %convert_element_type3A_151 : vector<400x16xi32> to vector<400x16xf32>
    %slice3A_153 = vector.extract_strided_slice %get3A_13 {offsets = [0, 1], sizes = [400, 1], strides = [1, 1]} : vector<400x16xi32> to vector<400x1xi32>
    %eq3A_154 = vector.broadcast %slice3A_153 : vector<400x1xi32> to vector<400x16xi32>
    %eq3A_155 = arith.cmpi eq, %eq3A_154, %iota3A : vector<400x16xi32>
    %convert_element_type3A_156 = arith.extui %eq3A_155 : vector<400x16xi1> to vector<400x16xi32>
    %convert_element_type3A_157 = arith.sitofp %convert_element_type3A_156 : vector<400x16xi32> to vector<400x16xf32>
    %slice3A_158 = vector.extract_strided_slice %get3A_16 {offsets = [0, 1], sizes = [400, 1], strides = [1, 1]} : vector<400x16xi32> to vector<400x1xi32>
    %eq3A_159 = vector.broadcast %slice3A_158 : vector<400x1xi32> to vector<400x16xi32>
    %eq3A_160 = arith.cmpi eq, %eq3A_159, %iota3A : vector<400x16xi32>
    %convert_element_type3A_161 = arith.extui %eq3A_160 : vector<400x16xi1> to vector<400x16xi32>
    %convert_element_type3A_162 = arith.sitofp %convert_element_type3A_161 : vector<400x16xi32> to vector<400x16xf32>
    %slice3A_163 = vector.extract_strided_slice %add3A_72 {offsets = [0, 1], sizes = [400, 1], strides = [1, 1]} : vector<400x16xi32> to vector<400x1xi32>
    %eq3A_164 = vector.broadcast %slice3A_163 : vector<400x1xi32> to vector<400x4xi32>
    %eq3A_165 = arith.cmpi eq, %eq3A_164, %iota3A_47 : vector<400x4xi32>
    %convert_element_type3A_166 = arith.extui %eq3A_165 : vector<400x4xi1> to vector<400x4xi32>
    %convert_element_type3A_167 = arith.sitofp %convert_element_type3A_166 : vector<400x4xi32> to vector<400x4xf32>
    %slice3A_168 = vector.extract_strided_slice %get3A_19 {offsets = [0, 1], sizes = [400, 1], strides = [1, 1]} : vector<400x16xi32> to vector<400x1xi32>
    %eq3A_169 = vector.broadcast %slice3A_168 : vector<400x1xi32> to vector<400x16xi32>
    %eq3A_170 = arith.cmpi eq, %eq3A_169, %iota3A : vector<400x16xi32>
    %convert_element_type3A_171 = arith.extui %eq3A_170 : vector<400x16xi1> to vector<400x16xi32>
    %convert_element_type3A_172 = arith.sitofp %convert_element_type3A_171 : vector<400x16xi32> to vector<400x16xf32>
    %dot_general3A_173 = arith.constant dense<0.000000e+00> : vector<400x256xf32>
    %dot_general3A_174 = tpu.matmul %convert_element_type3A_157, %get3A_46, %dot_general3A_173 {dimension_numbers = #tpu.dot_dimension_numbers<[1], [0], [0], [1], [0, 0, 1, 1], [], []>, transpose_lhs_hint = false} : vector<400x16xf32>, vector<16x256xf32>, vector<400x256xf32> -> vector<400x256xf32>
    %dot_general3A_175 = arith.constant dense<0.000000e+00> : vector<400x256xf32>
    %dot_general3A_176 = tpu.matmul %convert_element_type3A_157, %get3A_34, %dot_general3A_175 {dimension_numbers = #tpu.dot_dimension_numbers<[1], [0], [0], [1], [0, 0, 1, 1], [], []>, transpose_lhs_hint = false} : vector<400x16xf32>, vector<16x256xf32>, vector<400x256xf32> -> vector<400x256xf32>
    %dot_general3A_177 = arith.constant dense<0.000000e+00> : vector<400x256xf32>
    %dot_general3A_178 = tpu.matmul %convert_element_type3A_162, %get3A_37, %dot_general3A_177 {dimension_numbers = #tpu.dot_dimension_numbers<[1], [0], [0], [1], [0, 0, 1, 1], [], []>, transpose_lhs_hint = false} : vector<400x16xf32>, vector<16x256xf32>, vector<400x256xf32> -> vector<400x256xf32>
    %add3A_179 = arith.addf %dot_general3A_176, %dot_general3A_178 : vector<400x256xf32>
    %dot_general3A_180 = arith.constant dense<0.000000e+00> : vector<400x256xf32>
    %dot_general3A_181 = tpu.matmul %convert_element_type3A_167, %get3A_40, %dot_general3A_180 {dimension_numbers = #tpu.dot_dimension_numbers<[1], [0], [0], [1], [0, 0, 1, 1], [], []>, transpose_lhs_hint = false} : vector<400x4xf32>, vector<4x256xf32>, vector<400x256xf32> -> vector<400x256xf32>
    %add3A_182 = arith.addf %add3A_179, %dot_general3A_181 : vector<400x256xf32>
    %dot_general3A_183 = arith.constant dense<0.000000e+00> : vector<400x256xf32>
    %dot_general3A_184 = tpu.matmul %convert_element_type3A_152, %get3A_43, %dot_general3A_183 {dimension_numbers = #tpu.dot_dimension_numbers<[1], [0], [0], [1], [0, 0, 1, 1], [], []>, transpose_lhs_hint = false} : vector<400x16xf32>, vector<16x256xf32>, vector<400x256xf32> -> vector<400x256xf32>
    %dot_general3A_185 = arith.constant dense<0.000000e+00> : vector<400x256xf32>
    %dot_general3A_186 = tpu.matmul %convert_element_type3A_172, %get3A_25, %dot_general3A_185 {dimension_numbers = #tpu.dot_dimension_numbers<[1], [0], [0], [1], [0, 0, 1, 1], [], []>, transpose_lhs_hint = false} : vector<400x16xf32>, vector<16x256xf32>, vector<400x256xf32> -> vector<400x256xf32>
    %add3A_187 = arith.addf %dot_general3A_186, %dot_general3A_184 : vector<400x256xf32>
    %dot_general3A_188 = arith.constant dense<0.000000e+00> : vector<400x256xf32>
    %dot_general3A_189 = tpu.matmul %convert_element_type3A_172, %get3A_28, %dot_general3A_188 {dimension_numbers = #tpu.dot_dimension_numbers<[1], [0], [0], [1], [0, 0, 1, 1], [], []>, transpose_lhs_hint = false} : vector<400x16xf32>, vector<16x256xf32>, vector<400x256xf32> -> vector<400x256xf32>
    %add3A_190 = arith.addf %dot_general3A_189, %add3A_182 : vector<400x256xf32>
    %mul3A_191 = arith.mulf %dot_general3A_58, %add3A_187 : vector<400x256xf32>
    %reduce_sum3A_192 = arith.constant dense<0.000000e+00> : vector<400xf32>
    %reduce_sum3A_193 = vector.multi_reduction <add>, %mul3A_191, %reduce_sum3A_192 [1] : vector<400x256xf32> to vector<400xf32>
    %broadcast_in_dim3A_194 = vector.shape_cast %reduce_sum3A_193 : vector<400xf32> to vector<400x1xf32>
    %mul3A_195 = arith.constant 6.250000e-02 : f32
    %mul3A_196 = vector.broadcast %mul3A_195 : f32 to vector<400x1xf32>
    %mul3A_197 = arith.mulf %broadcast_in_dim3A_194, %mul3A_196 : vector<400x1xf32>
    %slice3A_198 = vector.extract_strided_slice %get3A_4 {offsets = [0, 2], sizes = [400, 1], strides = [1, 1]} : vector<400x16xf32> to vector<400x1xf32>
    %slice3A_199 = vector.extract_strided_slice %get3A_10 {offsets = [0, 2], sizes = [400, 1], strides = [1, 1]} : vector<400x16xi32> to vector<400x1xi32>
    %eq3A_200 = vector.broadcast %slice3A_199 : vector<400x1xi32> to vector<400x16xi32>
    %eq3A_201 = arith.cmpi eq, %get3A_10, %eq3A_200 : vector<400x16xi32>
    %jit3A_202 = arith.constant 1.000000e+09 : f32
    %broadcast_in_dim3A_203 = vector.broadcast %jit3A_202 : f32 to vector<400x16xf32>
    %select_n3A_204 = arith.select %eq3A_201, %get3A_4, %broadcast_in_dim3A_203 : vector<400x16xi1>, vector<400x16xf32>
    %reduce_min3A_205 = arith.constant dense<0x7F800000> : vector<400xf32>
    %reduce_min3A_206 = vector.multi_reduction <minimumf>, %select_n3A_204, %reduce_min3A_205 [1] : vector<400x16xf32> to vector<400xf32>
    %broadcast_in_dim3A_207 = vector.shape_cast %reduce_min3A_206 : vector<400xf32> to vector<400x1xf32>
    %eq3A_208 = arith.cmpf oeq, %slice3A_198, %broadcast_in_dim3A_207 : vector<400x1xf32>
    %convert_element_type3A_209 = arith.extui %eq3A_208 : vector<400x1xi1> to vector<400x1xi32>
    %add3A_210 = arith.addi %slice3A_199, %convert_element_type3A_209 : vector<400x1xi32>
    %eq3A_211 = vector.broadcast %add3A_210 : vector<400x1xi32> to vector<400x16xi32>
    %eq3A_212 = arith.cmpi eq, %eq3A_211, %iota3A : vector<400x16xi32>
    %convert_element_type3A_213 = arith.extui %eq3A_212 : vector<400x16xi1> to vector<400x16xi32>
    %convert_element_type3A_214 = arith.sitofp %convert_element_type3A_213 : vector<400x16xi32> to vector<400x16xf32>
    %slice3A_215 = vector.extract_strided_slice %get3A_13 {offsets = [0, 2], sizes = [400, 1], strides = [1, 1]} : vector<400x16xi32> to vector<400x1xi32>
    %eq3A_216 = vector.broadcast %slice3A_215 : vector<400x1xi32> to vector<400x16xi32>
    %eq3A_217 = arith.cmpi eq, %eq3A_216, %iota3A : vector<400x16xi32>
    %convert_element_type3A_218 = arith.extui %eq3A_217 : vector<400x16xi1> to vector<400x16xi32>
    %convert_element_type3A_219 = arith.sitofp %convert_element_type3A_218 : vector<400x16xi32> to vector<400x16xf32>
    %slice3A_220 = vector.extract_strided_slice %get3A_16 {offsets = [0, 2], sizes = [400, 1], strides = [1, 1]} : vector<400x16xi32> to vector<400x1xi32>
    %eq3A_221 = vector.broadcast %slice3A_220 : vector<400x1xi32> to vector<400x16xi32>
    %eq3A_222 = arith.cmpi eq, %eq3A_221, %iota3A : vector<400x16xi32>
    %convert_element_type3A_223 = arith.extui %eq3A_222 : vector<400x16xi1> to vector<400x16xi32>
    %convert_element_type3A_224 = arith.sitofp %convert_element_type3A_223 : vector<400x16xi32> to vector<400x16xf32>
    %slice3A_225 = vector.extract_strided_slice %add3A_72 {offsets = [0, 2], sizes = [400, 1], strides = [1, 1]} : vector<400x16xi32> to vector<400x1xi32>
    %eq3A_226 = vector.broadcast %slice3A_225 : vector<400x1xi32> to vector<400x4xi32>
    %eq3A_227 = arith.cmpi eq, %eq3A_226, %iota3A_47 : vector<400x4xi32>
    %convert_element_type3A_228 = arith.extui %eq3A_227 : vector<400x4xi1> to vector<400x4xi32>
    %convert_element_type3A_229 = arith.sitofp %convert_element_type3A_228 : vector<400x4xi32> to vector<400x4xf32>
    %slice3A_230 = vector.extract_strided_slice %get3A_19 {offsets = [0, 2], sizes = [400, 1], strides = [1, 1]} : vector<400x16xi32> to vector<400x1xi32>
    %eq3A_231 = vector.broadcast %slice3A_230 : vector<400x1xi32> to vector<400x16xi32>
    %eq3A_232 = arith.cmpi eq, %eq3A_231, %iota3A : vector<400x16xi32>
    %convert_element_type3A_233 = arith.extui %eq3A_232 : vector<400x16xi1> to vector<400x16xi32>
    %convert_element_type3A_234 = arith.sitofp %convert_element_type3A_233 : vector<400x16xi32> to vector<400x16xf32>
    %dot_general3A_235 = arith.constant dense<0.000000e+00> : vector<400x256xf32>
    %dot_general3A_236 = tpu.matmul %convert_element_type3A_219, %get3A_46, %dot_general3A_235 {dimension_numbers = #tpu.dot_dimension_numbers<[1], [0], [0], [1], [0, 0, 1, 1], [], []>, transpose_lhs_hint = false} : vector<400x16xf32>, vector<16x256xf32>, vector<400x256xf32> -> vector<400x256xf32>
    %dot_general3A_237 = arith.constant dense<0.000000e+00> : vector<400x256xf32>
    %dot_general3A_238 = tpu.matmul %convert_element_type3A_219, %get3A_34, %dot_general3A_237 {dimension_numbers = #tpu.dot_dimension_numbers<[1], [0], [0], [1], [0, 0, 1, 1], [], []>, transpose_lhs_hint = false} : vector<400x16xf32>, vector<16x256xf32>, vector<400x256xf32> -> vector<400x256xf32>
    %dot_general3A_239 = arith.constant dense<0.000000e+00> : vector<400x256xf32>
    %dot_general3A_240 = tpu.matmul %convert_element_type3A_224, %get3A_37, %dot_general3A_239 {dimension_numbers = #tpu.dot_dimension_numbers<[1], [0], [0], [1], [0, 0, 1, 1], [], []>, transpose_lhs_hint = false} : vector<400x16xf32>, vector<16x256xf32>, vector<400x256xf32> -> vector<400x256xf32>
    %add3A_241 = arith.addf %dot_general3A_238, %dot_general3A_240 : vector<400x256xf32>
    %dot_general3A_242 = arith.constant dense<0.000000e+00> : vector<400x256xf32>
    %dot_general3A_243 = tpu.matmul %convert_element_type3A_229, %get3A_40, %dot_general3A_242 {dimension_numbers = #tpu.dot_dimension_numbers<[1], [0], [0], [1], [0, 0, 1, 1], [], []>, transpose_lhs_hint = false} : vector<400x4xf32>, vector<4x256xf32>, vector<400x256xf32> -> vector<400x256xf32>
    %add3A_244 = arith.addf %add3A_241, %dot_general3A_243 : vector<400x256xf32>
    %dot_general3A_245 = arith.constant dense<0.000000e+00> : vector<400x256xf32>
    %dot_general3A_246 = tpu.matmul %convert_element_type3A_214, %get3A_43, %dot_general3A_245 {dimension_numbers = #tpu.dot_dimension_numbers<[1], [0], [0], [1], [0, 0, 1, 1], [], []>, transpose_lhs_hint = false} : vector<400x16xf32>, vector<16x256xf32>, vector<400x256xf32> -> vector<400x256xf32>
    %dot_general3A_247 = arith.constant dense<0.000000e+00> : vector<400x256xf32>
    %dot_general3A_248 = tpu.matmul %convert_element_type3A_234, %get3A_25, %dot_general3A_247 {dimension_numbers = #tpu.dot_dimension_numbers<[1], [0], [0], [1], [0, 0, 1, 1], [], []>, transpose_lhs_hint = false} : vector<400x16xf32>, vector<16x256xf32>, vector<400x256xf32> -> vector<400x256xf32>
    %add3A_249 = arith.addf %dot_general3A_248, %dot_general3A_246 : vector<400x256xf32>
    %dot_general3A_250 = arith.constant dense<0.000000e+00> : vector<400x256xf32>
    %dot_general3A_251 = tpu.matmul %convert_element_type3A_234, %get3A_28, %dot_general3A_250 {dimension_numbers = #tpu.dot_dimension_numbers<[1], [0], [0], [1], [0, 0, 1, 1], [], []>, transpose_lhs_hint = false} : vector<400x16xf32>, vector<16x256xf32>, vector<400x256xf32> -> vector<400x256xf32>
    %add3A_252 = arith.addf %dot_general3A_251, %add3A_244 : vector<400x256xf32>
    %mul3A_253 = arith.mulf %dot_general3A_58, %add3A_249 : vector<400x256xf32>
    %reduce_sum3A_254 = arith.constant dense<0.000000e+00> : vector<400xf32>
    %reduce_sum3A_255 = vector.multi_reduction <add>, %mul3A_253, %reduce_sum3A_254 [1] : vector<400x256xf32> to vector<400xf32>
    %broadcast_in_dim3A_256 = vector.shape_cast %reduce_sum3A_255 : vector<400xf32> to vector<400x1xf32>
    %mul3A_257 = arith.constant 6.250000e-02 : f32
    %mul3A_258 = vector.broadcast %mul3A_257 : f32 to vector<400x1xf32>
    %mul3A_259 = arith.mulf %broadcast_in_dim3A_256, %mul3A_258 : vector<400x1xf32>
    %slice3A_260 = vector.extract_strided_slice %get3A_4 {offsets = [0, 3], sizes = [400, 1], strides = [1, 1]} : vector<400x16xf32> to vector<400x1xf32>
    %slice3A_261 = vector.extract_strided_slice %get3A_10 {offsets = [0, 3], sizes = [400, 1], strides = [1, 1]} : vector<400x16xi32> to vector<400x1xi32>
    %eq3A_262 = vector.broadcast %slice3A_261 : vector<400x1xi32> to vector<400x16xi32>
    %eq3A_263 = arith.cmpi eq, %get3A_10, %eq3A_262 : vector<400x16xi32>
    %jit3A_264 = arith.constant 1.000000e+09 : f32
    %broadcast_in_dim3A_265 = vector.broadcast %jit3A_264 : f32 to vector<400x16xf32>
    %select_n3A_266 = arith.select %eq3A_263, %get3A_4, %broadcast_in_dim3A_265 : vector<400x16xi1>, vector<400x16xf32>
    %reduce_min3A_267 = arith.constant dense<0x7F800000> : vector<400xf32>
    %reduce_min3A_268 = vector.multi_reduction <minimumf>, %select_n3A_266, %reduce_min3A_267 [1] : vector<400x16xf32> to vector<400xf32>
    %broadcast_in_dim3A_269 = vector.shape_cast %reduce_min3A_268 : vector<400xf32> to vector<400x1xf32>
    %eq3A_270 = arith.cmpf oeq, %slice3A_260, %broadcast_in_dim3A_269 : vector<400x1xf32>
    %convert_element_type3A_271 = arith.extui %eq3A_270 : vector<400x1xi1> to vector<400x1xi32>
    %add3A_272 = arith.addi %slice3A_261, %convert_element_type3A_271 : vector<400x1xi32>
    %eq3A_273 = vector.broadcast %add3A_272 : vector<400x1xi32> to vector<400x16xi32>
    %eq3A_274 = arith.cmpi eq, %eq3A_273, %iota3A : vector<400x16xi32>
    %convert_element_type3A_275 = arith.extui %eq3A_274 : vector<400x16xi1> to vector<400x16xi32>
    %convert_element_type3A_276 = arith.sitofp %convert_element_type3A_275 : vector<400x16xi32> to vector<400x16xf32>
    %slice3A_277 = vector.extract_strided_slice %get3A_13 {offsets = [0, 3], sizes = [400, 1], strides = [1, 1]} : vector<400x16xi32> to vector<400x1xi32>
    %eq3A_278 = vector.broadcast %slice3A_277 : vector<400x1xi32> to vector<400x16xi32>
    %eq3A_279 = arith.cmpi eq, %eq3A_278, %iota3A : vector<400x16xi32>
    %convert_element_type3A_280 = arith.extui %eq3A_279 : vector<400x16xi1> to vector<400x16xi32>
    %convert_element_type3A_281 = arith.sitofp %convert_element_type3A_280 : vector<400x16xi32> to vector<400x16xf32>
    %slice3A_282 = vector.extract_strided_slice %get3A_16 {offsets = [0, 3], sizes = [400, 1], strides = [1, 1]} : vector<400x16xi32> to vector<400x1xi32>
    %eq3A_283 = vector.broadcast %slice3A_282 : vector<400x1xi32> to vector<400x16xi32>
    %eq3A_284 = arith.cmpi eq, %eq3A_283, %iota3A : vector<400x16xi32>
    %convert_element_type3A_285 = arith.extui %eq3A_284 : vector<400x16xi1> to vector<400x16xi32>
    %convert_element_type3A_286 = arith.sitofp %convert_element_type3A_285 : vector<400x16xi32> to vector<400x16xf32>
    %slice3A_287 = vector.extract_strided_slice %add3A_72 {offsets = [0, 3], sizes = [400, 1], strides = [1, 1]} : vector<400x16xi32> to vector<400x1xi32>
    %eq3A_288 = vector.broadcast %slice3A_287 : vector<400x1xi32> to vector<400x4xi32>
    %eq3A_289 = arith.cmpi eq, %eq3A_288, %iota3A_47 : vector<400x4xi32>
    %convert_element_type3A_290 = arith.extui %eq3A_289 : vector<400x4xi1> to vector<400x4xi32>
    %convert_element_type3A_291 = arith.sitofp %convert_element_type3A_290 : vector<400x4xi32> to vector<400x4xf32>
    %slice3A_292 = vector.extract_strided_slice %get3A_19 {offsets = [0, 3], sizes = [400, 1], strides = [1, 1]} : vector<400x16xi32> to vector<400x1xi32>
    %eq3A_293 = vector.broadcast %slice3A_292 : vector<400x1xi32> to vector<400x16xi32>
    %eq3A_294 = arith.cmpi eq, %eq3A_293, %iota3A : vector<400x16xi32>
    %convert_element_type3A_295 = arith.extui %eq3A_294 : vector<400x16xi1> to vector<400x16xi32>
    %convert_element_type3A_296 = arith.sitofp %convert_element_type3A_295 : vector<400x16xi32> to vector<400x16xf32>
    %dot_general3A_297 = arith.constant dense<0.000000e+00> : vector<400x256xf32>
    %dot_general3A_298 = tpu.matmul %convert_element_type3A_281, %get3A_46, %dot_general3A_297 {dimension_numbers = #tpu.dot_dimension_numbers<[1], [0], [0], [1], [0, 0, 1, 1], [], []>, transpose_lhs_hint = false} : vector<400x16xf32>, vector<16x256xf32>, vector<400x256xf32> -> vector<400x256xf32>
    %dot_general3A_299 = arith.constant dense<0.000000e+00> : vector<400x256xf32>
    %dot_general3A_300 = tpu.matmul %convert_element_type3A_281, %get3A_34, %dot_general3A_299 {dimension_numbers = #tpu.dot_dimension_numbers<[1], [0], [0], [1], [0, 0, 1, 1], [], []>, transpose_lhs_hint = false} : vector<400x16xf32>, vector<16x256xf32>, vector<400x256xf32> -> vector<400x256xf32>
    %dot_general3A_301 = arith.constant dense<0.000000e+00> : vector<400x256xf32>
    %dot_general3A_302 = tpu.matmul %convert_element_type3A_286, %get3A_37, %dot_general3A_301 {dimension_numbers = #tpu.dot_dimension_numbers<[1], [0], [0], [1], [0, 0, 1, 1], [], []>, transpose_lhs_hint = false} : vector<400x16xf32>, vector<16x256xf32>, vector<400x256xf32> -> vector<400x256xf32>
    %add3A_303 = arith.addf %dot_general3A_300, %dot_general3A_302 : vector<400x256xf32>
    %dot_general3A_304 = arith.constant dense<0.000000e+00> : vector<400x256xf32>
    %dot_general3A_305 = tpu.matmul %convert_element_type3A_291, %get3A_40, %dot_general3A_304 {dimension_numbers = #tpu.dot_dimension_numbers<[1], [0], [0], [1], [0, 0, 1, 1], [], []>, transpose_lhs_hint = false} : vector<400x4xf32>, vector<4x256xf32>, vector<400x256xf32> -> vector<400x256xf32>
    %add3A_306 = arith.addf %add3A_303, %dot_general3A_305 : vector<400x256xf32>
    %dot_general3A_307 = arith.constant dense<0.000000e+00> : vector<400x256xf32>
    %dot_general3A_308 = tpu.matmul %convert_element_type3A_276, %get3A_43, %dot_general3A_307 {dimension_numbers = #tpu.dot_dimension_numbers<[1], [0], [0], [1], [0, 0, 1, 1], [], []>, transpose_lhs_hint = false} : vector<400x16xf32>, vector<16x256xf32>, vector<400x256xf32> -> vector<400x256xf32>
    %dot_general3A_309 = arith.constant dense<0.000000e+00> : vector<400x256xf32>
    %dot_general3A_310 = tpu.matmul %convert_element_type3A_296, %get3A_25, %dot_general3A_309 {dimension_numbers = #tpu.dot_dimension_numbers<[1], [0], [0], [1], [0, 0, 1, 1], [], []>, transpose_lhs_hint = false} : vector<400x16xf32>, vector<16x256xf32>, vector<400x256xf32> -> vector<400x256xf32>
    %add3A_311 = arith.addf %dot_general3A_310, %dot_general3A_308 : vector<400x256xf32>
    %dot_general3A_312 = arith.constant dense<0.000000e+00> : vector<400x256xf32>
    %dot_general3A_313 = tpu.matmul %convert_element_type3A_296, %get3A_28, %dot_general3A_312 {dimension_numbers = #tpu.dot_dimension_numbers<[1], [0], [0], [1], [0, 0, 1, 1], [], []>, transpose_lhs_hint = false} : vector<400x16xf32>, vector<16x256xf32>, vector<400x256xf32> -> vector<400x256xf32>
    %add3A_314 = arith.addf %dot_general3A_313, %add3A_306 : vector<400x256xf32>
    %mul3A_315 = arith.mulf %dot_general3A_58, %add3A_311 : vector<400x256xf32>
    %reduce_sum3A_316 = arith.constant dense<0.000000e+00> : vector<400xf32>
    %reduce_sum3A_317 = vector.multi_reduction <add>, %mul3A_315, %reduce_sum3A_316 [1] : vector<400x256xf32> to vector<400xf32>
    %broadcast_in_dim3A_318 = vector.shape_cast %reduce_sum3A_317 : vector<400xf32> to vector<400x1xf32>
    %mul3A_319 = arith.constant 6.250000e-02 : f32
    %mul3A_320 = vector.broadcast %mul3A_319 : f32 to vector<400x1xf32>
    %mul3A_321 = arith.mulf %broadcast_in_dim3A_318, %mul3A_320 : vector<400x1xf32>
    %slice3A_322 = vector.extract_strided_slice %get3A_4 {offsets = [0, 4], sizes = [400, 1], strides = [1, 1]} : vector<400x16xf32> to vector<400x1xf32>
    %slice3A_323 = vector.extract_strided_slice %get3A_10 {offsets = [0, 4], sizes = [400, 1], strides = [1, 1]} : vector<400x16xi32> to vector<400x1xi32>
    %eq3A_324 = vector.broadcast %slice3A_323 : vector<400x1xi32> to vector<400x16xi32>
    %eq3A_325 = arith.cmpi eq, %get3A_10, %eq3A_324 : vector<400x16xi32>
    %jit3A_326 = arith.constant 1.000000e+09 : f32
    %broadcast_in_dim3A_327 = vector.broadcast %jit3A_326 : f32 to vector<400x16xf32>
    %select_n3A_328 = arith.select %eq3A_325, %get3A_4, %broadcast_in_dim3A_327 : vector<400x16xi1>, vector<400x16xf32>
    %reduce_min3A_329 = arith.constant dense<0x7F800000> : vector<400xf32>
    %reduce_min3A_330 = vector.multi_reduction <minimumf>, %select_n3A_328, %reduce_min3A_329 [1] : vector<400x16xf32> to vector<400xf32>
    %broadcast_in_dim3A_331 = vector.shape_cast %reduce_min3A_330 : vector<400xf32> to vector<400x1xf32>
    %eq3A_332 = arith.cmpf oeq, %slice3A_322, %broadcast_in_dim3A_331 : vector<400x1xf32>
    %convert_element_type3A_333 = arith.extui %eq3A_332 : vector<400x1xi1> to vector<400x1xi32>
    %add3A_334 = arith.addi %slice3A_323, %convert_element_type3A_333 : vector<400x1xi32>
    %eq3A_335 = vector.broadcast %add3A_334 : vector<400x1xi32> to vector<400x16xi32>
    %eq3A_336 = arith.cmpi eq, %eq3A_335, %iota3A : vector<400x16xi32>
    %convert_element_type3A_337 = arith.extui %eq3A_336 : vector<400x16xi1> to vector<400x16xi32>
    %convert_element_type3A_338 = arith.sitofp %convert_element_type3A_337 : vector<400x16xi32> to vector<400x16xf32>
    %slice3A_339 = vector.extract_strided_slice %get3A_13 {offsets = [0, 4], sizes = [400, 1], strides = [1, 1]} : vector<400x16xi32> to vector<400x1xi32>
    %eq3A_340 = vector.broadcast %slice3A_339 : vector<400x1xi32> to vector<400x16xi32>
    %eq3A_341 = arith.cmpi eq, %eq3A_340, %iota3A : vector<400x16xi32>
    %convert_element_type3A_342 = arith.extui %eq3A_341 : vector<400x16xi1> to vector<400x16xi32>
    %convert_element_type3A_343 = arith.sitofp %convert_element_type3A_342 : vector<400x16xi32> to vector<400x16xf32>
    %slice3A_344 = vector.extract_strided_slice %get3A_16 {offsets = [0, 4], sizes = [400, 1], strides = [1, 1]} : vector<400x16xi32> to vector<400x1xi32>
    %eq3A_345 = vector.broadcast %slice3A_344 : vector<400x1xi32> to vector<400x16xi32>
    %eq3A_346 = arith.cmpi eq, %eq3A_345, %iota3A : vector<400x16xi32>
    %convert_element_type3A_347 = arith.extui %eq3A_346 : vector<400x16xi1> to vector<400x16xi32>
    %convert_element_type3A_348 = arith.sitofp %convert_element_type3A_347 : vector<400x16xi32> to vector<400x16xf32>
    %slice3A_349 = vector.extract_strided_slice %add3A_72 {offsets = [0, 4], sizes = [400, 1], strides = [1, 1]} : vector<400x16xi32> to vector<400x1xi32>
    %eq3A_350 = vector.broadcast %slice3A_349 : vector<400x1xi32> to vector<400x4xi32>
    %eq3A_351 = arith.cmpi eq, %eq3A_350, %iota3A_47 : vector<400x4xi32>
    %convert_element_type3A_352 = arith.extui %eq3A_351 : vector<400x4xi1> to vector<400x4xi32>
    %convert_element_type3A_353 = arith.sitofp %convert_element_type3A_352 : vector<400x4xi32> to vector<400x4xf32>
    %slice3A_354 = vector.extract_strided_slice %get3A_19 {offsets = [0, 4], sizes = [400, 1], strides = [1, 1]} : vector<400x16xi32> to vector<400x1xi32>
    %eq3A_355 = vector.broadcast %slice3A_354 : vector<400x1xi32> to vector<400x16xi32>
    %eq3A_356 = arith.cmpi eq, %eq3A_355, %iota3A : vector<400x16xi32>
    %convert_element_type3A_357 = arith.extui %eq3A_356 : vector<400x16xi1> to vector<400x16xi32>
    %convert_element_type3A_358 = arith.sitofp %convert_element_type3A_357 : vector<400x16xi32> to vector<400x16xf32>
    %dot_general3A_359 = arith.constant dense<0.000000e+00> : vector<400x256xf32>
    %dot_general3A_360 = tpu.matmul %convert_element_type3A_343, %get3A_46, %dot_general3A_359 {dimension_numbers = #tpu.dot_dimension_numbers<[1], [0], [0], [1], [0, 0, 1, 1], [], []>, transpose_lhs_hint = false} : vector<400x16xf32>, vector<16x256xf32>, vector<400x256xf32> -> vector<400x256xf32>
    %dot_general3A_361 = arith.constant dense<0.000000e+00> : vector<400x256xf32>
    %dot_general3A_362 = tpu.matmul %convert_element_type3A_343, %get3A_34, %dot_general3A_361 {dimension_numbers = #tpu.dot_dimension_numbers<[1], [0], [0], [1], [0, 0, 1, 1], [], []>, transpose_lhs_hint = false} : vector<400x16xf32>, vector<16x256xf32>, vector<400x256xf32> -> vector<400x256xf32>
    %dot_general3A_363 = arith.constant dense<0.000000e+00> : vector<400x256xf32>
    %dot_general3A_364 = tpu.matmul %convert_element_type3A_348, %get3A_37, %dot_general3A_363 {dimension_numbers = #tpu.dot_dimension_numbers<[1], [0], [0], [1], [0, 0, 1, 1], [], []>, transpose_lhs_hint = false} : vector<400x16xf32>, vector<16x256xf32>, vector<400x256xf32> -> vector<400x256xf32>
    %add3A_365 = arith.addf %dot_general3A_362, %dot_general3A_364 : vector<400x256xf32>
    %dot_general3A_366 = arith.constant dense<0.000000e+00> : vector<400x256xf32>
    %dot_general3A_367 = tpu.matmul %convert_element_type3A_353, %get3A_40, %dot_general3A_366 {dimension_numbers = #tpu.dot_dimension_numbers<[1], [0], [0], [1], [0, 0, 1, 1], [], []>, transpose_lhs_hint = false} : vector<400x4xf32>, vector<4x256xf32>, vector<400x256xf32> -> vector<400x256xf32>
    %add3A_368 = arith.addf %add3A_365, %dot_general3A_367 : vector<400x256xf32>
    %dot_general3A_369 = arith.constant dense<0.000000e+00> : vector<400x256xf32>
    %dot_general3A_370 = tpu.matmul %convert_element_type3A_338, %get3A_43, %dot_general3A_369 {dimension_numbers = #tpu.dot_dimension_numbers<[1], [0], [0], [1], [0, 0, 1, 1], [], []>, transpose_lhs_hint = false} : vector<400x16xf32>, vector<16x256xf32>, vector<400x256xf32> -> vector<400x256xf32>
    %dot_general3A_371 = arith.constant dense<0.000000e+00> : vector<400x256xf32>
    %dot_general3A_372 = tpu.matmul %convert_element_type3A_358, %get3A_25, %dot_general3A_371 {dimension_numbers = #tpu.dot_dimension_numbers<[1], [0], [0], [1], [0, 0, 1, 1], [], []>, transpose_lhs_hint = false} : vector<400x16xf32>, vector<16x256xf32>, vector<400x256xf32> -> vector<400x256xf32>
    %add3A_373 = arith.addf %dot_general3A_372, %dot_general3A_370 : vector<400x256xf32>
    %dot_general3A_374 = arith.constant dense<0.000000e+00> : vector<400x256xf32>
    %dot_general3A_375 = tpu.matmul %convert_element_type3A_358, %get3A_28, %dot_general3A_374 {dimension_numbers = #tpu.dot_dimension_numbers<[1], [0], [0], [1], [0, 0, 1, 1], [], []>, transpose_lhs_hint = false} : vector<400x16xf32>, vector<16x256xf32>, vector<400x256xf32> -> vector<400x256xf32>
    %add3A_376 = arith.addf %dot_general3A_375, %add3A_368 : vector<400x256xf32>
    %mul3A_377 = arith.mulf %dot_general3A_58, %add3A_373 : vector<400x256xf32>
    %reduce_sum3A_378 = arith.constant dense<0.000000e+00> : vector<400xf32>
    %reduce_sum3A_379 = vector.multi_reduction <add>, %mul3A_377, %reduce_sum3A_378 [1] : vector<400x256xf32> to vector<400xf32>
    %broadcast_in_dim3A_380 = vector.shape_cast %reduce_sum3A_379 : vector<400xf32> to vector<400x1xf32>
    %mul3A_381 = arith.constant 6.250000e-02 : f32
    %mul3A_382 = vector.broadcast %mul3A_381 : f32 to vector<400x1xf32>
    %mul3A_383 = arith.mulf %broadcast_in_dim3A_380, %mul3A_382 : vector<400x1xf32>
    %slice3A_384 = vector.extract_strided_slice %get3A_4 {offsets = [0, 5], sizes = [400, 1], strides = [1, 1]} : vector<400x16xf32> to vector<400x1xf32>
    %slice3A_385 = vector.extract_strided_slice %get3A_10 {offsets = [0, 5], sizes = [400, 1], strides = [1, 1]} : vector<400x16xi32> to vector<400x1xi32>
    %eq3A_386 = vector.broadcast %slice3A_385 : vector<400x1xi32> to vector<400x16xi32>
    %eq3A_387 = arith.cmpi eq, %get3A_10, %eq3A_386 : vector<400x16xi32>
    %jit3A_388 = arith.constant 1.000000e+09 : f32
    %broadcast_in_dim3A_389 = vector.broadcast %jit3A_388 : f32 to vector<400x16xf32>
    %select_n3A_390 = arith.select %eq3A_387, %get3A_4, %broadcast_in_dim3A_389 : vector<400x16xi1>, vector<400x16xf32>
    %reduce_min3A_391 = arith.constant dense<0x7F800000> : vector<400xf32>
    %reduce_min3A_392 = vector.multi_reduction <minimumf>, %select_n3A_390, %reduce_min3A_391 [1] : vector<400x16xf32> to vector<400xf32>
    %broadcast_in_dim3A_393 = vector.shape_cast %reduce_min3A_392 : vector<400xf32> to vector<400x1xf32>
    %eq3A_394 = arith.cmpf oeq, %slice3A_384, %broadcast_in_dim3A_393 : vector<400x1xf32>
    %convert_element_type3A_395 = arith.extui %eq3A_394 : vector<400x1xi1> to vector<400x1xi32>
    %add3A_396 = arith.addi %slice3A_385, %convert_element_type3A_395 : vector<400x1xi32>
    %eq3A_397 = vector.broadcast %add3A_396 : vector<400x1xi32> to vector<400x16xi32>
    %eq3A_398 = arith.cmpi eq, %eq3A_397, %iota3A : vector<400x16xi32>
    %convert_element_type3A_399 = arith.extui %eq3A_398 : vector<400x16xi1> to vector<400x16xi32>
    %convert_element_type3A_400 = arith.sitofp %convert_element_type3A_399 : vector<400x16xi32> to vector<400x16xf32>
    %slice3A_401 = vector.extract_strided_slice %get3A_13 {offsets = [0, 5], sizes = [400, 1], strides = [1, 1]} : vector<400x16xi32> to vector<400x1xi32>
    %eq3A_402 = vector.broadcast %slice3A_401 : vector<400x1xi32> to vector<400x16xi32>
    %eq3A_403 = arith.cmpi eq, %eq3A_402, %iota3A : vector<400x16xi32>
    %convert_element_type3A_404 = arith.extui %eq3A_403 : vector<400x16xi1> to vector<400x16xi32>
    %convert_element_type3A_405 = arith.sitofp %convert_element_type3A_404 : vector<400x16xi32> to vector<400x16xf32>
    %slice3A_406 = vector.extract_strided_slice %get3A_16 {offsets = [0, 5], sizes = [400, 1], strides = [1, 1]} : vector<400x16xi32> to vector<400x1xi32>
    %eq3A_407 = vector.broadcast %slice3A_406 : vector<400x1xi32> to vector<400x16xi32>
    %eq3A_408 = arith.cmpi eq, %eq3A_407, %iota3A : vector<400x16xi32>
    %convert_element_type3A_409 = arith.extui %eq3A_408 : vector<400x16xi1> to vector<400x16xi32>
    %convert_element_type3A_410 = arith.sitofp %convert_element_type3A_409 : vector<400x16xi32> to vector<400x16xf32>
    %slice3A_411 = vector.extract_strided_slice %add3A_72 {offsets = [0, 5], sizes = [400, 1], strides = [1, 1]} : vector<400x16xi32> to vector<400x1xi32>
    %eq3A_412 = vector.broadcast %slice3A_411 : vector<400x1xi32> to vector<400x4xi32>
    %eq3A_413 = arith.cmpi eq, %eq3A_412, %iota3A_47 : vector<400x4xi32>
    %convert_element_type3A_414 = arith.extui %eq3A_413 : vector<400x4xi1> to vector<400x4xi32>
    %convert_element_type3A_415 = arith.sitofp %convert_element_type3A_414 : vector<400x4xi32> to vector<400x4xf32>
    %slice3A_416 = vector.extract_strided_slice %get3A_19 {offsets = [0, 5], sizes = [400, 1], strides = [1, 1]} : vector<400x16xi32> to vector<400x1xi32>
    %eq3A_417 = vector.broadcast %slice3A_416 : vector<400x1xi32> to vector<400x16xi32>
    %eq3A_418 = arith.cmpi eq, %eq3A_417, %iota3A : vector<400x16xi32>
    %convert_element_type3A_419 = arith.extui %eq3A_418 : vector<400x16xi1> to vector<400x16xi32>
    %convert_element_type3A_420 = arith.sitofp %convert_element_type3A_419 : vector<400x16xi32> to vector<400x16xf32>
    %dot_general3A_421 = arith.constant dense<0.000000e+00> : vector<400x256xf32>
    %dot_general3A_422 = tpu.matmul %convert_element_type3A_405, %get3A_46, %dot_general3A_421 {dimension_numbers = #tpu.dot_dimension_numbers<[1], [0], [0], [1], [0, 0, 1, 1], [], []>, transpose_lhs_hint = false} : vector<400x16xf32>, vector<16x256xf32>, vector<400x256xf32> -> vector<400x256xf32>
    %dot_general3A_423 = arith.constant dense<0.000000e+00> : vector<400x256xf32>
    %dot_general3A_424 = tpu.matmul %convert_element_type3A_405, %get3A_34, %dot_general3A_423 {dimension_numbers = #tpu.dot_dimension_numbers<[1], [0], [0], [1], [0, 0, 1, 1], [], []>, transpose_lhs_hint = false} : vector<400x16xf32>, vector<16x256xf32>, vector<400x256xf32> -> vector<400x256xf32>
    %dot_general3A_425 = arith.constant dense<0.000000e+00> : vector<400x256xf32>
    %dot_general3A_426 = tpu.matmul %convert_element_type3A_410, %get3A_37, %dot_general3A_425 {dimension_numbers = #tpu.dot_dimension_numbers<[1], [0], [0], [1], [0, 0, 1, 1], [], []>, transpose_lhs_hint = false} : vector<400x16xf32>, vector<16x256xf32>, vector<400x256xf32> -> vector<400x256xf32>
    %add3A_427 = arith.addf %dot_general3A_424, %dot_general3A_426 : vector<400x256xf32>
    %dot_general3A_428 = arith.constant dense<0.000000e+00> : vector<400x256xf32>
    %dot_general3A_429 = tpu.matmul %convert_element_type3A_415, %get3A_40, %dot_general3A_428 {dimension_numbers = #tpu.dot_dimension_numbers<[1], [0], [0], [1], [0, 0, 1, 1], [], []>, transpose_lhs_hint = false} : vector<400x4xf32>, vector<4x256xf32>, vector<400x256xf32> -> vector<400x256xf32>
    %add3A_430 = arith.addf %add3A_427, %dot_general3A_429 : vector<400x256xf32>
    %dot_general3A_431 = arith.constant dense<0.000000e+00> : vector<400x256xf32>
    %dot_general3A_432 = tpu.matmul %convert_element_type3A_400, %get3A_43, %dot_general3A_431 {dimension_numbers = #tpu.dot_dimension_numbers<[1], [0], [0], [1], [0, 0, 1, 1], [], []>, transpose_lhs_hint = false} : vector<400x16xf32>, vector<16x256xf32>, vector<400x256xf32> -> vector<400x256xf32>
    %dot_general3A_433 = arith.constant dense<0.000000e+00> : vector<400x256xf32>
    %dot_general3A_434 = tpu.matmul %convert_element_type3A_420, %get3A_25, %dot_general3A_433 {dimension_numbers = #tpu.dot_dimension_numbers<[1], [0], [0], [1], [0, 0, 1, 1], [], []>, transpose_lhs_hint = false} : vector<400x16xf32>, vector<16x256xf32>, vector<400x256xf32> -> vector<400x256xf32>
    %add3A_435 = arith.addf %dot_general3A_434, %dot_general3A_432 : vector<400x256xf32>
    %dot_general3A_436 = arith.constant dense<0.000000e+00> : vector<400x256xf32>
    %dot_general3A_437 = tpu.matmul %convert_element_type3A_420, %get3A_28, %dot_general3A_436 {dimension_numbers = #tpu.dot_dimension_numbers<[1], [0], [0], [1], [0, 0, 1, 1], [], []>, transpose_lhs_hint = false} : vector<400x16xf32>, vector<16x256xf32>, vector<400x256xf32> -> vector<400x256xf32>
    %add3A_438 = arith.addf %dot_general3A_437, %add3A_430 : vector<400x256xf32>
    %mul3A_439 = arith.mulf %dot_general3A_58, %add3A_435 : vector<400x256xf32>
    %reduce_sum3A_440 = arith.constant dense<0.000000e+00> : vector<400xf32>
    %reduce_sum3A_441 = vector.multi_reduction <add>, %mul3A_439, %reduce_sum3A_440 [1] : vector<400x256xf32> to vector<400xf32>
    %broadcast_in_dim3A_442 = vector.shape_cast %reduce_sum3A_441 : vector<400xf32> to vector<400x1xf32>
    %mul3A_443 = arith.constant 6.250000e-02 : f32
    %mul3A_444 = vector.broadcast %mul3A_443 : f32 to vector<400x1xf32>
    %mul3A_445 = arith.mulf %broadcast_in_dim3A_442, %mul3A_444 : vector<400x1xf32>
    %slice3A_446 = vector.extract_strided_slice %get3A_4 {offsets = [0, 6], sizes = [400, 1], strides = [1, 1]} : vector<400x16xf32> to vector<400x1xf32>
    %slice3A_447 = vector.extract_strided_slice %get3A_10 {offsets = [0, 6], sizes = [400, 1], strides = [1, 1]} : vector<400x16xi32> to vector<400x1xi32>
    %eq3A_448 = vector.broadcast %slice3A_447 : vector<400x1xi32> to vector<400x16xi32>
    %eq3A_449 = arith.cmpi eq, %get3A_10, %eq3A_448 : vector<400x16xi32>
    %jit3A_450 = arith.constant 1.000000e+09 : f32
    %broadcast_in_dim3A_451 = vector.broadcast %jit3A_450 : f32 to vector<400x16xf32>
    %select_n3A_452 = arith.select %eq3A_449, %get3A_4, %broadcast_in_dim3A_451 : vector<400x16xi1>, vector<400x16xf32>
    %reduce_min3A_453 = arith.constant dense<0x7F800000> : vector<400xf32>
    %reduce_min3A_454 = vector.multi_reduction <minimumf>, %select_n3A_452, %reduce_min3A_453 [1] : vector<400x16xf32> to vector<400xf32>
    %broadcast_in_dim3A_455 = vector.shape_cast %reduce_min3A_454 : vector<400xf32> to vector<400x1xf32>
    %eq3A_456 = arith.cmpf oeq, %slice3A_446, %broadcast_in_dim3A_455 : vector<400x1xf32>
    %convert_element_type3A_457 = arith.extui %eq3A_456 : vector<400x1xi1> to vector<400x1xi32>
    %add3A_458 = arith.addi %slice3A_447, %convert_element_type3A_457 : vector<400x1xi32>
    %eq3A_459 = vector.broadcast %add3A_458 : vector<400x1xi32> to vector<400x16xi32>
    %eq3A_460 = arith.cmpi eq, %eq3A_459, %iota3A : vector<400x16xi32>
    %convert_element_type3A_461 = arith.extui %eq3A_460 : vector<400x16xi1> to vector<400x16xi32>
    %convert_element_type3A_462 = arith.sitofp %convert_element_type3A_461 : vector<400x16xi32> to vector<400x16xf32>
    %slice3A_463 = vector.extract_strided_slice %get3A_13 {offsets = [0, 6], sizes = [400, 1], strides = [1, 1]} : vector<400x16xi32> to vector<400x1xi32>
    %eq3A_464 = vector.broadcast %slice3A_463 : vector<400x1xi32> to vector<400x16xi32>
    %eq3A_465 = arith.cmpi eq, %eq3A_464, %iota3A : vector<400x16xi32>
    %convert_element_type3A_466 = arith.extui %eq3A_465 : vector<400x16xi1> to vector<400x16xi32>
    %convert_element_type3A_467 = arith.sitofp %convert_element_type3A_466 : vector<400x16xi32> to vector<400x16xf32>
    %slice3A_468 = vector.extract_strided_slice %get3A_16 {offsets = [0, 6], sizes = [400, 1], strides = [1, 1]} : vector<400x16xi32> to vector<400x1xi32>
    %eq3A_469 = vector.broadcast %slice3A_468 : vector<400x1xi32> to vector<400x16xi32>
    %eq3A_470 = arith.cmpi eq, %eq3A_469, %iota3A : vector<400x16xi32>
    %convert_element_type3A_471 = arith.extui %eq3A_470 : vector<400x16xi1> to vector<400x16xi32>
    %convert_element_type3A_472 = arith.sitofp %convert_element_type3A_471 : vector<400x16xi32> to vector<400x16xf32>
    %slice3A_473 = vector.extract_strided_slice %add3A_72 {offsets = [0, 6], sizes = [400, 1], strides = [1, 1]} : vector<400x16xi32> to vector<400x1xi32>
    %eq3A_474 = vector.broadcast %slice3A_473 : vector<400x1xi32> to vector<400x4xi32>
    %eq3A_475 = arith.cmpi eq, %eq3A_474, %iota3A_47 : vector<400x4xi32>
    %convert_element_type3A_476 = arith.extui %eq3A_475 : vector<400x4xi1> to vector<400x4xi32>
    %convert_element_type3A_477 = arith.sitofp %convert_element_type3A_476 : vector<400x4xi32> to vector<400x4xf32>
    %slice3A_478 = vector.extract_strided_slice %get3A_19 {offsets = [0, 6], sizes = [400, 1], strides = [1, 1]} : vector<400x16xi32> to vector<400x1xi32>
    %eq3A_479 = vector.broadcast %slice3A_478 : vector<400x1xi32> to vector<400x16xi32>
    %eq3A_480 = arith.cmpi eq, %eq3A_479, %iota3A : vector<400x16xi32>
    %convert_element_type3A_481 = arith.extui %eq3A_480 : vector<400x16xi1> to vector<400x16xi32>
    %convert_element_type3A_482 = arith.sitofp %convert_element_type3A_481 : vector<400x16xi32> to vector<400x16xf32>
    %dot_general3A_483 = arith.constant dense<0.000000e+00> : vector<400x256xf32>
    %dot_general3A_484 = tpu.matmul %convert_element_type3A_467, %get3A_46, %dot_general3A_483 {dimension_numbers = #tpu.dot_dimension_numbers<[1], [0], [0], [1], [0, 0, 1, 1], [], []>, transpose_lhs_hint = false} : vector<400x16xf32>, vector<16x256xf32>, vector<400x256xf32> -> vector<400x256xf32>
    %dot_general3A_485 = arith.constant dense<0.000000e+00> : vector<400x256xf32>
    %dot_general3A_486 = tpu.matmul %convert_element_type3A_467, %get3A_34, %dot_general3A_485 {dimension_numbers = #tpu.dot_dimension_numbers<[1], [0], [0], [1], [0, 0, 1, 1], [], []>, transpose_lhs_hint = false} : vector<400x16xf32>, vector<16x256xf32>, vector<400x256xf32> -> vector<400x256xf32>
    %dot_general3A_487 = arith.constant dense<0.000000e+00> : vector<400x256xf32>
    %dot_general3A_488 = tpu.matmul %convert_element_type3A_472, %get3A_37, %dot_general3A_487 {dimension_numbers = #tpu.dot_dimension_numbers<[1], [0], [0], [1], [0, 0, 1, 1], [], []>, transpose_lhs_hint = false} : vector<400x16xf32>, vector<16x256xf32>, vector<400x256xf32> -> vector<400x256xf32>
    %add3A_489 = arith.addf %dot_general3A_486, %dot_general3A_488 : vector<400x256xf32>
    %dot_general3A_490 = arith.constant dense<0.000000e+00> : vector<400x256xf32>
    %dot_general3A_491 = tpu.matmul %convert_element_type3A_477, %get3A_40, %dot_general3A_490 {dimension_numbers = #tpu.dot_dimension_numbers<[1], [0], [0], [1], [0, 0, 1, 1], [], []>, transpose_lhs_hint = false} : vector<400x4xf32>, vector<4x256xf32>, vector<400x256xf32> -> vector<400x256xf32>
    %add3A_492 = arith.addf %add3A_489, %dot_general3A_491 : vector<400x256xf32>
    %dot_general3A_493 = arith.constant dense<0.000000e+00> : vector<400x256xf32>
    %dot_general3A_494 = tpu.matmul %convert_element_type3A_462, %get3A_43, %dot_general3A_493 {dimension_numbers = #tpu.dot_dimension_numbers<[1], [0], [0], [1], [0, 0, 1, 1], [], []>, transpose_lhs_hint = false} : vector<400x16xf32>, vector<16x256xf32>, vector<400x256xf32> -> vector<400x256xf32>
    %dot_general3A_495 = arith.constant dense<0.000000e+00> : vector<400x256xf32>
    %dot_general3A_496 = tpu.matmul %convert_element_type3A_482, %get3A_25, %dot_general3A_495 {dimension_numbers = #tpu.dot_dimension_numbers<[1], [0], [0], [1], [0, 0, 1, 1], [], []>, transpose_lhs_hint = false} : vector<400x16xf32>, vector<16x256xf32>, vector<400x256xf32> -> vector<400x256xf32>
    %add3A_497 = arith.addf %dot_general3A_496, %dot_general3A_494 : vector<400x256xf32>
    %dot_general3A_498 = arith.constant dense<0.000000e+00> : vector<400x256xf32>
    %dot_general3A_499 = tpu.matmul %convert_element_type3A_482, %get3A_28, %dot_general3A_498 {dimension_numbers = #tpu.dot_dimension_numbers<[1], [0], [0], [1], [0, 0, 1, 1], [], []>, transpose_lhs_hint = false} : vector<400x16xf32>, vector<16x256xf32>, vector<400x256xf32> -> vector<400x256xf32>
    %add3A_500 = arith.addf %dot_general3A_499, %add3A_492 : vector<400x256xf32>
    %mul3A_501 = arith.mulf %dot_general3A_58, %add3A_497 : vector<400x256xf32>
    %reduce_sum3A_502 = arith.constant dense<0.000000e+00> : vector<400xf32>
    %reduce_sum3A_503 = vector.multi_reduction <add>, %mul3A_501, %reduce_sum3A_502 [1] : vector<400x256xf32> to vector<400xf32>
    %broadcast_in_dim3A_504 = vector.shape_cast %reduce_sum3A_503 : vector<400xf32> to vector<400x1xf32>
    %mul3A_505 = arith.constant 6.250000e-02 : f32
    %mul3A_506 = vector.broadcast %mul3A_505 : f32 to vector<400x1xf32>
    %mul3A_507 = arith.mulf %broadcast_in_dim3A_504, %mul3A_506 : vector<400x1xf32>
    %slice3A_508 = vector.extract_strided_slice %get3A_4 {offsets = [0, 7], sizes = [400, 1], strides = [1, 1]} : vector<400x16xf32> to vector<400x1xf32>
    %slice3A_509 = vector.extract_strided_slice %get3A_10 {offsets = [0, 7], sizes = [400, 1], strides = [1, 1]} : vector<400x16xi32> to vector<400x1xi32>
    %eq3A_510 = vector.broadcast %slice3A_509 : vector<400x1xi32> to vector<400x16xi32>
    %eq3A_511 = arith.cmpi eq, %get3A_10, %eq3A_510 : vector<400x16xi32>
    %jit3A_512 = arith.constant 1.000000e+09 : f32
    %broadcast_in_dim3A_513 = vector.broadcast %jit3A_512 : f32 to vector<400x16xf32>
    %select_n3A_514 = arith.select %eq3A_511, %get3A_4, %broadcast_in_dim3A_513 : vector<400x16xi1>, vector<400x16xf32>
    %reduce_min3A_515 = arith.constant dense<0x7F800000> : vector<400xf32>
    %reduce_min3A_516 = vector.multi_reduction <minimumf>, %select_n3A_514, %reduce_min3A_515 [1] : vector<400x16xf32> to vector<400xf32>
    %broadcast_in_dim3A_517 = vector.shape_cast %reduce_min3A_516 : vector<400xf32> to vector<400x1xf32>
    %eq3A_518 = arith.cmpf oeq, %slice3A_508, %broadcast_in_dim3A_517 : vector<400x1xf32>
    %convert_element_type3A_519 = arith.extui %eq3A_518 : vector<400x1xi1> to vector<400x1xi32>
    %add3A_520 = arith.addi %slice3A_509, %convert_element_type3A_519 : vector<400x1xi32>
    %eq3A_521 = vector.broadcast %add3A_520 : vector<400x1xi32> to vector<400x16xi32>
    %eq3A_522 = arith.cmpi eq, %eq3A_521, %iota3A : vector<400x16xi32>
    %convert_element_type3A_523 = arith.extui %eq3A_522 : vector<400x16xi1> to vector<400x16xi32>
    %convert_element_type3A_524 = arith.sitofp %convert_element_type3A_523 : vector<400x16xi32> to vector<400x16xf32>
    %slice3A_525 = vector.extract_strided_slice %get3A_13 {offsets = [0, 7], sizes = [400, 1], strides = [1, 1]} : vector<400x16xi32> to vector<400x1xi32>
    %eq3A_526 = vector.broadcast %slice3A_525 : vector<400x1xi32> to vector<400x16xi32>
    %eq3A_527 = arith.cmpi eq, %eq3A_526, %iota3A : vector<400x16xi32>
    %convert_element_type3A_528 = arith.extui %eq3A_527 : vector<400x16xi1> to vector<400x16xi32>
    %convert_element_type3A_529 = arith.sitofp %convert_element_type3A_528 : vector<400x16xi32> to vector<400x16xf32>
    %slice3A_530 = vector.extract_strided_slice %get3A_16 {offsets = [0, 7], sizes = [400, 1], strides = [1, 1]} : vector<400x16xi32> to vector<400x1xi32>
    %eq3A_531 = vector.broadcast %slice3A_530 : vector<400x1xi32> to vector<400x16xi32>
    %eq3A_532 = arith.cmpi eq, %eq3A_531, %iota3A : vector<400x16xi32>
    %convert_element_type3A_533 = arith.extui %eq3A_532 : vector<400x16xi1> to vector<400x16xi32>
    %convert_element_type3A_534 = arith.sitofp %convert_element_type3A_533 : vector<400x16xi32> to vector<400x16xf32>
    %slice3A_535 = vector.extract_strided_slice %add3A_72 {offsets = [0, 7], sizes = [400, 1], strides = [1, 1]} : vector<400x16xi32> to vector<400x1xi32>
    %eq3A_536 = vector.broadcast %slice3A_535 : vector<400x1xi32> to vector<400x4xi32>
    %eq3A_537 = arith.cmpi eq, %eq3A_536, %iota3A_47 : vector<400x4xi32>
    %convert_element_type3A_538 = arith.extui %eq3A_537 : vector<400x4xi1> to vector<400x4xi32>
    %convert_element_type3A_539 = arith.sitofp %convert_element_type3A_538 : vector<400x4xi32> to vector<400x4xf32>
    %slice3A_540 = vector.extract_strided_slice %get3A_19 {offsets = [0, 7], sizes = [400, 1], strides = [1, 1]} : vector<400x16xi32> to vector<400x1xi32>
    %eq3A_541 = vector.broadcast %slice3A_540 : vector<400x1xi32> to vector<400x16xi32>
    %eq3A_542 = arith.cmpi eq, %eq3A_541, %iota3A : vector<400x16xi32>
    %convert_element_type3A_543 = arith.extui %eq3A_542 : vector<400x16xi1> to vector<400x16xi32>
    %convert_element_type3A_544 = arith.sitofp %convert_element_type3A_543 : vector<400x16xi32> to vector<400x16xf32>
    %dot_general3A_545 = arith.constant dense<0.000000e+00> : vector<400x256xf32>
    %dot_general3A_546 = tpu.matmul %convert_element_type3A_529, %get3A_46, %dot_general3A_545 {dimension_numbers = #tpu.dot_dimension_numbers<[1], [0], [0], [1], [0, 0, 1, 1], [], []>, transpose_lhs_hint = false} : vector<400x16xf32>, vector<16x256xf32>, vector<400x256xf32> -> vector<400x256xf32>
    %dot_general3A_547 = arith.constant dense<0.000000e+00> : vector<400x256xf32>
    %dot_general3A_548 = tpu.matmul %convert_element_type3A_529, %get3A_34, %dot_general3A_547 {dimension_numbers = #tpu.dot_dimension_numbers<[1], [0], [0], [1], [0, 0, 1, 1], [], []>, transpose_lhs_hint = false} : vector<400x16xf32>, vector<16x256xf32>, vector<400x256xf32> -> vector<400x256xf32>
    %dot_general3A_549 = arith.constant dense<0.000000e+00> : vector<400x256xf32>
    %dot_general3A_550 = tpu.matmul %convert_element_type3A_534, %get3A_37, %dot_general3A_549 {dimension_numbers = #tpu.dot_dimension_numbers<[1], [0], [0], [1], [0, 0, 1, 1], [], []>, transpose_lhs_hint = false} : vector<400x16xf32>, vector<16x256xf32>, vector<400x256xf32> -> vector<400x256xf32>
    %add3A_551 = arith.addf %dot_general3A_548, %dot_general3A_550 : vector<400x256xf32>
    %dot_general3A_552 = arith.constant dense<0.000000e+00> : vector<400x256xf32>
    %dot_general3A_553 = tpu.matmul %convert_element_type3A_539, %get3A_40, %dot_general3A_552 {dimension_numbers = #tpu.dot_dimension_numbers<[1], [0], [0], [1], [0, 0, 1, 1], [], []>, transpose_lhs_hint = false} : vector<400x4xf32>, vector<4x256xf32>, vector<400x256xf32> -> vector<400x256xf32>
    %add3A_554 = arith.addf %add3A_551, %dot_general3A_553 : vector<400x256xf32>
    %dot_general3A_555 = arith.constant dense<0.000000e+00> : vector<400x256xf32>
    %dot_general3A_556 = tpu.matmul %convert_element_type3A_524, %get3A_43, %dot_general3A_555 {dimension_numbers = #tpu.dot_dimension_numbers<[1], [0], [0], [1], [0, 0, 1, 1], [], []>, transpose_lhs_hint = false} : vector<400x16xf32>, vector<16x256xf32>, vector<400x256xf32> -> vector<400x256xf32>
    %dot_general3A_557 = arith.constant dense<0.000000e+00> : vector<400x256xf32>
    %dot_general3A_558 = tpu.matmul %convert_element_type3A_544, %get3A_25, %dot_general3A_557 {dimension_numbers = #tpu.dot_dimension_numbers<[1], [0], [0], [1], [0, 0, 1, 1], [], []>, transpose_lhs_hint = false} : vector<400x16xf32>, vector<16x256xf32>, vector<400x256xf32> -> vector<400x256xf32>
    %add3A_559 = arith.addf %dot_general3A_558, %dot_general3A_556 : vector<400x256xf32>
    %dot_general3A_560 = arith.constant dense<0.000000e+00> : vector<400x256xf32>
    %dot_general3A_561 = tpu.matmul %convert_element_type3A_544, %get3A_28, %dot_general3A_560 {dimension_numbers = #tpu.dot_dimension_numbers<[1], [0], [0], [1], [0, 0, 1, 1], [], []>, transpose_lhs_hint = false} : vector<400x16xf32>, vector<16x256xf32>, vector<400x256xf32> -> vector<400x256xf32>
    %add3A_562 = arith.addf %dot_general3A_561, %add3A_554 : vector<400x256xf32>
    %mul3A_563 = arith.mulf %dot_general3A_58, %add3A_559 : vector<400x256xf32>
    %reduce_sum3A_564 = arith.constant dense<0.000000e+00> : vector<400xf32>
    %reduce_sum3A_565 = vector.multi_reduction <add>, %mul3A_563, %reduce_sum3A_564 [1] : vector<400x256xf32> to vector<400xf32>
    %broadcast_in_dim3A_566 = vector.shape_cast %reduce_sum3A_565 : vector<400xf32> to vector<400x1xf32>
    %mul3A_567 = arith.constant 6.250000e-02 : f32
    %mul3A_568 = vector.broadcast %mul3A_567 : f32 to vector<400x1xf32>
    %mul3A_569 = arith.mulf %broadcast_in_dim3A_566, %mul3A_568 : vector<400x1xf32>
    %slice3A_570 = vector.extract_strided_slice %get3A_4 {offsets = [0, 8], sizes = [400, 1], strides = [1, 1]} : vector<400x16xf32> to vector<400x1xf32>
    %slice3A_571 = vector.extract_strided_slice %get3A_10 {offsets = [0, 8], sizes = [400, 1], strides = [1, 1]} : vector<400x16xi32> to vector<400x1xi32>
    %eq3A_572 = vector.broadcast %slice3A_571 : vector<400x1xi32> to vector<400x16xi32>
    %eq3A_573 = arith.cmpi eq, %get3A_10, %eq3A_572 : vector<400x16xi32>
    %jit3A_574 = arith.constant 1.000000e+09 : f32
    %broadcast_in_dim3A_575 = vector.broadcast %jit3A_574 : f32 to vector<400x16xf32>
    %select_n3A_576 = arith.select %eq3A_573, %get3A_4, %broadcast_in_dim3A_575 : vector<400x16xi1>, vector<400x16xf32>
    %reduce_min3A_577 = arith.constant dense<0x7F800000> : vector<400xf32>
    %reduce_min3A_578 = vector.multi_reduction <minimumf>, %select_n3A_576, %reduce_min3A_577 [1] : vector<400x16xf32> to vector<400xf32>
    %broadcast_in_dim3A_579 = vector.shape_cast %reduce_min3A_578 : vector<400xf32> to vector<400x1xf32>
    %eq3A_580 = arith.cmpf oeq, %slice3A_570, %broadcast_in_dim3A_579 : vector<400x1xf32>
    %convert_element_type3A_581 = arith.extui %eq3A_580 : vector<400x1xi1> to vector<400x1xi32>
    %add3A_582 = arith.addi %slice3A_571, %convert_element_type3A_581 : vector<400x1xi32>
    %eq3A_583 = vector.broadcast %add3A_582 : vector<400x1xi32> to vector<400x16xi32>
    %eq3A_584 = arith.cmpi eq, %eq3A_583, %iota3A : vector<400x16xi32>
    %convert_element_type3A_585 = arith.extui %eq3A_584 : vector<400x16xi1> to vector<400x16xi32>
    %convert_element_type3A_586 = arith.sitofp %convert_element_type3A_585 : vector<400x16xi32> to vector<400x16xf32>
    %slice3A_587 = vector.extract_strided_slice %get3A_13 {offsets = [0, 8], sizes = [400, 1], strides = [1, 1]} : vector<400x16xi32> to vector<400x1xi32>
    %eq3A_588 = vector.broadcast %slice3A_587 : vector<400x1xi32> to vector<400x16xi32>
    %eq3A_589 = arith.cmpi eq, %eq3A_588, %iota3A : vector<400x16xi32>
    %convert_element_type3A_590 = arith.extui %eq3A_589 : vector<400x16xi1> to vector<400x16xi32>
    %convert_element_type3A_591 = arith.sitofp %convert_element_type3A_590 : vector<400x16xi32> to vector<400x16xf32>
    %slice3A_592 = vector.extract_strided_slice %get3A_16 {offsets = [0, 8], sizes = [400, 1], strides = [1, 1]} : vector<400x16xi32> to vector<400x1xi32>
    %eq3A_593 = vector.broadcast %slice3A_592 : vector<400x1xi32> to vector<400x16xi32>
    %eq3A_594 = arith.cmpi eq, %eq3A_593, %iota3A : vector<400x16xi32>
    %convert_element_type3A_595 = arith.extui %eq3A_594 : vector<400x16xi1> to vector<400x16xi32>
    %convert_element_type3A_596 = arith.sitofp %convert_element_type3A_595 : vector<400x16xi32> to vector<400x16xf32>
    %slice3A_597 = vector.extract_strided_slice %add3A_72 {offsets = [0, 8], sizes = [400, 1], strides = [1, 1]} : vector<400x16xi32> to vector<400x1xi32>
    %eq3A_598 = vector.broadcast %slice3A_597 : vector<400x1xi32> to vector<400x4xi32>
    %eq3A_599 = arith.cmpi eq, %eq3A_598, %iota3A_47 : vector<400x4xi32>
    %convert_element_type3A_600 = arith.extui %eq3A_599 : vector<400x4xi1> to vector<400x4xi32>
    %convert_element_type3A_601 = arith.sitofp %convert_element_type3A_600 : vector<400x4xi32> to vector<400x4xf32>
    %slice3A_602 = vector.extract_strided_slice %get3A_19 {offsets = [0, 8], sizes = [400, 1], strides = [1, 1]} : vector<400x16xi32> to vector<400x1xi32>
    %eq3A_603 = vector.broadcast %slice3A_602 : vector<400x1xi32> to vector<400x16xi32>
    %eq3A_604 = arith.cmpi eq, %eq3A_603, %iota3A : vector<400x16xi32>
    %convert_element_type3A_605 = arith.extui %eq3A_604 : vector<400x16xi1> to vector<400x16xi32>
    %convert_element_type3A_606 = arith.sitofp %convert_element_type3A_605 : vector<400x16xi32> to vector<400x16xf32>
    %dot_general3A_607 = arith.constant dense<0.000000e+00> : vector<400x256xf32>
    %dot_general3A_608 = tpu.matmul %convert_element_type3A_591, %get3A_46, %dot_general3A_607 {dimension_numbers = #tpu.dot_dimension_numbers<[1], [0], [0], [1], [0, 0, 1, 1], [], []>, transpose_lhs_hint = false} : vector<400x16xf32>, vector<16x256xf32>, vector<400x256xf32> -> vector<400x256xf32>
    %dot_general3A_609 = arith.constant dense<0.000000e+00> : vector<400x256xf32>
    %dot_general3A_610 = tpu.matmul %convert_element_type3A_591, %get3A_34, %dot_general3A_609 {dimension_numbers = #tpu.dot_dimension_numbers<[1], [0], [0], [1], [0, 0, 1, 1], [], []>, transpose_lhs_hint = false} : vector<400x16xf32>, vector<16x256xf32>, vector<400x256xf32> -> vector<400x256xf32>
    %dot_general3A_611 = arith.constant dense<0.000000e+00> : vector<400x256xf32>
    %dot_general3A_612 = tpu.matmul %convert_element_type3A_596, %get3A_37, %dot_general3A_611 {dimension_numbers = #tpu.dot_dimension_numbers<[1], [0], [0], [1], [0, 0, 1, 1], [], []>, transpose_lhs_hint = false} : vector<400x16xf32>, vector<16x256xf32>, vector<400x256xf32> -> vector<400x256xf32>
    %add3A_613 = arith.addf %dot_general3A_610, %dot_general3A_612 : vector<400x256xf32>
    %dot_general3A_614 = arith.constant dense<0.000000e+00> : vector<400x256xf32>
    %dot_general3A_615 = tpu.matmul %convert_element_type3A_601, %get3A_40, %dot_general3A_614 {dimension_numbers = #tpu.dot_dimension_numbers<[1], [0], [0], [1], [0, 0, 1, 1], [], []>, transpose_lhs_hint = false} : vector<400x4xf32>, vector<4x256xf32>, vector<400x256xf32> -> vector<400x256xf32>
    %add3A_616 = arith.addf %add3A_613, %dot_general3A_615 : vector<400x256xf32>
    %dot_general3A_617 = arith.constant dense<0.000000e+00> : vector<400x256xf32>
    %dot_general3A_618 = tpu.matmul %convert_element_type3A_586, %get3A_43, %dot_general3A_617 {dimension_numbers = #tpu.dot_dimension_numbers<[1], [0], [0], [1], [0, 0, 1, 1], [], []>, transpose_lhs_hint = false} : vector<400x16xf32>, vector<16x256xf32>, vector<400x256xf32> -> vector<400x256xf32>
    %dot_general3A_619 = arith.constant dense<0.000000e+00> : vector<400x256xf32>
    %dot_general3A_620 = tpu.matmul %convert_element_type3A_606, %get3A_25, %dot_general3A_619 {dimension_numbers = #tpu.dot_dimension_numbers<[1], [0], [0], [1], [0, 0, 1, 1], [], []>, transpose_lhs_hint = false} : vector<400x16xf32>, vector<16x256xf32>, vector<400x256xf32> -> vector<400x256xf32>
    %add3A_621 = arith.addf %dot_general3A_620, %dot_general3A_618 : vector<400x256xf32>
    %dot_general3A_622 = arith.constant dense<0.000000e+00> : vector<400x256xf32>
    %dot_general3A_623 = tpu.matmul %convert_element_type3A_606, %get3A_28, %dot_general3A_622 {dimension_numbers = #tpu.dot_dimension_numbers<[1], [0], [0], [1], [0, 0, 1, 1], [], []>, transpose_lhs_hint = false} : vector<400x16xf32>, vector<16x256xf32>, vector<400x256xf32> -> vector<400x256xf32>
    %add3A_624 = arith.addf %dot_general3A_623, %add3A_616 : vector<400x256xf32>
    %mul3A_625 = arith.mulf %dot_general3A_58, %add3A_621 : vector<400x256xf32>
    %reduce_sum3A_626 = arith.constant dense<0.000000e+00> : vector<400xf32>
    %reduce_sum3A_627 = vector.multi_reduction <add>, %mul3A_625, %reduce_sum3A_626 [1] : vector<400x256xf32> to vector<400xf32>
    %broadcast_in_dim3A_628 = vector.shape_cast %reduce_sum3A_627 : vector<400xf32> to vector<400x1xf32>
    %mul3A_629 = arith.constant 6.250000e-02 : f32
    %mul3A_630 = vector.broadcast %mul3A_629 : f32 to vector<400x1xf32>
    %mul3A_631 = arith.mulf %broadcast_in_dim3A_628, %mul3A_630 : vector<400x1xf32>
    %slice3A_632 = vector.extract_strided_slice %get3A_4 {offsets = [0, 9], sizes = [400, 1], strides = [1, 1]} : vector<400x16xf32> to vector<400x1xf32>
    %slice3A_633 = vector.extract_strided_slice %get3A_10 {offsets = [0, 9], sizes = [400, 1], strides = [1, 1]} : vector<400x16xi32> to vector<400x1xi32>
    %eq3A_634 = vector.broadcast %slice3A_633 : vector<400x1xi32> to vector<400x16xi32>
    %eq3A_635 = arith.cmpi eq, %get3A_10, %eq3A_634 : vector<400x16xi32>
    %jit3A_636 = arith.constant 1.000000e+09 : f32
    %broadcast_in_dim3A_637 = vector.broadcast %jit3A_636 : f32 to vector<400x16xf32>
    %select_n3A_638 = arith.select %eq3A_635, %get3A_4, %broadcast_in_dim3A_637 : vector<400x16xi1>, vector<400x16xf32>
    %reduce_min3A_639 = arith.constant dense<0x7F800000> : vector<400xf32>
    %reduce_min3A_640 = vector.multi_reduction <minimumf>, %select_n3A_638, %reduce_min3A_639 [1] : vector<400x16xf32> to vector<400xf32>
    %broadcast_in_dim3A_641 = vector.shape_cast %reduce_min3A_640 : vector<400xf32> to vector<400x1xf32>
    %eq3A_642 = arith.cmpf oeq, %slice3A_632, %broadcast_in_dim3A_641 : vector<400x1xf32>
    %convert_element_type3A_643 = arith.extui %eq3A_642 : vector<400x1xi1> to vector<400x1xi32>
    %add3A_644 = arith.addi %slice3A_633, %convert_element_type3A_643 : vector<400x1xi32>
    %eq3A_645 = vector.broadcast %add3A_644 : vector<400x1xi32> to vector<400x16xi32>
    %eq3A_646 = arith.cmpi eq, %eq3A_645, %iota3A : vector<400x16xi32>
    %convert_element_type3A_647 = arith.extui %eq3A_646 : vector<400x16xi1> to vector<400x16xi32>
    %convert_element_type3A_648 = arith.sitofp %convert_element_type3A_647 : vector<400x16xi32> to vector<400x16xf32>
    %slice3A_649 = vector.extract_strided_slice %get3A_13 {offsets = [0, 9], sizes = [400, 1], strides = [1, 1]} : vector<400x16xi32> to vector<400x1xi32>
    %eq3A_650 = vector.broadcast %slice3A_649 : vector<400x1xi32> to vector<400x16xi32>
    %eq3A_651 = arith.cmpi eq, %eq3A_650, %iota3A : vector<400x16xi32>
    %convert_element_type3A_652 = arith.extui %eq3A_651 : vector<400x16xi1> to vector<400x16xi32>
    %convert_element_type3A_653 = arith.sitofp %convert_element_type3A_652 : vector<400x16xi32> to vector<400x16xf32>
    %slice3A_654 = vector.extract_strided_slice %get3A_16 {offsets = [0, 9], sizes = [400, 1], strides = [1, 1]} : vector<400x16xi32> to vector<400x1xi32>
    %eq3A_655 = vector.broadcast %slice3A_654 : vector<400x1xi32> to vector<400x16xi32>
    %eq3A_656 = arith.cmpi eq, %eq3A_655, %iota3A : vector<400x16xi32>
    %convert_element_type3A_657 = arith.extui %eq3A_656 : vector<400x16xi1> to vector<400x16xi32>
    %convert_element_type3A_658 = arith.sitofp %convert_element_type3A_657 : vector<400x16xi32> to vector<400x16xf32>
    %slice3A_659 = vector.extract_strided_slice %add3A_72 {offsets = [0, 9], sizes = [400, 1], strides = [1, 1]} : vector<400x16xi32> to vector<400x1xi32>
    %eq3A_660 = vector.broadcast %slice3A_659 : vector<400x1xi32> to vector<400x4xi32>
    %eq3A_661 = arith.cmpi eq, %eq3A_660, %iota3A_47 : vector<400x4xi32>
    %convert_element_type3A_662 = arith.extui %eq3A_661 : vector<400x4xi1> to vector<400x4xi32>
    %convert_element_type3A_663 = arith.sitofp %convert_element_type3A_662 : vector<400x4xi32> to vector<400x4xf32>
    %slice3A_664 = vector.extract_strided_slice %get3A_19 {offsets = [0, 9], sizes = [400, 1], strides = [1, 1]} : vector<400x16xi32> to vector<400x1xi32>
    %eq3A_665 = vector.broadcast %slice3A_664 : vector<400x1xi32> to vector<400x16xi32>
    %eq3A_666 = arith.cmpi eq, %eq3A_665, %iota3A : vector<400x16xi32>
    %convert_element_type3A_667 = arith.extui %eq3A_666 : vector<400x16xi1> to vector<400x16xi32>
    %convert_element_type3A_668 = arith.sitofp %convert_element_type3A_667 : vector<400x16xi32> to vector<400x16xf32>
    %dot_general3A_669 = arith.constant dense<0.000000e+00> : vector<400x256xf32>
    %dot_general3A_670 = tpu.matmul %convert_element_type3A_653, %get3A_46, %dot_general3A_669 {dimension_numbers = #tpu.dot_dimension_numbers<[1], [0], [0], [1], [0, 0, 1, 1], [], []>, transpose_lhs_hint = false} : vector<400x16xf32>, vector<16x256xf32>, vector<400x256xf32> -> vector<400x256xf32>
    %dot_general3A_671 = arith.constant dense<0.000000e+00> : vector<400x256xf32>
    %dot_general3A_672 = tpu.matmul %convert_element_type3A_653, %get3A_34, %dot_general3A_671 {dimension_numbers = #tpu.dot_dimension_numbers<[1], [0], [0], [1], [0, 0, 1, 1], [], []>, transpose_lhs_hint = false} : vector<400x16xf32>, vector<16x256xf32>, vector<400x256xf32> -> vector<400x256xf32>
    %dot_general3A_673 = arith.constant dense<0.000000e+00> : vector<400x256xf32>
    %dot_general3A_674 = tpu.matmul %convert_element_type3A_658, %get3A_37, %dot_general3A_673 {dimension_numbers = #tpu.dot_dimension_numbers<[1], [0], [0], [1], [0, 0, 1, 1], [], []>, transpose_lhs_hint = false} : vector<400x16xf32>, vector<16x256xf32>, vector<400x256xf32> -> vector<400x256xf32>
    %add3A_675 = arith.addf %dot_general3A_672, %dot_general3A_674 : vector<400x256xf32>
    %dot_general3A_676 = arith.constant dense<0.000000e+00> : vector<400x256xf32>
    %dot_general3A_677 = tpu.matmul %convert_element_type3A_663, %get3A_40, %dot_general3A_676 {dimension_numbers = #tpu.dot_dimension_numbers<[1], [0], [0], [1], [0, 0, 1, 1], [], []>, transpose_lhs_hint = false} : vector<400x4xf32>, vector<4x256xf32>, vector<400x256xf32> -> vector<400x256xf32>
    %add3A_678 = arith.addf %add3A_675, %dot_general3A_677 : vector<400x256xf32>
    %dot_general3A_679 = arith.constant dense<0.000000e+00> : vector<400x256xf32>
    %dot_general3A_680 = tpu.matmul %convert_element_type3A_648, %get3A_43, %dot_general3A_679 {dimension_numbers = #tpu.dot_dimension_numbers<[1], [0], [0], [1], [0, 0, 1, 1], [], []>, transpose_lhs_hint = false} : vector<400x16xf32>, vector<16x256xf32>, vector<400x256xf32> -> vector<400x256xf32>
    %dot_general3A_681 = arith.constant dense<0.000000e+00> : vector<400x256xf32>
    %dot_general3A_682 = tpu.matmul %convert_element_type3A_668, %get3A_25, %dot_general3A_681 {dimension_numbers = #tpu.dot_dimension_numbers<[1], [0], [0], [1], [0, 0, 1, 1], [], []>, transpose_lhs_hint = false} : vector<400x16xf32>, vector<16x256xf32>, vector<400x256xf32> -> vector<400x256xf32>
    %add3A_683 = arith.addf %dot_general3A_682, %dot_general3A_680 : vector<400x256xf32>
    %dot_general3A_684 = arith.constant dense<0.000000e+00> : vector<400x256xf32>
    %dot_general3A_685 = tpu.matmul %convert_element_type3A_668, %get3A_28, %dot_general3A_684 {dimension_numbers = #tpu.dot_dimension_numbers<[1], [0], [0], [1], [0, 0, 1, 1], [], []>, transpose_lhs_hint = false} : vector<400x16xf32>, vector<16x256xf32>, vector<400x256xf32> -> vector<400x256xf32>
    %add3A_686 = arith.addf %dot_general3A_685, %add3A_678 : vector<400x256xf32>
    %mul3A_687 = arith.mulf %dot_general3A_58, %add3A_683 : vector<400x256xf32>
    %reduce_sum3A_688 = arith.constant dense<0.000000e+00> : vector<400xf32>
    %reduce_sum3A_689 = vector.multi_reduction <add>, %mul3A_687, %reduce_sum3A_688 [1] : vector<400x256xf32> to vector<400xf32>
    %broadcast_in_dim3A_690 = vector.shape_cast %reduce_sum3A_689 : vector<400xf32> to vector<400x1xf32>
    %mul3A_691 = arith.constant 6.250000e-02 : f32
    %mul3A_692 = vector.broadcast %mul3A_691 : f32 to vector<400x1xf32>
    %mul3A_693 = arith.mulf %broadcast_in_dim3A_690, %mul3A_692 : vector<400x1xf32>
    %slice3A_694 = vector.extract_strided_slice %get3A_4 {offsets = [0, 10], sizes = [400, 1], strides = [1, 1]} : vector<400x16xf32> to vector<400x1xf32>
    %slice3A_695 = vector.extract_strided_slice %get3A_10 {offsets = [0, 10], sizes = [400, 1], strides = [1, 1]} : vector<400x16xi32> to vector<400x1xi32>
    %eq3A_696 = vector.broadcast %slice3A_695 : vector<400x1xi32> to vector<400x16xi32>
    %eq3A_697 = arith.cmpi eq, %get3A_10, %eq3A_696 : vector<400x16xi32>
    %jit3A_698 = arith.constant 1.000000e+09 : f32
    %broadcast_in_dim3A_699 = vector.broadcast %jit3A_698 : f32 to vector<400x16xf32>
    %select_n3A_700 = arith.select %eq3A_697, %get3A_4, %broadcast_in_dim3A_699 : vector<400x16xi1>, vector<400x16xf32>
    %reduce_min3A_701 = arith.constant dense<0x7F800000> : vector<400xf32>
    %reduce_min3A_702 = vector.multi_reduction <minimumf>, %select_n3A_700, %reduce_min3A_701 [1] : vector<400x16xf32> to vector<400xf32>
    %broadcast_in_dim3A_703 = vector.shape_cast %reduce_min3A_702 : vector<400xf32> to vector<400x1xf32>
    %eq3A_704 = arith.cmpf oeq, %slice3A_694, %broadcast_in_dim3A_703 : vector<400x1xf32>
    %convert_element_type3A_705 = arith.extui %eq3A_704 : vector<400x1xi1> to vector<400x1xi32>
    %add3A_706 = arith.addi %slice3A_695, %convert_element_type3A_705 : vector<400x1xi32>
    %eq3A_707 = vector.broadcast %add3A_706 : vector<400x1xi32> to vector<400x16xi32>
    %eq3A_708 = arith.cmpi eq, %eq3A_707, %iota3A : vector<400x16xi32>
    %convert_element_type3A_709 = arith.extui %eq3A_708 : vector<400x16xi1> to vector<400x16xi32>
    %convert_element_type3A_710 = arith.sitofp %convert_element_type3A_709 : vector<400x16xi32> to vector<400x16xf32>
    %slice3A_711 = vector.extract_strided_slice %get3A_13 {offsets = [0, 10], sizes = [400, 1], strides = [1, 1]} : vector<400x16xi32> to vector<400x1xi32>
    %eq3A_712 = vector.broadcast %slice3A_711 : vector<400x1xi32> to vector<400x16xi32>
    %eq3A_713 = arith.cmpi eq, %eq3A_712, %iota3A : vector<400x16xi32>
    %convert_element_type3A_714 = arith.extui %eq3A_713 : vector<400x16xi1> to vector<400x16xi32>
    %convert_element_type3A_715 = arith.sitofp %convert_element_type3A_714 : vector<400x16xi32> to vector<400x16xf32>
    %slice3A_716 = vector.extract_strided_slice %get3A_16 {offsets = [0, 10], sizes = [400, 1], strides = [1, 1]} : vector<400x16xi32> to vector<400x1xi32>
    %eq3A_717 = vector.broadcast %slice3A_716 : vector<400x1xi32> to vector<400x16xi32>
    %eq3A_718 = arith.cmpi eq, %eq3A_717, %iota3A : vector<400x16xi32>
    %convert_element_type3A_719 = arith.extui %eq3A_718 : vector<400x16xi1> to vector<400x16xi32>
    %convert_element_type3A_720 = arith.sitofp %convert_element_type3A_719 : vector<400x16xi32> to vector<400x16xf32>
    %slice3A_721 = vector.extract_strided_slice %add3A_72 {offsets = [0, 10], sizes = [400, 1], strides = [1, 1]} : vector<400x16xi32> to vector<400x1xi32>
    %eq3A_722 = vector.broadcast %slice3A_721 : vector<400x1xi32> to vector<400x4xi32>
    %eq3A_723 = arith.cmpi eq, %eq3A_722, %iota3A_47 : vector<400x4xi32>
    %convert_element_type3A_724 = arith.extui %eq3A_723 : vector<400x4xi1> to vector<400x4xi32>
    %convert_element_type3A_725 = arith.sitofp %convert_element_type3A_724 : vector<400x4xi32> to vector<400x4xf32>
    %slice3A_726 = vector.extract_strided_slice %get3A_19 {offsets = [0, 10], sizes = [400, 1], strides = [1, 1]} : vector<400x16xi32> to vector<400x1xi32>
    %eq3A_727 = vector.broadcast %slice3A_726 : vector<400x1xi32> to vector<400x16xi32>
    %eq3A_728 = arith.cmpi eq, %eq3A_727, %iota3A : vector<400x16xi32>
    %convert_element_type3A_729 = arith.extui %eq3A_728 : vector<400x16xi1> to vector<400x16xi32>
    %convert_element_type3A_730 = arith.sitofp %convert_element_type3A_729 : vector<400x16xi32> to vector<400x16xf32>
    %dot_general3A_731 = arith.constant dense<0.000000e+00> : vector<400x256xf32>
    %dot_general3A_732 = tpu.matmul %convert_element_type3A_715, %get3A_46, %dot_general3A_731 {dimension_numbers = #tpu.dot_dimension_numbers<[1], [0], [0], [1], [0, 0, 1, 1], [], []>, transpose_lhs_hint = false} : vector<400x16xf32>, vector<16x256xf32>, vector<400x256xf32> -> vector<400x256xf32>
    %dot_general3A_733 = arith.constant dense<0.000000e+00> : vector<400x256xf32>
    %dot_general3A_734 = tpu.matmul %convert_element_type3A_715, %get3A_34, %dot_general3A_733 {dimension_numbers = #tpu.dot_dimension_numbers<[1], [0], [0], [1], [0, 0, 1, 1], [], []>, transpose_lhs_hint = false} : vector<400x16xf32>, vector<16x256xf32>, vector<400x256xf32> -> vector<400x256xf32>
    %dot_general3A_735 = arith.constant dense<0.000000e+00> : vector<400x256xf32>
    %dot_general3A_736 = tpu.matmul %convert_element_type3A_720, %get3A_37, %dot_general3A_735 {dimension_numbers = #tpu.dot_dimension_numbers<[1], [0], [0], [1], [0, 0, 1, 1], [], []>, transpose_lhs_hint = false} : vector<400x16xf32>, vector<16x256xf32>, vector<400x256xf32> -> vector<400x256xf32>
    %add3A_737 = arith.addf %dot_general3A_734, %dot_general3A_736 : vector<400x256xf32>
    %dot_general3A_738 = arith.constant dense<0.000000e+00> : vector<400x256xf32>
    %dot_general3A_739 = tpu.matmul %convert_element_type3A_725, %get3A_40, %dot_general3A_738 {dimension_numbers = #tpu.dot_dimension_numbers<[1], [0], [0], [1], [0, 0, 1, 1], [], []>, transpose_lhs_hint = false} : vector<400x4xf32>, vector<4x256xf32>, vector<400x256xf32> -> vector<400x256xf32>
    %add3A_740 = arith.addf %add3A_737, %dot_general3A_739 : vector<400x256xf32>
    %dot_general3A_741 = arith.constant dense<0.000000e+00> : vector<400x256xf32>
    %dot_general3A_742 = tpu.matmul %convert_element_type3A_710, %get3A_43, %dot_general3A_741 {dimension_numbers = #tpu.dot_dimension_numbers<[1], [0], [0], [1], [0, 0, 1, 1], [], []>, transpose_lhs_hint = false} : vector<400x16xf32>, vector<16x256xf32>, vector<400x256xf32> -> vector<400x256xf32>
    %dot_general3A_743 = arith.constant dense<0.000000e+00> : vector<400x256xf32>
    %dot_general3A_744 = tpu.matmul %convert_element_type3A_730, %get3A_25, %dot_general3A_743 {dimension_numbers = #tpu.dot_dimension_numbers<[1], [0], [0], [1], [0, 0, 1, 1], [], []>, transpose_lhs_hint = false} : vector<400x16xf32>, vector<16x256xf32>, vector<400x256xf32> -> vector<400x256xf32>
    %add3A_745 = arith.addf %dot_general3A_744, %dot_general3A_742 : vector<400x256xf32>
    %dot_general3A_746 = arith.constant dense<0.000000e+00> : vector<400x256xf32>
    %dot_general3A_747 = tpu.matmul %convert_element_type3A_730, %get3A_28, %dot_general3A_746 {dimension_numbers = #tpu.dot_dimension_numbers<[1], [0], [0], [1], [0, 0, 1, 1], [], []>, transpose_lhs_hint = false} : vector<400x16xf32>, vector<16x256xf32>, vector<400x256xf32> -> vector<400x256xf32>
    %add3A_748 = arith.addf %dot_general3A_747, %add3A_740 : vector<400x256xf32>
    %mul3A_749 = arith.mulf %dot_general3A_58, %add3A_745 : vector<400x256xf32>
    %reduce_sum3A_750 = arith.constant dense<0.000000e+00> : vector<400xf32>
    %reduce_sum3A_751 = vector.multi_reduction <add>, %mul3A_749, %reduce_sum3A_750 [1] : vector<400x256xf32> to vector<400xf32>
    %broadcast_in_dim3A_752 = vector.shape_cast %reduce_sum3A_751 : vector<400xf32> to vector<400x1xf32>
    %mul3A_753 = arith.constant 6.250000e-02 : f32
    %mul3A_754 = vector.broadcast %mul3A_753 : f32 to vector<400x1xf32>
    %mul3A_755 = arith.mulf %broadcast_in_dim3A_752, %mul3A_754 : vector<400x1xf32>
    %slice3A_756 = vector.extract_strided_slice %get3A_4 {offsets = [0, 11], sizes = [400, 1], strides = [1, 1]} : vector<400x16xf32> to vector<400x1xf32>
    %slice3A_757 = vector.extract_strided_slice %get3A_10 {offsets = [0, 11], sizes = [400, 1], strides = [1, 1]} : vector<400x16xi32> to vector<400x1xi32>
    %eq3A_758 = vector.broadcast %slice3A_757 : vector<400x1xi32> to vector<400x16xi32>
    %eq3A_759 = arith.cmpi eq, %get3A_10, %eq3A_758 : vector<400x16xi32>
    %jit3A_760 = arith.constant 1.000000e+09 : f32
    %broadcast_in_dim3A_761 = vector.broadcast %jit3A_760 : f32 to vector<400x16xf32>
    %select_n3A_762 = arith.select %eq3A_759, %get3A_4, %broadcast_in_dim3A_761 : vector<400x16xi1>, vector<400x16xf32>
    %reduce_min3A_763 = arith.constant dense<0x7F800000> : vector<400xf32>
    %reduce_min3A_764 = vector.multi_reduction <minimumf>, %select_n3A_762, %reduce_min3A_763 [1] : vector<400x16xf32> to vector<400xf32>
    %broadcast_in_dim3A_765 = vector.shape_cast %reduce_min3A_764 : vector<400xf32> to vector<400x1xf32>
    %eq3A_766 = arith.cmpf oeq, %slice3A_756, %broadcast_in_dim3A_765 : vector<400x1xf32>
    %convert_element_type3A_767 = arith.extui %eq3A_766 : vector<400x1xi1> to vector<400x1xi32>
    %add3A_768 = arith.addi %slice3A_757, %convert_element_type3A_767 : vector<400x1xi32>
    %eq3A_769 = vector.broadcast %add3A_768 : vector<400x1xi32> to vector<400x16xi32>
    %eq3A_770 = arith.cmpi eq, %eq3A_769, %iota3A : vector<400x16xi32>
    %convert_element_type3A_771 = arith.extui %eq3A_770 : vector<400x16xi1> to vector<400x16xi32>
    %convert_element_type3A_772 = arith.sitofp %convert_element_type3A_771 : vector<400x16xi32> to vector<400x16xf32>
    %slice3A_773 = vector.extract_strided_slice %get3A_13 {offsets = [0, 11], sizes = [400, 1], strides = [1, 1]} : vector<400x16xi32> to vector<400x1xi32>
    %eq3A_774 = vector.broadcast %slice3A_773 : vector<400x1xi32> to vector<400x16xi32>
    %eq3A_775 = arith.cmpi eq, %eq3A_774, %iota3A : vector<400x16xi32>
    %convert_element_type3A_776 = arith.extui %eq3A_775 : vector<400x16xi1> to vector<400x16xi32>
    %convert_element_type3A_777 = arith.sitofp %convert_element_type3A_776 : vector<400x16xi32> to vector<400x16xf32>
    %slice3A_778 = vector.extract_strided_slice %get3A_16 {offsets = [0, 11], sizes = [400, 1], strides = [1, 1]} : vector<400x16xi32> to vector<400x1xi32>
    %eq3A_779 = vector.broadcast %slice3A_778 : vector<400x1xi32> to vector<400x16xi32>
    %eq3A_780 = arith.cmpi eq, %eq3A_779, %iota3A : vector<400x16xi32>
    %convert_element_type3A_781 = arith.extui %eq3A_780 : vector<400x16xi1> to vector<400x16xi32>
    %convert_element_type3A_782 = arith.sitofp %convert_element_type3A_781 : vector<400x16xi32> to vector<400x16xf32>
    %slice3A_783 = vector.extract_strided_slice %add3A_72 {offsets = [0, 11], sizes = [400, 1], strides = [1, 1]} : vector<400x16xi32> to vector<400x1xi32>
    %eq3A_784 = vector.broadcast %slice3A_783 : vector<400x1xi32> to vector<400x4xi32>
    %eq3A_785 = arith.cmpi eq, %eq3A_784, %iota3A_47 : vector<400x4xi32>
    %convert_element_type3A_786 = arith.extui %eq3A_785 : vector<400x4xi1> to vector<400x4xi32>
    %convert_element_type3A_787 = arith.sitofp %convert_element_type3A_786 : vector<400x4xi32> to vector<400x4xf32>
    %slice3A_788 = vector.extract_strided_slice %get3A_19 {offsets = [0, 11], sizes = [400, 1], strides = [1, 1]} : vector<400x16xi32> to vector<400x1xi32>
    %eq3A_789 = vector.broadcast %slice3A_788 : vector<400x1xi32> to vector<400x16xi32>
    %eq3A_790 = arith.cmpi eq, %eq3A_789, %iota3A : vector<400x16xi32>
    %convert_element_type3A_791 = arith.extui %eq3A_790 : vector<400x16xi1> to vector<400x16xi32>
    %convert_element_type3A_792 = arith.sitofp %convert_element_type3A_791 : vector<400x16xi32> to vector<400x16xf32>
    %dot_general3A_793 = arith.constant dense<0.000000e+00> : vector<400x256xf32>
    %dot_general3A_794 = tpu.matmul %convert_element_type3A_777, %get3A_46, %dot_general3A_793 {dimension_numbers = #tpu.dot_dimension_numbers<[1], [0], [0], [1], [0, 0, 1, 1], [], []>, transpose_lhs_hint = false} : vector<400x16xf32>, vector<16x256xf32>, vector<400x256xf32> -> vector<400x256xf32>
    %dot_general3A_795 = arith.constant dense<0.000000e+00> : vector<400x256xf32>
    %dot_general3A_796 = tpu.matmul %convert_element_type3A_777, %get3A_34, %dot_general3A_795 {dimension_numbers = #tpu.dot_dimension_numbers<[1], [0], [0], [1], [0, 0, 1, 1], [], []>, transpose_lhs_hint = false} : vector<400x16xf32>, vector<16x256xf32>, vector<400x256xf32> -> vector<400x256xf32>
    %dot_general3A_797 = arith.constant dense<0.000000e+00> : vector<400x256xf32>
    %dot_general3A_798 = tpu.matmul %convert_element_type3A_782, %get3A_37, %dot_general3A_797 {dimension_numbers = #tpu.dot_dimension_numbers<[1], [0], [0], [1], [0, 0, 1, 1], [], []>, transpose_lhs_hint = false} : vector<400x16xf32>, vector<16x256xf32>, vector<400x256xf32> -> vector<400x256xf32>
    %add3A_799 = arith.addf %dot_general3A_796, %dot_general3A_798 : vector<400x256xf32>
    %dot_general3A_800 = arith.constant dense<0.000000e+00> : vector<400x256xf32>
    %dot_general3A_801 = tpu.matmul %convert_element_type3A_787, %get3A_40, %dot_general3A_800 {dimension_numbers = #tpu.dot_dimension_numbers<[1], [0], [0], [1], [0, 0, 1, 1], [], []>, transpose_lhs_hint = false} : vector<400x4xf32>, vector<4x256xf32>, vector<400x256xf32> -> vector<400x256xf32>
    %add3A_802 = arith.addf %add3A_799, %dot_general3A_801 : vector<400x256xf32>
    %dot_general3A_803 = arith.constant dense<0.000000e+00> : vector<400x256xf32>
    %dot_general3A_804 = tpu.matmul %convert_element_type3A_772, %get3A_43, %dot_general3A_803 {dimension_numbers = #tpu.dot_dimension_numbers<[1], [0], [0], [1], [0, 0, 1, 1], [], []>, transpose_lhs_hint = false} : vector<400x16xf32>, vector<16x256xf32>, vector<400x256xf32> -> vector<400x256xf32>
    %dot_general3A_805 = arith.constant dense<0.000000e+00> : vector<400x256xf32>
    %dot_general3A_806 = tpu.matmul %convert_element_type3A_792, %get3A_25, %dot_general3A_805 {dimension_numbers = #tpu.dot_dimension_numbers<[1], [0], [0], [1], [0, 0, 1, 1], [], []>, transpose_lhs_hint = false} : vector<400x16xf32>, vector<16x256xf32>, vector<400x256xf32> -> vector<400x256xf32>
    %add3A_807 = arith.addf %dot_general3A_806, %dot_general3A_804 : vector<400x256xf32>
    %dot_general3A_808 = arith.constant dense<0.000000e+00> : vector<400x256xf32>
    %dot_general3A_809 = tpu.matmul %convert_element_type3A_792, %get3A_28, %dot_general3A_808 {dimension_numbers = #tpu.dot_dimension_numbers<[1], [0], [0], [1], [0, 0, 1, 1], [], []>, transpose_lhs_hint = false} : vector<400x16xf32>, vector<16x256xf32>, vector<400x256xf32> -> vector<400x256xf32>
    %add3A_810 = arith.addf %dot_general3A_809, %add3A_802 : vector<400x256xf32>
    %mul3A_811 = arith.mulf %dot_general3A_58, %add3A_807 : vector<400x256xf32>
    %reduce_sum3A_812 = arith.constant dense<0.000000e+00> : vector<400xf32>
    %reduce_sum3A_813 = vector.multi_reduction <add>, %mul3A_811, %reduce_sum3A_812 [1] : vector<400x256xf32> to vector<400xf32>
    %broadcast_in_dim3A_814 = vector.shape_cast %reduce_sum3A_813 : vector<400xf32> to vector<400x1xf32>
    %mul3A_815 = arith.constant 6.250000e-02 : f32
    %mul3A_816 = vector.broadcast %mul3A_815 : f32 to vector<400x1xf32>
    %mul3A_817 = arith.mulf %broadcast_in_dim3A_814, %mul3A_816 : vector<400x1xf32>
    %slice3A_818 = vector.extract_strided_slice %get3A_4 {offsets = [0, 12], sizes = [400, 1], strides = [1, 1]} : vector<400x16xf32> to vector<400x1xf32>
    %slice3A_819 = vector.extract_strided_slice %get3A_10 {offsets = [0, 12], sizes = [400, 1], strides = [1, 1]} : vector<400x16xi32> to vector<400x1xi32>
    %eq3A_820 = vector.broadcast %slice3A_819 : vector<400x1xi32> to vector<400x16xi32>
    %eq3A_821 = arith.cmpi eq, %get3A_10, %eq3A_820 : vector<400x16xi32>
    %jit3A_822 = arith.constant 1.000000e+09 : f32
    %broadcast_in_dim3A_823 = vector.broadcast %jit3A_822 : f32 to vector<400x16xf32>
    %select_n3A_824 = arith.select %eq3A_821, %get3A_4, %broadcast_in_dim3A_823 : vector<400x16xi1>, vector<400x16xf32>
    %reduce_min3A_825 = arith.constant dense<0x7F800000> : vector<400xf32>
    %reduce_min3A_826 = vector.multi_reduction <minimumf>, %select_n3A_824, %reduce_min3A_825 [1] : vector<400x16xf32> to vector<400xf32>
    %broadcast_in_dim3A_827 = vector.shape_cast %reduce_min3A_826 : vector<400xf32> to vector<400x1xf32>
    %eq3A_828 = arith.cmpf oeq, %slice3A_818, %broadcast_in_dim3A_827 : vector<400x1xf32>
    %convert_element_type3A_829 = arith.extui %eq3A_828 : vector<400x1xi1> to vector<400x1xi32>
    %add3A_830 = arith.addi %slice3A_819, %convert_element_type3A_829 : vector<400x1xi32>
    %eq3A_831 = vector.broadcast %add3A_830 : vector<400x1xi32> to vector<400x16xi32>
    %eq3A_832 = arith.cmpi eq, %eq3A_831, %iota3A : vector<400x16xi32>
    %convert_element_type3A_833 = arith.extui %eq3A_832 : vector<400x16xi1> to vector<400x16xi32>
    %convert_element_type3A_834 = arith.sitofp %convert_element_type3A_833 : vector<400x16xi32> to vector<400x16xf32>
    %slice3A_835 = vector.extract_strided_slice %get3A_13 {offsets = [0, 12], sizes = [400, 1], strides = [1, 1]} : vector<400x16xi32> to vector<400x1xi32>
    %eq3A_836 = vector.broadcast %slice3A_835 : vector<400x1xi32> to vector<400x16xi32>
    %eq3A_837 = arith.cmpi eq, %eq3A_836, %iota3A : vector<400x16xi32>
    %convert_element_type3A_838 = arith.extui %eq3A_837 : vector<400x16xi1> to vector<400x16xi32>
    %convert_element_type3A_839 = arith.sitofp %convert_element_type3A_838 : vector<400x16xi32> to vector<400x16xf32>
    %slice3A_840 = vector.extract_strided_slice %get3A_16 {offsets = [0, 12], sizes = [400, 1], strides = [1, 1]} : vector<400x16xi32> to vector<400x1xi32>
    %eq3A_841 = vector.broadcast %slice3A_840 : vector<400x1xi32> to vector<400x16xi32>
    %eq3A_842 = arith.cmpi eq, %eq3A_841, %iota3A : vector<400x16xi32>
    %convert_element_type3A_843 = arith.extui %eq3A_842 : vector<400x16xi1> to vector<400x16xi32>
    %convert_element_type3A_844 = arith.sitofp %convert_element_type3A_843 : vector<400x16xi32> to vector<400x16xf32>
    %slice3A_845 = vector.extract_strided_slice %add3A_72 {offsets = [0, 12], sizes = [400, 1], strides = [1, 1]} : vector<400x16xi32> to vector<400x1xi32>
    %eq3A_846 = vector.broadcast %slice3A_845 : vector<400x1xi32> to vector<400x4xi32>
    %eq3A_847 = arith.cmpi eq, %eq3A_846, %iota3A_47 : vector<400x4xi32>
    %convert_element_type3A_848 = arith.extui %eq3A_847 : vector<400x4xi1> to vector<400x4xi32>
    %convert_element_type3A_849 = arith.sitofp %convert_element_type3A_848 : vector<400x4xi32> to vector<400x4xf32>
    %slice3A_850 = vector.extract_strided_slice %get3A_19 {offsets = [0, 12], sizes = [400, 1], strides = [1, 1]} : vector<400x16xi32> to vector<400x1xi32>
    %eq3A_851 = vector.broadcast %slice3A_850 : vector<400x1xi32> to vector<400x16xi32>
    %eq3A_852 = arith.cmpi eq, %eq3A_851, %iota3A : vector<400x16xi32>
    %convert_element_type3A_853 = arith.extui %eq3A_852 : vector<400x16xi1> to vector<400x16xi32>
    %convert_element_type3A_854 = arith.sitofp %convert_element_type3A_853 : vector<400x16xi32> to vector<400x16xf32>
    %dot_general3A_855 = arith.constant dense<0.000000e+00> : vector<400x256xf32>
    %dot_general3A_856 = tpu.matmul %convert_element_type3A_839, %get3A_46, %dot_general3A_855 {dimension_numbers = #tpu.dot_dimension_numbers<[1], [0], [0], [1], [0, 0, 1, 1], [], []>, transpose_lhs_hint = false} : vector<400x16xf32>, vector<16x256xf32>, vector<400x256xf32> -> vector<400x256xf32>
    %dot_general3A_857 = arith.constant dense<0.000000e+00> : vector<400x256xf32>
    %dot_general3A_858 = tpu.matmul %convert_element_type3A_839, %get3A_34, %dot_general3A_857 {dimension_numbers = #tpu.dot_dimension_numbers<[1], [0], [0], [1], [0, 0, 1, 1], [], []>, transpose_lhs_hint = false} : vector<400x16xf32>, vector<16x256xf32>, vector<400x256xf32> -> vector<400x256xf32>
    %dot_general3A_859 = arith.constant dense<0.000000e+00> : vector<400x256xf32>
    %dot_general3A_860 = tpu.matmul %convert_element_type3A_844, %get3A_37, %dot_general3A_859 {dimension_numbers = #tpu.dot_dimension_numbers<[1], [0], [0], [1], [0, 0, 1, 1], [], []>, transpose_lhs_hint = false} : vector<400x16xf32>, vector<16x256xf32>, vector<400x256xf32> -> vector<400x256xf32>
    %add3A_861 = arith.addf %dot_general3A_858, %dot_general3A_860 : vector<400x256xf32>
    %dot_general3A_862 = arith.constant dense<0.000000e+00> : vector<400x256xf32>
    %dot_general3A_863 = tpu.matmul %convert_element_type3A_849, %get3A_40, %dot_general3A_862 {dimension_numbers = #tpu.dot_dimension_numbers<[1], [0], [0], [1], [0, 0, 1, 1], [], []>, transpose_lhs_hint = false} : vector<400x4xf32>, vector<4x256xf32>, vector<400x256xf32> -> vector<400x256xf32>
    %add3A_864 = arith.addf %add3A_861, %dot_general3A_863 : vector<400x256xf32>
    %dot_general3A_865 = arith.constant dense<0.000000e+00> : vector<400x256xf32>
    %dot_general3A_866 = tpu.matmul %convert_element_type3A_834, %get3A_43, %dot_general3A_865 {dimension_numbers = #tpu.dot_dimension_numbers<[1], [0], [0], [1], [0, 0, 1, 1], [], []>, transpose_lhs_hint = false} : vector<400x16xf32>, vector<16x256xf32>, vector<400x256xf32> -> vector<400x256xf32>
    %dot_general3A_867 = arith.constant dense<0.000000e+00> : vector<400x256xf32>
    %dot_general3A_868 = tpu.matmul %convert_element_type3A_854, %get3A_25, %dot_general3A_867 {dimension_numbers = #tpu.dot_dimension_numbers<[1], [0], [0], [1], [0, 0, 1, 1], [], []>, transpose_lhs_hint = false} : vector<400x16xf32>, vector<16x256xf32>, vector<400x256xf32> -> vector<400x256xf32>
    %add3A_869 = arith.addf %dot_general3A_868, %dot_general3A_866 : vector<400x256xf32>
    %dot_general3A_870 = arith.constant dense<0.000000e+00> : vector<400x256xf32>
    %dot_general3A_871 = tpu.matmul %convert_element_type3A_854, %get3A_28, %dot_general3A_870 {dimension_numbers = #tpu.dot_dimension_numbers<[1], [0], [0], [1], [0, 0, 1, 1], [], []>, transpose_lhs_hint = false} : vector<400x16xf32>, vector<16x256xf32>, vector<400x256xf32> -> vector<400x256xf32>
    %add3A_872 = arith.addf %dot_general3A_871, %add3A_864 : vector<400x256xf32>
    %mul3A_873 = arith.mulf %dot_general3A_58, %add3A_869 : vector<400x256xf32>
    %reduce_sum3A_874 = arith.constant dense<0.000000e+00> : vector<400xf32>
    %reduce_sum3A_875 = vector.multi_reduction <add>, %mul3A_873, %reduce_sum3A_874 [1] : vector<400x256xf32> to vector<400xf32>
    %broadcast_in_dim3A_876 = vector.shape_cast %reduce_sum3A_875 : vector<400xf32> to vector<400x1xf32>
    %mul3A_877 = arith.constant 6.250000e-02 : f32
    %mul3A_878 = vector.broadcast %mul3A_877 : f32 to vector<400x1xf32>
    %mul3A_879 = arith.mulf %broadcast_in_dim3A_876, %mul3A_878 : vector<400x1xf32>
    %slice3A_880 = vector.extract_strided_slice %get3A_4 {offsets = [0, 13], sizes = [400, 1], strides = [1, 1]} : vector<400x16xf32> to vector<400x1xf32>
    %slice3A_881 = vector.extract_strided_slice %get3A_10 {offsets = [0, 13], sizes = [400, 1], strides = [1, 1]} : vector<400x16xi32> to vector<400x1xi32>
    %eq3A_882 = vector.broadcast %slice3A_881 : vector<400x1xi32> to vector<400x16xi32>
    %eq3A_883 = arith.cmpi eq, %get3A_10, %eq3A_882 : vector<400x16xi32>
    %jit3A_884 = arith.constant 1.000000e+09 : f32
    %broadcast_in_dim3A_885 = vector.broadcast %jit3A_884 : f32 to vector<400x16xf32>
    %select_n3A_886 = arith.select %eq3A_883, %get3A_4, %broadcast_in_dim3A_885 : vector<400x16xi1>, vector<400x16xf32>
    %reduce_min3A_887 = arith.constant dense<0x7F800000> : vector<400xf32>
    %reduce_min3A_888 = vector.multi_reduction <minimumf>, %select_n3A_886, %reduce_min3A_887 [1] : vector<400x16xf32> to vector<400xf32>
    %broadcast_in_dim3A_889 = vector.shape_cast %reduce_min3A_888 : vector<400xf32> to vector<400x1xf32>
    %eq3A_890 = arith.cmpf oeq, %slice3A_880, %broadcast_in_dim3A_889 : vector<400x1xf32>
    %convert_element_type3A_891 = arith.extui %eq3A_890 : vector<400x1xi1> to vector<400x1xi32>
    %add3A_892 = arith.addi %slice3A_881, %convert_element_type3A_891 : vector<400x1xi32>
    %eq3A_893 = vector.broadcast %add3A_892 : vector<400x1xi32> to vector<400x16xi32>
    %eq3A_894 = arith.cmpi eq, %eq3A_893, %iota3A : vector<400x16xi32>
    %convert_element_type3A_895 = arith.extui %eq3A_894 : vector<400x16xi1> to vector<400x16xi32>
    %convert_element_type3A_896 = arith.sitofp %convert_element_type3A_895 : vector<400x16xi32> to vector<400x16xf32>
    %slice3A_897 = vector.extract_strided_slice %get3A_13 {offsets = [0, 13], sizes = [400, 1], strides = [1, 1]} : vector<400x16xi32> to vector<400x1xi32>
    %eq3A_898 = vector.broadcast %slice3A_897 : vector<400x1xi32> to vector<400x16xi32>
    %eq3A_899 = arith.cmpi eq, %eq3A_898, %iota3A : vector<400x16xi32>
    %convert_element_type3A_900 = arith.extui %eq3A_899 : vector<400x16xi1> to vector<400x16xi32>
    %convert_element_type3A_901 = arith.sitofp %convert_element_type3A_900 : vector<400x16xi32> to vector<400x16xf32>
    %slice3A_902 = vector.extract_strided_slice %get3A_16 {offsets = [0, 13], sizes = [400, 1], strides = [1, 1]} : vector<400x16xi32> to vector<400x1xi32>
    %eq3A_903 = vector.broadcast %slice3A_902 : vector<400x1xi32> to vector<400x16xi32>
    %eq3A_904 = arith.cmpi eq, %eq3A_903, %iota3A : vector<400x16xi32>
    %convert_element_type3A_905 = arith.extui %eq3A_904 : vector<400x16xi1> to vector<400x16xi32>
    %convert_element_type3A_906 = arith.sitofp %convert_element_type3A_905 : vector<400x16xi32> to vector<400x16xf32>
    %slice3A_907 = vector.extract_strided_slice %add3A_72 {offsets = [0, 13], sizes = [400, 1], strides = [1, 1]} : vector<400x16xi32> to vector<400x1xi32>
    %eq3A_908 = vector.broadcast %slice3A_907 : vector<400x1xi32> to vector<400x4xi32>
    %eq3A_909 = arith.cmpi eq, %eq3A_908, %iota3A_47 : vector<400x4xi32>
    %convert_element_type3A_910 = arith.extui %eq3A_909 : vector<400x4xi1> to vector<400x4xi32>
    %convert_element_type3A_911 = arith.sitofp %convert_element_type3A_910 : vector<400x4xi32> to vector<400x4xf32>
    %slice3A_912 = vector.extract_strided_slice %get3A_19 {offsets = [0, 13], sizes = [400, 1], strides = [1, 1]} : vector<400x16xi32> to vector<400x1xi32>
    %eq3A_913 = vector.broadcast %slice3A_912 : vector<400x1xi32> to vector<400x16xi32>
    %eq3A_914 = arith.cmpi eq, %eq3A_913, %iota3A : vector<400x16xi32>
    %convert_element_type3A_915 = arith.extui %eq3A_914 : vector<400x16xi1> to vector<400x16xi32>
    %convert_element_type3A_916 = arith.sitofp %convert_element_type3A_915 : vector<400x16xi32> to vector<400x16xf32>
    %dot_general3A_917 = arith.constant dense<0.000000e+00> : vector<400x256xf32>
    %dot_general3A_918 = tpu.matmul %convert_element_type3A_901, %get3A_46, %dot_general3A_917 {dimension_numbers = #tpu.dot_dimension_numbers<[1], [0], [0], [1], [0, 0, 1, 1], [], []>, transpose_lhs_hint = false} : vector<400x16xf32>, vector<16x256xf32>, vector<400x256xf32> -> vector<400x256xf32>
    %dot_general3A_919 = arith.constant dense<0.000000e+00> : vector<400x256xf32>
    %dot_general3A_920 = tpu.matmul %convert_element_type3A_901, %get3A_34, %dot_general3A_919 {dimension_numbers = #tpu.dot_dimension_numbers<[1], [0], [0], [1], [0, 0, 1, 1], [], []>, transpose_lhs_hint = false} : vector<400x16xf32>, vector<16x256xf32>, vector<400x256xf32> -> vector<400x256xf32>
    %dot_general3A_921 = arith.constant dense<0.000000e+00> : vector<400x256xf32>
    %dot_general3A_922 = tpu.matmul %convert_element_type3A_906, %get3A_37, %dot_general3A_921 {dimension_numbers = #tpu.dot_dimension_numbers<[1], [0], [0], [1], [0, 0, 1, 1], [], []>, transpose_lhs_hint = false} : vector<400x16xf32>, vector<16x256xf32>, vector<400x256xf32> -> vector<400x256xf32>
    %add3A_923 = arith.addf %dot_general3A_920, %dot_general3A_922 : vector<400x256xf32>
    %dot_general3A_924 = arith.constant dense<0.000000e+00> : vector<400x256xf32>
    %dot_general3A_925 = tpu.matmul %convert_element_type3A_911, %get3A_40, %dot_general3A_924 {dimension_numbers = #tpu.dot_dimension_numbers<[1], [0], [0], [1], [0, 0, 1, 1], [], []>, transpose_lhs_hint = false} : vector<400x4xf32>, vector<4x256xf32>, vector<400x256xf32> -> vector<400x256xf32>
    %add3A_926 = arith.addf %add3A_923, %dot_general3A_925 : vector<400x256xf32>
    %dot_general3A_927 = arith.constant dense<0.000000e+00> : vector<400x256xf32>
    %dot_general3A_928 = tpu.matmul %convert_element_type3A_896, %get3A_43, %dot_general3A_927 {dimension_numbers = #tpu.dot_dimension_numbers<[1], [0], [0], [1], [0, 0, 1, 1], [], []>, transpose_lhs_hint = false} : vector<400x16xf32>, vector<16x256xf32>, vector<400x256xf32> -> vector<400x256xf32>
    %dot_general3A_929 = arith.constant dense<0.000000e+00> : vector<400x256xf32>
    %dot_general3A_930 = tpu.matmul %convert_element_type3A_916, %get3A_25, %dot_general3A_929 {dimension_numbers = #tpu.dot_dimension_numbers<[1], [0], [0], [1], [0, 0, 1, 1], [], []>, transpose_lhs_hint = false} : vector<400x16xf32>, vector<16x256xf32>, vector<400x256xf32> -> vector<400x256xf32>
    %add3A_931 = arith.addf %dot_general3A_930, %dot_general3A_928 : vector<400x256xf32>
    %dot_general3A_932 = arith.constant dense<0.000000e+00> : vector<400x256xf32>
    %dot_general3A_933 = tpu.matmul %convert_element_type3A_916, %get3A_28, %dot_general3A_932 {dimension_numbers = #tpu.dot_dimension_numbers<[1], [0], [0], [1], [0, 0, 1, 1], [], []>, transpose_lhs_hint = false} : vector<400x16xf32>, vector<16x256xf32>, vector<400x256xf32> -> vector<400x256xf32>
    %add3A_934 = arith.addf %dot_general3A_933, %add3A_926 : vector<400x256xf32>
    %mul3A_935 = arith.mulf %dot_general3A_58, %add3A_931 : vector<400x256xf32>
    %reduce_sum3A_936 = arith.constant dense<0.000000e+00> : vector<400xf32>
    %reduce_sum3A_937 = vector.multi_reduction <add>, %mul3A_935, %reduce_sum3A_936 [1] : vector<400x256xf32> to vector<400xf32>
    %broadcast_in_dim3A_938 = vector.shape_cast %reduce_sum3A_937 : vector<400xf32> to vector<400x1xf32>
    %mul3A_939 = arith.constant 6.250000e-02 : f32
    %mul3A_940 = vector.broadcast %mul3A_939 : f32 to vector<400x1xf32>
    %mul3A_941 = arith.mulf %broadcast_in_dim3A_938, %mul3A_940 : vector<400x1xf32>
    %slice3A_942 = vector.extract_strided_slice %get3A_4 {offsets = [0, 14], sizes = [400, 1], strides = [1, 1]} : vector<400x16xf32> to vector<400x1xf32>
    %slice3A_943 = vector.extract_strided_slice %get3A_10 {offsets = [0, 14], sizes = [400, 1], strides = [1, 1]} : vector<400x16xi32> to vector<400x1xi32>
    %eq3A_944 = vector.broadcast %slice3A_943 : vector<400x1xi32> to vector<400x16xi32>
    %eq3A_945 = arith.cmpi eq, %get3A_10, %eq3A_944 : vector<400x16xi32>
    %jit3A_946 = arith.constant 1.000000e+09 : f32
    %broadcast_in_dim3A_947 = vector.broadcast %jit3A_946 : f32 to vector<400x16xf32>
    %select_n3A_948 = arith.select %eq3A_945, %get3A_4, %broadcast_in_dim3A_947 : vector<400x16xi1>, vector<400x16xf32>
    %reduce_min3A_949 = arith.constant dense<0x7F800000> : vector<400xf32>
    %reduce_min3A_950 = vector.multi_reduction <minimumf>, %select_n3A_948, %reduce_min3A_949 [1] : vector<400x16xf32> to vector<400xf32>
    %broadcast_in_dim3A_951 = vector.shape_cast %reduce_min3A_950 : vector<400xf32> to vector<400x1xf32>
    %eq3A_952 = arith.cmpf oeq, %slice3A_942, %broadcast_in_dim3A_951 : vector<400x1xf32>
    %convert_element_type3A_953 = arith.extui %eq3A_952 : vector<400x1xi1> to vector<400x1xi32>
    %add3A_954 = arith.addi %slice3A_943, %convert_element_type3A_953 : vector<400x1xi32>
    %eq3A_955 = vector.broadcast %add3A_954 : vector<400x1xi32> to vector<400x16xi32>
    %eq3A_956 = arith.cmpi eq, %eq3A_955, %iota3A : vector<400x16xi32>
    %convert_element_type3A_957 = arith.extui %eq3A_956 : vector<400x16xi1> to vector<400x16xi32>
    %convert_element_type3A_958 = arith.sitofp %convert_element_type3A_957 : vector<400x16xi32> to vector<400x16xf32>
    %slice3A_959 = vector.extract_strided_slice %get3A_13 {offsets = [0, 14], sizes = [400, 1], strides = [1, 1]} : vector<400x16xi32> to vector<400x1xi32>
    %eq3A_960 = vector.broadcast %slice3A_959 : vector<400x1xi32> to vector<400x16xi32>
    %eq3A_961 = arith.cmpi eq, %eq3A_960, %iota3A : vector<400x16xi32>
    %convert_element_type3A_962 = arith.extui %eq3A_961 : vector<400x16xi1> to vector<400x16xi32>
    %convert_element_type3A_963 = arith.sitofp %convert_element_type3A_962 : vector<400x16xi32> to vector<400x16xf32>
    %slice3A_964 = vector.extract_strided_slice %get3A_16 {offsets = [0, 14], sizes = [400, 1], strides = [1, 1]} : vector<400x16xi32> to vector<400x1xi32>
    %eq3A_965 = vector.broadcast %slice3A_964 : vector<400x1xi32> to vector<400x16xi32>
    %eq3A_966 = arith.cmpi eq, %eq3A_965, %iota3A : vector<400x16xi32>
    %convert_element_type3A_967 = arith.extui %eq3A_966 : vector<400x16xi1> to vector<400x16xi32>
    %convert_element_type3A_968 = arith.sitofp %convert_element_type3A_967 : vector<400x16xi32> to vector<400x16xf32>
    %slice3A_969 = vector.extract_strided_slice %add3A_72 {offsets = [0, 14], sizes = [400, 1], strides = [1, 1]} : vector<400x16xi32> to vector<400x1xi32>
    %eq3A_970 = vector.broadcast %slice3A_969 : vector<400x1xi32> to vector<400x4xi32>
    %eq3A_971 = arith.cmpi eq, %eq3A_970, %iota3A_47 : vector<400x4xi32>
    %convert_element_type3A_972 = arith.extui %eq3A_971 : vector<400x4xi1> to vector<400x4xi32>
    %convert_element_type3A_973 = arith.sitofp %convert_element_type3A_972 : vector<400x4xi32> to vector<400x4xf32>
    %slice3A_974 = vector.extract_strided_slice %get3A_19 {offsets = [0, 14], sizes = [400, 1], strides = [1, 1]} : vector<400x16xi32> to vector<400x1xi32>
    %eq3A_975 = vector.broadcast %slice3A_974 : vector<400x1xi32> to vector<400x16xi32>
    %eq3A_976 = arith.cmpi eq, %eq3A_975, %iota3A : vector<400x16xi32>
    %convert_element_type3A_977 = arith.extui %eq3A_976 : vector<400x16xi1> to vector<400x16xi32>
    %convert_element_type3A_978 = arith.sitofp %convert_element_type3A_977 : vector<400x16xi32> to vector<400x16xf32>
    %dot_general3A_979 = arith.constant dense<0.000000e+00> : vector<400x256xf32>
    %dot_general3A_980 = tpu.matmul %convert_element_type3A_963, %get3A_46, %dot_general3A_979 {dimension_numbers = #tpu.dot_dimension_numbers<[1], [0], [0], [1], [0, 0, 1, 1], [], []>, transpose_lhs_hint = false} : vector<400x16xf32>, vector<16x256xf32>, vector<400x256xf32> -> vector<400x256xf32>
    %dot_general3A_981 = arith.constant dense<0.000000e+00> : vector<400x256xf32>
    %dot_general3A_982 = tpu.matmul %convert_element_type3A_963, %get3A_34, %dot_general3A_981 {dimension_numbers = #tpu.dot_dimension_numbers<[1], [0], [0], [1], [0, 0, 1, 1], [], []>, transpose_lhs_hint = false} : vector<400x16xf32>, vector<16x256xf32>, vector<400x256xf32> -> vector<400x256xf32>
    %dot_general3A_983 = arith.constant dense<0.000000e+00> : vector<400x256xf32>
    %dot_general3A_984 = tpu.matmul %convert_element_type3A_968, %get3A_37, %dot_general3A_983 {dimension_numbers = #tpu.dot_dimension_numbers<[1], [0], [0], [1], [0, 0, 1, 1], [], []>, transpose_lhs_hint = false} : vector<400x16xf32>, vector<16x256xf32>, vector<400x256xf32> -> vector<400x256xf32>
    %add3A_985 = arith.addf %dot_general3A_982, %dot_general3A_984 : vector<400x256xf32>
    %dot_general3A_986 = arith.constant dense<0.000000e+00> : vector<400x256xf32>
    %dot_general3A_987 = tpu.matmul %convert_element_type3A_973, %get3A_40, %dot_general3A_986 {dimension_numbers = #tpu.dot_dimension_numbers<[1], [0], [0], [1], [0, 0, 1, 1], [], []>, transpose_lhs_hint = false} : vector<400x4xf32>, vector<4x256xf32>, vector<400x256xf32> -> vector<400x256xf32>
    %add3A_988 = arith.addf %add3A_985, %dot_general3A_987 : vector<400x256xf32>
    %dot_general3A_989 = arith.constant dense<0.000000e+00> : vector<400x256xf32>
    %dot_general3A_990 = tpu.matmul %convert_element_type3A_958, %get3A_43, %dot_general3A_989 {dimension_numbers = #tpu.dot_dimension_numbers<[1], [0], [0], [1], [0, 0, 1, 1], [], []>, transpose_lhs_hint = false} : vector<400x16xf32>, vector<16x256xf32>, vector<400x256xf32> -> vector<400x256xf32>
    %dot_general3A_991 = arith.constant dense<0.000000e+00> : vector<400x256xf32>
    %dot_general3A_992 = tpu.matmul %convert_element_type3A_978, %get3A_25, %dot_general3A_991 {dimension_numbers = #tpu.dot_dimension_numbers<[1], [0], [0], [1], [0, 0, 1, 1], [], []>, transpose_lhs_hint = false} : vector<400x16xf32>, vector<16x256xf32>, vector<400x256xf32> -> vector<400x256xf32>
    %add3A_993 = arith.addf %dot_general3A_992, %dot_general3A_990 : vector<400x256xf32>
    %dot_general3A_994 = arith.constant dense<0.000000e+00> : vector<400x256xf32>
    %dot_general3A_995 = tpu.matmul %convert_element_type3A_978, %get3A_28, %dot_general3A_994 {dimension_numbers = #tpu.dot_dimension_numbers<[1], [0], [0], [1], [0, 0, 1, 1], [], []>, transpose_lhs_hint = false} : vector<400x16xf32>, vector<16x256xf32>, vector<400x256xf32> -> vector<400x256xf32>
    %add3A_996 = arith.addf %dot_general3A_995, %add3A_988 : vector<400x256xf32>
    %mul3A_997 = arith.mulf %dot_general3A_58, %add3A_993 : vector<400x256xf32>
    %reduce_sum3A_998 = arith.constant dense<0.000000e+00> : vector<400xf32>
    %reduce_sum3A_999 = vector.multi_reduction <add>, %mul3A_997, %reduce_sum3A_998 [1] : vector<400x256xf32> to vector<400xf32>
    %broadcast_in_dim3A_1000 = vector.shape_cast %reduce_sum3A_999 : vector<400xf32> to vector<400x1xf32>
    %mul3A_1001 = arith.constant 6.250000e-02 : f32
    %mul3A_1002 = vector.broadcast %mul3A_1001 : f32 to vector<400x1xf32>
    %mul3A_1003 = arith.mulf %broadcast_in_dim3A_1000, %mul3A_1002 : vector<400x1xf32>
    %slice3A_1004 = vector.extract_strided_slice %get3A_4 {offsets = [0, 15], sizes = [400, 1], strides = [1, 1]} : vector<400x16xf32> to vector<400x1xf32>
    %slice3A_1005 = vector.extract_strided_slice %get3A_10 {offsets = [0, 15], sizes = [400, 1], strides = [1, 1]} : vector<400x16xi32> to vector<400x1xi32>
    %eq3A_1006 = vector.broadcast %slice3A_1005 : vector<400x1xi32> to vector<400x16xi32>
    %eq3A_1007 = arith.cmpi eq, %get3A_10, %eq3A_1006 : vector<400x16xi32>
    %jit3A_1008 = arith.constant 1.000000e+09 : f32
    %broadcast_in_dim3A_1009 = vector.broadcast %jit3A_1008 : f32 to vector<400x16xf32>
    %select_n3A_1010 = arith.select %eq3A_1007, %get3A_4, %broadcast_in_dim3A_1009 : vector<400x16xi1>, vector<400x16xf32>
    %reduce_min3A_1011 = arith.constant dense<0x7F800000> : vector<400xf32>
    %reduce_min3A_1012 = vector.multi_reduction <minimumf>, %select_n3A_1010, %reduce_min3A_1011 [1] : vector<400x16xf32> to vector<400xf32>
    %broadcast_in_dim3A_1013 = vector.shape_cast %reduce_min3A_1012 : vector<400xf32> to vector<400x1xf32>
    %eq3A_1014 = arith.cmpf oeq, %slice3A_1004, %broadcast_in_dim3A_1013 : vector<400x1xf32>
    %convert_element_type3A_1015 = arith.extui %eq3A_1014 : vector<400x1xi1> to vector<400x1xi32>
    %add3A_1016 = arith.addi %slice3A_1005, %convert_element_type3A_1015 : vector<400x1xi32>
    %eq3A_1017 = vector.broadcast %add3A_1016 : vector<400x1xi32> to vector<400x16xi32>
    %eq3A_1018 = arith.cmpi eq, %eq3A_1017, %iota3A : vector<400x16xi32>
    %convert_element_type3A_1019 = arith.extui %eq3A_1018 : vector<400x16xi1> to vector<400x16xi32>
    %convert_element_type3A_1020 = arith.sitofp %convert_element_type3A_1019 : vector<400x16xi32> to vector<400x16xf32>
    %slice3A_1021 = vector.extract_strided_slice %get3A_13 {offsets = [0, 15], sizes = [400, 1], strides = [1, 1]} : vector<400x16xi32> to vector<400x1xi32>
    %eq3A_1022 = vector.broadcast %slice3A_1021 : vector<400x1xi32> to vector<400x16xi32>
    %eq3A_1023 = arith.cmpi eq, %eq3A_1022, %iota3A : vector<400x16xi32>
    %convert_element_type3A_1024 = arith.extui %eq3A_1023 : vector<400x16xi1> to vector<400x16xi32>
    %convert_element_type3A_1025 = arith.sitofp %convert_element_type3A_1024 : vector<400x16xi32> to vector<400x16xf32>
    %slice3A_1026 = vector.extract_strided_slice %get3A_16 {offsets = [0, 15], sizes = [400, 1], strides = [1, 1]} : vector<400x16xi32> to vector<400x1xi32>
    %eq3A_1027 = vector.broadcast %slice3A_1026 : vector<400x1xi32> to vector<400x16xi32>
    %eq3A_1028 = arith.cmpi eq, %eq3A_1027, %iota3A : vector<400x16xi32>
    %convert_element_type3A_1029 = arith.extui %eq3A_1028 : vector<400x16xi1> to vector<400x16xi32>
    %convert_element_type3A_1030 = arith.sitofp %convert_element_type3A_1029 : vector<400x16xi32> to vector<400x16xf32>
    %slice3A_1031 = vector.extract_strided_slice %add3A_72 {offsets = [0, 15], sizes = [400, 1], strides = [1, 1]} : vector<400x16xi32> to vector<400x1xi32>
    %eq3A_1032 = vector.broadcast %slice3A_1031 : vector<400x1xi32> to vector<400x4xi32>
    %eq3A_1033 = arith.cmpi eq, %eq3A_1032, %iota3A_47 : vector<400x4xi32>
    %convert_element_type3A_1034 = arith.extui %eq3A_1033 : vector<400x4xi1> to vector<400x4xi32>
    %convert_element_type3A_1035 = arith.sitofp %convert_element_type3A_1034 : vector<400x4xi32> to vector<400x4xf32>
    %slice3A_1036 = vector.extract_strided_slice %get3A_19 {offsets = [0, 15], sizes = [400, 1], strides = [1, 1]} : vector<400x16xi32> to vector<400x1xi32>
    %eq3A_1037 = vector.broadcast %slice3A_1036 : vector<400x1xi32> to vector<400x16xi32>
    %eq3A_1038 = arith.cmpi eq, %eq3A_1037, %iota3A : vector<400x16xi32>
    %convert_element_type3A_1039 = arith.extui %eq3A_1038 : vector<400x16xi1> to vector<400x16xi32>
    %convert_element_type3A_1040 = arith.sitofp %convert_element_type3A_1039 : vector<400x16xi32> to vector<400x16xf32>
    %dot_general3A_1041 = arith.constant dense<0.000000e+00> : vector<400x256xf32>
    %dot_general3A_1042 = tpu.matmul %convert_element_type3A_1025, %get3A_46, %dot_general3A_1041 {dimension_numbers = #tpu.dot_dimension_numbers<[1], [0], [0], [1], [0, 0, 1, 1], [], []>, transpose_lhs_hint = false} : vector<400x16xf32>, vector<16x256xf32>, vector<400x256xf32> -> vector<400x256xf32>
    %dot_general3A_1043 = arith.constant dense<0.000000e+00> : vector<400x256xf32>
    %dot_general3A_1044 = tpu.matmul %convert_element_type3A_1025, %get3A_34, %dot_general3A_1043 {dimension_numbers = #tpu.dot_dimension_numbers<[1], [0], [0], [1], [0, 0, 1, 1], [], []>, transpose_lhs_hint = false} : vector<400x16xf32>, vector<16x256xf32>, vector<400x256xf32> -> vector<400x256xf32>
    %dot_general3A_1045 = arith.constant dense<0.000000e+00> : vector<400x256xf32>
    %dot_general3A_1046 = tpu.matmul %convert_element_type3A_1030, %get3A_37, %dot_general3A_1045 {dimension_numbers = #tpu.dot_dimension_numbers<[1], [0], [0], [1], [0, 0, 1, 1], [], []>, transpose_lhs_hint = false} : vector<400x16xf32>, vector<16x256xf32>, vector<400x256xf32> -> vector<400x256xf32>
    %add3A_1047 = arith.addf %dot_general3A_1044, %dot_general3A_1046 : vector<400x256xf32>
    %dot_general3A_1048 = arith.constant dense<0.000000e+00> : vector<400x256xf32>
    %dot_general3A_1049 = tpu.matmul %convert_element_type3A_1035, %get3A_40, %dot_general3A_1048 {dimension_numbers = #tpu.dot_dimension_numbers<[1], [0], [0], [1], [0, 0, 1, 1], [], []>, transpose_lhs_hint = false} : vector<400x4xf32>, vector<4x256xf32>, vector<400x256xf32> -> vector<400x256xf32>
    %add3A_1050 = arith.addf %add3A_1047, %dot_general3A_1049 : vector<400x256xf32>
    %dot_general3A_1051 = arith.constant dense<0.000000e+00> : vector<400x256xf32>
    %dot_general3A_1052 = tpu.matmul %convert_element_type3A_1020, %get3A_43, %dot_general3A_1051 {dimension_numbers = #tpu.dot_dimension_numbers<[1], [0], [0], [1], [0, 0, 1, 1], [], []>, transpose_lhs_hint = false} : vector<400x16xf32>, vector<16x256xf32>, vector<400x256xf32> -> vector<400x256xf32>
    %dot_general3A_1053 = arith.constant dense<0.000000e+00> : vector<400x256xf32>
    %dot_general3A_1054 = tpu.matmul %convert_element_type3A_1040, %get3A_25, %dot_general3A_1053 {dimension_numbers = #tpu.dot_dimension_numbers<[1], [0], [0], [1], [0, 0, 1, 1], [], []>, transpose_lhs_hint = false} : vector<400x16xf32>, vector<16x256xf32>, vector<400x256xf32> -> vector<400x256xf32>
    %add3A_1055 = arith.addf %dot_general3A_1054, %dot_general3A_1052 : vector<400x256xf32>
    %dot_general3A_1056 = arith.constant dense<0.000000e+00> : vector<400x256xf32>
    %dot_general3A_1057 = tpu.matmul %convert_element_type3A_1040, %get3A_28, %dot_general3A_1056 {dimension_numbers = #tpu.dot_dimension_numbers<[1], [0], [0], [1], [0, 0, 1, 1], [], []>, transpose_lhs_hint = false} : vector<400x16xf32>, vector<16x256xf32>, vector<400x256xf32> -> vector<400x256xf32>
    %add3A_1058 = arith.addf %dot_general3A_1057, %add3A_1050 : vector<400x256xf32>
    %mul3A_1059 = arith.mulf %dot_general3A_58, %add3A_1055 : vector<400x256xf32>
    %reduce_sum3A_1060 = arith.constant dense<0.000000e+00> : vector<400xf32>
    %reduce_sum3A_1061 = vector.multi_reduction <add>, %mul3A_1059, %reduce_sum3A_1060 [1] : vector<400x256xf32> to vector<400xf32>
    %broadcast_in_dim3A_1062 = vector.shape_cast %reduce_sum3A_1061 : vector<400xf32> to vector<400x1xf32>
    %mul3A_1063 = arith.constant 6.250000e-02 : f32
    %mul3A_1064 = vector.broadcast %mul3A_1063 : f32 to vector<400x1xf32>
    %mul3A_1065 = arith.mulf %broadcast_in_dim3A_1062, %mul3A_1064 : vector<400x1xf32>
    %concatenate3A = tpu.concatenate %mul3A_77, %mul3A_135, %mul3A_197, %mul3A_259, %mul3A_321, %mul3A_383, %mul3A_445, %mul3A_507, %mul3A_569, %mul3A_631, %mul3A_693, %mul3A_755, %mul3A_817, %mul3A_879, %mul3A_941, %mul3A_1003, %mul3A_1065 in 1 : vector<400x1xf32>, vector<400x1xf32>, vector<400x1xf32>, vector<400x1xf32>, vector<400x1xf32>, vector<400x1xf32>, vector<400x1xf32>, vector<400x1xf32>, vector<400x1xf32>, vector<400x1xf32>, vector<400x1xf32>, vector<400x1xf32>, vector<400x1xf32>, vector<400x1xf32>, vector<400x1xf32>, vector<400x1xf32>, vector<400x1xf32> -> vector<400x17xf32>
    %iota3A_1066 = tpu.iota {dimensions = array<i32: 1>} : vector<400x17xi32>
    %convert_element_type3A_1067 = arith.sitofp %iota3A_1066 : vector<400x17xi32> to vector<400x17xf32>
    %broadcast_in_dim3A_1068 = arith.constant 0 : i32
    %broadcast_in_dim3A_1069 = vector.broadcast %broadcast_in_dim3A_1068 : i32 to vector<400x17xi32>
    %slice3A_1070 = vector.extract_strided_slice %concatenate3A {offsets = [0, 0], sizes = [400, 1], strides = [1, 1]} : vector<400x17xf32> to vector<400x1xf32>
    %gt3A = vector.broadcast %slice3A_1070 : vector<400x1xf32> to vector<400x17xf32>
    %gt3A_1071 = arith.cmpf ogt, %gt3A, %concatenate3A : vector<400x17xf32>
    %convert_element_type3A_1072 = arith.extui %gt3A_1071 : vector<400x17xi1> to vector<400x17xi32>
    %add3A_1073 = arith.addi %broadcast_in_dim3A_1069, %convert_element_type3A_1072 : vector<400x17xi32>
    %eq3A_1074 = vector.broadcast %slice3A_1070 : vector<400x1xf32> to vector<400x17xf32>
    %eq3A_1075 = arith.cmpf oeq, %eq3A_1074, %concatenate3A : vector<400x17xf32>
    %gt3A_1076 = arith.constant 0 : i32
    %gt3A_1077 = vector.broadcast %gt3A_1076 : i32 to vector<400x17xi32>
    %gt3A_1078 = arith.cmpi sgt, %iota3A_1066, %gt3A_1077 : vector<400x17xi32>
    %and3A = arith.andi %eq3A_1075, %gt3A_1078 : vector<400x17xi1>
    %convert_element_type3A_1079 = arith.extui %and3A : vector<400x17xi1> to vector<400x17xi32>
    %add3A_1080 = arith.addi %add3A_1073, %convert_element_type3A_1079 : vector<400x17xi32>
    %slice3A_1081 = vector.extract_strided_slice %concatenate3A {offsets = [0, 1], sizes = [400, 1], strides = [1, 1]} : vector<400x17xf32> to vector<400x1xf32>
    %gt3A_1082 = vector.broadcast %slice3A_1081 : vector<400x1xf32> to vector<400x17xf32>
    %gt3A_1083 = arith.cmpf ogt, %gt3A_1082, %concatenate3A : vector<400x17xf32>
    %convert_element_type3A_1084 = arith.extui %gt3A_1083 : vector<400x17xi1> to vector<400x17xi32>
    %add3A_1085 = arith.addi %add3A_1080, %convert_element_type3A_1084 : vector<400x17xi32>
    %eq3A_1086 = vector.broadcast %slice3A_1081 : vector<400x1xf32> to vector<400x17xf32>
    %eq3A_1087 = arith.cmpf oeq, %eq3A_1086, %concatenate3A : vector<400x17xf32>
    %gt3A_1088 = arith.constant 1 : i32
    %gt3A_1089 = vector.broadcast %gt3A_1088 : i32 to vector<400x17xi32>
    %gt3A_1090 = arith.cmpi sgt, %iota3A_1066, %gt3A_1089 : vector<400x17xi32>
    %and3A_1091 = arith.andi %eq3A_1087, %gt3A_1090 : vector<400x17xi1>
    %convert_element_type3A_1092 = arith.extui %and3A_1091 : vector<400x17xi1> to vector<400x17xi32>
    %add3A_1093 = arith.addi %add3A_1085, %convert_element_type3A_1092 : vector<400x17xi32>
    %slice3A_1094 = vector.extract_strided_slice %concatenate3A {offsets = [0, 2], sizes = [400, 1], strides = [1, 1]} : vector<400x17xf32> to vector<400x1xf32>
    %gt3A_1095 = vector.broadcast %slice3A_1094 : vector<400x1xf32> to vector<400x17xf32>
    %gt3A_1096 = arith.cmpf ogt, %gt3A_1095, %concatenate3A : vector<400x17xf32>
    %convert_element_type3A_1097 = arith.extui %gt3A_1096 : vector<400x17xi1> to vector<400x17xi32>
    %add3A_1098 = arith.addi %add3A_1093, %convert_element_type3A_1097 : vector<400x17xi32>
    %eq3A_1099 = vector.broadcast %slice3A_1094 : vector<400x1xf32> to vector<400x17xf32>
    %eq3A_1100 = arith.cmpf oeq, %eq3A_1099, %concatenate3A : vector<400x17xf32>
    %gt3A_1101 = arith.constant 2 : i32
    %gt3A_1102 = vector.broadcast %gt3A_1101 : i32 to vector<400x17xi32>
    %gt3A_1103 = arith.cmpi sgt, %iota3A_1066, %gt3A_1102 : vector<400x17xi32>
    %and3A_1104 = arith.andi %eq3A_1100, %gt3A_1103 : vector<400x17xi1>
    %convert_element_type3A_1105 = arith.extui %and3A_1104 : vector<400x17xi1> to vector<400x17xi32>
    %add3A_1106 = arith.addi %add3A_1098, %convert_element_type3A_1105 : vector<400x17xi32>
    %slice3A_1107 = vector.extract_strided_slice %concatenate3A {offsets = [0, 3], sizes = [400, 1], strides = [1, 1]} : vector<400x17xf32> to vector<400x1xf32>
    %gt3A_1108 = vector.broadcast %slice3A_1107 : vector<400x1xf32> to vector<400x17xf32>
    %gt3A_1109 = arith.cmpf ogt, %gt3A_1108, %concatenate3A : vector<400x17xf32>
    %convert_element_type3A_1110 = arith.extui %gt3A_1109 : vector<400x17xi1> to vector<400x17xi32>
    %add3A_1111 = arith.addi %add3A_1106, %convert_element_type3A_1110 : vector<400x17xi32>
    %eq3A_1112 = vector.broadcast %slice3A_1107 : vector<400x1xf32> to vector<400x17xf32>
    %eq3A_1113 = arith.cmpf oeq, %eq3A_1112, %concatenate3A : vector<400x17xf32>
    %gt3A_1114 = arith.constant 3 : i32
    %gt3A_1115 = vector.broadcast %gt3A_1114 : i32 to vector<400x17xi32>
    %gt3A_1116 = arith.cmpi sgt, %iota3A_1066, %gt3A_1115 : vector<400x17xi32>
    %and3A_1117 = arith.andi %eq3A_1113, %gt3A_1116 : vector<400x17xi1>
    %convert_element_type3A_1118 = arith.extui %and3A_1117 : vector<400x17xi1> to vector<400x17xi32>
    %add3A_1119 = arith.addi %add3A_1111, %convert_element_type3A_1118 : vector<400x17xi32>
    %slice3A_1120 = vector.extract_strided_slice %concatenate3A {offsets = [0, 4], sizes = [400, 1], strides = [1, 1]} : vector<400x17xf32> to vector<400x1xf32>
    %gt3A_1121 = vector.broadcast %slice3A_1120 : vector<400x1xf32> to vector<400x17xf32>
    %gt3A_1122 = arith.cmpf ogt, %gt3A_1121, %concatenate3A : vector<400x17xf32>
    %convert_element_type3A_1123 = arith.extui %gt3A_1122 : vector<400x17xi1> to vector<400x17xi32>
    %add3A_1124 = arith.addi %add3A_1119, %convert_element_type3A_1123 : vector<400x17xi32>
    %eq3A_1125 = vector.broadcast %slice3A_1120 : vector<400x1xf32> to vector<400x17xf32>
    %eq3A_1126 = arith.cmpf oeq, %eq3A_1125, %concatenate3A : vector<400x17xf32>
    %gt3A_1127 = arith.constant 4 : i32
    %gt3A_1128 = vector.broadcast %gt3A_1127 : i32 to vector<400x17xi32>
    %gt3A_1129 = arith.cmpi sgt, %iota3A_1066, %gt3A_1128 : vector<400x17xi32>
    %and3A_1130 = arith.andi %eq3A_1126, %gt3A_1129 : vector<400x17xi1>
    %convert_element_type3A_1131 = arith.extui %and3A_1130 : vector<400x17xi1> to vector<400x17xi32>
    %add3A_1132 = arith.addi %add3A_1124, %convert_element_type3A_1131 : vector<400x17xi32>
    %slice3A_1133 = vector.extract_strided_slice %concatenate3A {offsets = [0, 5], sizes = [400, 1], strides = [1, 1]} : vector<400x17xf32> to vector<400x1xf32>
    %gt3A_1134 = vector.broadcast %slice3A_1133 : vector<400x1xf32> to vector<400x17xf32>
    %gt3A_1135 = arith.cmpf ogt, %gt3A_1134, %concatenate3A : vector<400x17xf32>
    %convert_element_type3A_1136 = arith.extui %gt3A_1135 : vector<400x17xi1> to vector<400x17xi32>
    %add3A_1137 = arith.addi %add3A_1132, %convert_element_type3A_1136 : vector<400x17xi32>
    %eq3A_1138 = vector.broadcast %slice3A_1133 : vector<400x1xf32> to vector<400x17xf32>
    %eq3A_1139 = arith.cmpf oeq, %eq3A_1138, %concatenate3A : vector<400x17xf32>
    %gt3A_1140 = arith.constant 5 : i32
    %gt3A_1141 = vector.broadcast %gt3A_1140 : i32 to vector<400x17xi32>
    %gt3A_1142 = arith.cmpi sgt, %iota3A_1066, %gt3A_1141 : vector<400x17xi32>
    %and3A_1143 = arith.andi %eq3A_1139, %gt3A_1142 : vector<400x17xi1>
    %convert_element_type3A_1144 = arith.extui %and3A_1143 : vector<400x17xi1> to vector<400x17xi32>
    %add3A_1145 = arith.addi %add3A_1137, %convert_element_type3A_1144 : vector<400x17xi32>
    %slice3A_1146 = vector.extract_strided_slice %concatenate3A {offsets = [0, 6], sizes = [400, 1], strides = [1, 1]} : vector<400x17xf32> to vector<400x1xf32>
    %gt3A_1147 = vector.broadcast %slice3A_1146 : vector<400x1xf32> to vector<400x17xf32>
    %gt3A_1148 = arith.cmpf ogt, %gt3A_1147, %concatenate3A : vector<400x17xf32>
    %convert_element_type3A_1149 = arith.extui %gt3A_1148 : vector<400x17xi1> to vector<400x17xi32>
    %add3A_1150 = arith.addi %add3A_1145, %convert_element_type3A_1149 : vector<400x17xi32>
    %eq3A_1151 = vector.broadcast %slice3A_1146 : vector<400x1xf32> to vector<400x17xf32>
    %eq3A_1152 = arith.cmpf oeq, %eq3A_1151, %concatenate3A : vector<400x17xf32>
    %gt3A_1153 = arith.constant 6 : i32
    %gt3A_1154 = vector.broadcast %gt3A_1153 : i32 to vector<400x17xi32>
    %gt3A_1155 = arith.cmpi sgt, %iota3A_1066, %gt3A_1154 : vector<400x17xi32>
    %and3A_1156 = arith.andi %eq3A_1152, %gt3A_1155 : vector<400x17xi1>
    %convert_element_type3A_1157 = arith.extui %and3A_1156 : vector<400x17xi1> to vector<400x17xi32>
    %add3A_1158 = arith.addi %add3A_1150, %convert_element_type3A_1157 : vector<400x17xi32>
    %slice3A_1159 = vector.extract_strided_slice %concatenate3A {offsets = [0, 7], sizes = [400, 1], strides = [1, 1]} : vector<400x17xf32> to vector<400x1xf32>
    %gt3A_1160 = vector.broadcast %slice3A_1159 : vector<400x1xf32> to vector<400x17xf32>
    %gt3A_1161 = arith.cmpf ogt, %gt3A_1160, %concatenate3A : vector<400x17xf32>
    %convert_element_type3A_1162 = arith.extui %gt3A_1161 : vector<400x17xi1> to vector<400x17xi32>
    %add3A_1163 = arith.addi %add3A_1158, %convert_element_type3A_1162 : vector<400x17xi32>
    %eq3A_1164 = vector.broadcast %slice3A_1159 : vector<400x1xf32> to vector<400x17xf32>
    %eq3A_1165 = arith.cmpf oeq, %eq3A_1164, %concatenate3A : vector<400x17xf32>
    %gt3A_1166 = arith.constant 7 : i32
    %gt3A_1167 = vector.broadcast %gt3A_1166 : i32 to vector<400x17xi32>
    %gt3A_1168 = arith.cmpi sgt, %iota3A_1066, %gt3A_1167 : vector<400x17xi32>
    %and3A_1169 = arith.andi %eq3A_1165, %gt3A_1168 : vector<400x17xi1>
    %convert_element_type3A_1170 = arith.extui %and3A_1169 : vector<400x17xi1> to vector<400x17xi32>
    %add3A_1171 = arith.addi %add3A_1163, %convert_element_type3A_1170 : vector<400x17xi32>
    %slice3A_1172 = vector.extract_strided_slice %concatenate3A {offsets = [0, 8], sizes = [400, 1], strides = [1, 1]} : vector<400x17xf32> to vector<400x1xf32>
    %gt3A_1173 = vector.broadcast %slice3A_1172 : vector<400x1xf32> to vector<400x17xf32>
    %gt3A_1174 = arith.cmpf ogt, %gt3A_1173, %concatenate3A : vector<400x17xf32>
    %convert_element_type3A_1175 = arith.extui %gt3A_1174 : vector<400x17xi1> to vector<400x17xi32>
    %add3A_1176 = arith.addi %add3A_1171, %convert_element_type3A_1175 : vector<400x17xi32>
    %eq3A_1177 = vector.broadcast %slice3A_1172 : vector<400x1xf32> to vector<400x17xf32>
    %eq3A_1178 = arith.cmpf oeq, %eq3A_1177, %concatenate3A : vector<400x17xf32>
    %gt3A_1179 = arith.constant 8 : i32
    %gt3A_1180 = vector.broadcast %gt3A_1179 : i32 to vector<400x17xi32>
    %gt3A_1181 = arith.cmpi sgt, %iota3A_1066, %gt3A_1180 : vector<400x17xi32>
    %and3A_1182 = arith.andi %eq3A_1178, %gt3A_1181 : vector<400x17xi1>
    %convert_element_type3A_1183 = arith.extui %and3A_1182 : vector<400x17xi1> to vector<400x17xi32>
    %add3A_1184 = arith.addi %add3A_1176, %convert_element_type3A_1183 : vector<400x17xi32>
    %slice3A_1185 = vector.extract_strided_slice %concatenate3A {offsets = [0, 9], sizes = [400, 1], strides = [1, 1]} : vector<400x17xf32> to vector<400x1xf32>
    %gt3A_1186 = vector.broadcast %slice3A_1185 : vector<400x1xf32> to vector<400x17xf32>
    %gt3A_1187 = arith.cmpf ogt, %gt3A_1186, %concatenate3A : vector<400x17xf32>
    %convert_element_type3A_1188 = arith.extui %gt3A_1187 : vector<400x17xi1> to vector<400x17xi32>
    %add3A_1189 = arith.addi %add3A_1184, %convert_element_type3A_1188 : vector<400x17xi32>
    %eq3A_1190 = vector.broadcast %slice3A_1185 : vector<400x1xf32> to vector<400x17xf32>
    %eq3A_1191 = arith.cmpf oeq, %eq3A_1190, %concatenate3A : vector<400x17xf32>
    %gt3A_1192 = arith.constant 9 : i32
    %gt3A_1193 = vector.broadcast %gt3A_1192 : i32 to vector<400x17xi32>
    %gt3A_1194 = arith.cmpi sgt, %iota3A_1066, %gt3A_1193 : vector<400x17xi32>
    %and3A_1195 = arith.andi %eq3A_1191, %gt3A_1194 : vector<400x17xi1>
    %convert_element_type3A_1196 = arith.extui %and3A_1195 : vector<400x17xi1> to vector<400x17xi32>
    %add3A_1197 = arith.addi %add3A_1189, %convert_element_type3A_1196 : vector<400x17xi32>
    %slice3A_1198 = vector.extract_strided_slice %concatenate3A {offsets = [0, 10], sizes = [400, 1], strides = [1, 1]} : vector<400x17xf32> to vector<400x1xf32>
    %gt3A_1199 = vector.broadcast %slice3A_1198 : vector<400x1xf32> to vector<400x17xf32>
    %gt3A_1200 = arith.cmpf ogt, %gt3A_1199, %concatenate3A : vector<400x17xf32>
    %convert_element_type3A_1201 = arith.extui %gt3A_1200 : vector<400x17xi1> to vector<400x17xi32>
    %add3A_1202 = arith.addi %add3A_1197, %convert_element_type3A_1201 : vector<400x17xi32>
    %eq3A_1203 = vector.broadcast %slice3A_1198 : vector<400x1xf32> to vector<400x17xf32>
    %eq3A_1204 = arith.cmpf oeq, %eq3A_1203, %concatenate3A : vector<400x17xf32>
    %gt3A_1205 = arith.constant 10 : i32
    %gt3A_1206 = vector.broadcast %gt3A_1205 : i32 to vector<400x17xi32>
    %gt3A_1207 = arith.cmpi sgt, %iota3A_1066, %gt3A_1206 : vector<400x17xi32>
    %and3A_1208 = arith.andi %eq3A_1204, %gt3A_1207 : vector<400x17xi1>
    %convert_element_type3A_1209 = arith.extui %and3A_1208 : vector<400x17xi1> to vector<400x17xi32>
    %add3A_1210 = arith.addi %add3A_1202, %convert_element_type3A_1209 : vector<400x17xi32>
    %slice3A_1211 = vector.extract_strided_slice %concatenate3A {offsets = [0, 11], sizes = [400, 1], strides = [1, 1]} : vector<400x17xf32> to vector<400x1xf32>
    %gt3A_1212 = vector.broadcast %slice3A_1211 : vector<400x1xf32> to vector<400x17xf32>
    %gt3A_1213 = arith.cmpf ogt, %gt3A_1212, %concatenate3A : vector<400x17xf32>
    %convert_element_type3A_1214 = arith.extui %gt3A_1213 : vector<400x17xi1> to vector<400x17xi32>
    %add3A_1215 = arith.addi %add3A_1210, %convert_element_type3A_1214 : vector<400x17xi32>
    %eq3A_1216 = vector.broadcast %slice3A_1211 : vector<400x1xf32> to vector<400x17xf32>
    %eq3A_1217 = arith.cmpf oeq, %eq3A_1216, %concatenate3A : vector<400x17xf32>
    %gt3A_1218 = arith.constant 11 : i32
    %gt3A_1219 = vector.broadcast %gt3A_1218 : i32 to vector<400x17xi32>
    %gt3A_1220 = arith.cmpi sgt, %iota3A_1066, %gt3A_1219 : vector<400x17xi32>
    %and3A_1221 = arith.andi %eq3A_1217, %gt3A_1220 : vector<400x17xi1>
    %convert_element_type3A_1222 = arith.extui %and3A_1221 : vector<400x17xi1> to vector<400x17xi32>
    %add3A_1223 = arith.addi %add3A_1215, %convert_element_type3A_1222 : vector<400x17xi32>
    %slice3A_1224 = vector.extract_strided_slice %concatenate3A {offsets = [0, 12], sizes = [400, 1], strides = [1, 1]} : vector<400x17xf32> to vector<400x1xf32>
    %gt3A_1225 = vector.broadcast %slice3A_1224 : vector<400x1xf32> to vector<400x17xf32>
    %gt3A_1226 = arith.cmpf ogt, %gt3A_1225, %concatenate3A : vector<400x17xf32>
    %convert_element_type3A_1227 = arith.extui %gt3A_1226 : vector<400x17xi1> to vector<400x17xi32>
    %add3A_1228 = arith.addi %add3A_1223, %convert_element_type3A_1227 : vector<400x17xi32>
    %eq3A_1229 = vector.broadcast %slice3A_1224 : vector<400x1xf32> to vector<400x17xf32>
    %eq3A_1230 = arith.cmpf oeq, %eq3A_1229, %concatenate3A : vector<400x17xf32>
    %gt3A_1231 = arith.constant 12 : i32
    %gt3A_1232 = vector.broadcast %gt3A_1231 : i32 to vector<400x17xi32>
    %gt3A_1233 = arith.cmpi sgt, %iota3A_1066, %gt3A_1232 : vector<400x17xi32>
    %and3A_1234 = arith.andi %eq3A_1230, %gt3A_1233 : vector<400x17xi1>
    %convert_element_type3A_1235 = arith.extui %and3A_1234 : vector<400x17xi1> to vector<400x17xi32>
    %add3A_1236 = arith.addi %add3A_1228, %convert_element_type3A_1235 : vector<400x17xi32>
    %slice3A_1237 = vector.extract_strided_slice %concatenate3A {offsets = [0, 13], sizes = [400, 1], strides = [1, 1]} : vector<400x17xf32> to vector<400x1xf32>
    %gt3A_1238 = vector.broadcast %slice3A_1237 : vector<400x1xf32> to vector<400x17xf32>
    %gt3A_1239 = arith.cmpf ogt, %gt3A_1238, %concatenate3A : vector<400x17xf32>
    %convert_element_type3A_1240 = arith.extui %gt3A_1239 : vector<400x17xi1> to vector<400x17xi32>
    %add3A_1241 = arith.addi %add3A_1236, %convert_element_type3A_1240 : vector<400x17xi32>
    %eq3A_1242 = vector.broadcast %slice3A_1237 : vector<400x1xf32> to vector<400x17xf32>
    %eq3A_1243 = arith.cmpf oeq, %eq3A_1242, %concatenate3A : vector<400x17xf32>
    %gt3A_1244 = arith.constant 13 : i32
    %gt3A_1245 = vector.broadcast %gt3A_1244 : i32 to vector<400x17xi32>
    %gt3A_1246 = arith.cmpi sgt, %iota3A_1066, %gt3A_1245 : vector<400x17xi32>
    %and3A_1247 = arith.andi %eq3A_1243, %gt3A_1246 : vector<400x17xi1>
    %convert_element_type3A_1248 = arith.extui %and3A_1247 : vector<400x17xi1> to vector<400x17xi32>
    %add3A_1249 = arith.addi %add3A_1241, %convert_element_type3A_1248 : vector<400x17xi32>
    %slice3A_1250 = vector.extract_strided_slice %concatenate3A {offsets = [0, 14], sizes = [400, 1], strides = [1, 1]} : vector<400x17xf32> to vector<400x1xf32>
    %gt3A_1251 = vector.broadcast %slice3A_1250 : vector<400x1xf32> to vector<400x17xf32>
    %gt3A_1252 = arith.cmpf ogt, %gt3A_1251, %concatenate3A : vector<400x17xf32>
    %convert_element_type3A_1253 = arith.extui %gt3A_1252 : vector<400x17xi1> to vector<400x17xi32>
    %add3A_1254 = arith.addi %add3A_1249, %convert_element_type3A_1253 : vector<400x17xi32>
    %eq3A_1255 = vector.broadcast %slice3A_1250 : vector<400x1xf32> to vector<400x17xf32>
    %eq3A_1256 = arith.cmpf oeq, %eq3A_1255, %concatenate3A : vector<400x17xf32>
    %gt3A_1257 = arith.constant 14 : i32
    %gt3A_1258 = vector.broadcast %gt3A_1257 : i32 to vector<400x17xi32>
    %gt3A_1259 = arith.cmpi sgt, %iota3A_1066, %gt3A_1258 : vector<400x17xi32>
    %and3A_1260 = arith.andi %eq3A_1256, %gt3A_1259 : vector<400x17xi1>
    %convert_element_type3A_1261 = arith.extui %and3A_1260 : vector<400x17xi1> to vector<400x17xi32>
    %add3A_1262 = arith.addi %add3A_1254, %convert_element_type3A_1261 : vector<400x17xi32>
    %slice3A_1263 = vector.extract_strided_slice %concatenate3A {offsets = [0, 15], sizes = [400, 1], strides = [1, 1]} : vector<400x17xf32> to vector<400x1xf32>
    %gt3A_1264 = vector.broadcast %slice3A_1263 : vector<400x1xf32> to vector<400x17xf32>
    %gt3A_1265 = arith.cmpf ogt, %gt3A_1264, %concatenate3A : vector<400x17xf32>
    %convert_element_type3A_1266 = arith.extui %gt3A_1265 : vector<400x17xi1> to vector<400x17xi32>
    %add3A_1267 = arith.addi %add3A_1262, %convert_element_type3A_1266 : vector<400x17xi32>
    %eq3A_1268 = vector.broadcast %slice3A_1263 : vector<400x1xf32> to vector<400x17xf32>
    %eq3A_1269 = arith.cmpf oeq, %eq3A_1268, %concatenate3A : vector<400x17xf32>
    %gt3A_1270 = arith.constant 15 : i32
    %gt3A_1271 = vector.broadcast %gt3A_1270 : i32 to vector<400x17xi32>
    %gt3A_1272 = arith.cmpi sgt, %iota3A_1066, %gt3A_1271 : vector<400x17xi32>
    %and3A_1273 = arith.andi %eq3A_1269, %gt3A_1272 : vector<400x17xi1>
    %convert_element_type3A_1274 = arith.extui %and3A_1273 : vector<400x17xi1> to vector<400x17xi32>
    %add3A_1275 = arith.addi %add3A_1267, %convert_element_type3A_1274 : vector<400x17xi32>
    %slice3A_1276 = vector.extract_strided_slice %concatenate3A {offsets = [0, 16], sizes = [400, 1], strides = [1, 1]} : vector<400x17xf32> to vector<400x1xf32>
    %gt3A_1277 = vector.broadcast %slice3A_1276 : vector<400x1xf32> to vector<400x17xf32>
    %gt3A_1278 = arith.cmpf ogt, %gt3A_1277, %concatenate3A : vector<400x17xf32>
    %convert_element_type3A_1279 = arith.extui %gt3A_1278 : vector<400x17xi1> to vector<400x17xi32>
    %add3A_1280 = arith.addi %add3A_1275, %convert_element_type3A_1279 : vector<400x17xi32>
    %eq3A_1281 = vector.broadcast %slice3A_1276 : vector<400x1xf32> to vector<400x17xf32>
    %eq3A_1282 = arith.cmpf oeq, %eq3A_1281, %concatenate3A : vector<400x17xf32>
    %gt3A_1283 = arith.constant 16 : i32
    %gt3A_1284 = vector.broadcast %gt3A_1283 : i32 to vector<400x17xi32>
    %gt3A_1285 = arith.cmpi sgt, %iota3A_1066, %gt3A_1284 : vector<400x17xi32>
    %and3A_1286 = arith.andi %eq3A_1282, %gt3A_1285 : vector<400x17xi1>
    %convert_element_type3A_1287 = arith.extui %and3A_1286 : vector<400x17xi1> to vector<400x17xi32>
    %add3A_1288 = arith.addi %add3A_1280, %convert_element_type3A_1287 : vector<400x17xi32>
    %mul3A_1289 = arith.mulf %concatenate3A, %concatenate3A : vector<400x17xf32>
    %le3A = arith.constant 0 : i32
    %le3A_1290 = vector.broadcast %le3A : i32 to vector<400x17xi32>
    %le3A_1291 = arith.cmpi sle, %add3A_1288, %le3A_1290 : vector<400x17xi32>
    %jit3A_1292 = arith.constant 0.000000e+00 : f32
    %broadcast_in_dim3A_1293 = vector.broadcast %jit3A_1292 : f32 to vector<400x17xf32>
    %select_n3A_1294 = arith.select %le3A_1291, %concatenate3A, %broadcast_in_dim3A_1293 : vector<400x17xi1>, vector<400x17xf32>
    %reduce_sum3A_1295 = arith.constant dense<0.000000e+00> : vector<400xf32>
    %reduce_sum3A_1296 = vector.multi_reduction <add>, %select_n3A_1294, %reduce_sum3A_1295 [1] : vector<400x17xf32> to vector<400xf32>
    %broadcast_in_dim3A_1297 = vector.shape_cast %reduce_sum3A_1296 : vector<400xf32> to vector<400x1xf32>
    %jit3A_1298 = arith.constant 0.000000e+00 : f32
    %broadcast_in_dim3A_1299 = vector.broadcast %jit3A_1298 : f32 to vector<400x17xf32>
    %select_n3A_1300 = arith.select %le3A_1291, %mul3A_1289, %broadcast_in_dim3A_1299 : vector<400x17xi1>, vector<400x17xf32>
    %reduce_sum3A_1301 = arith.constant dense<0.000000e+00> : vector<400xf32>
    %reduce_sum3A_1302 = vector.multi_reduction <add>, %select_n3A_1300, %reduce_sum3A_1301 [1] : vector<400x17xf32> to vector<400xf32>
    %broadcast_in_dim3A_1303 = vector.shape_cast %reduce_sum3A_1302 : vector<400xf32> to vector<400x1xf32>
    %eq3A_1304 = arith.constant 0 : i32
    %eq3A_1305 = vector.broadcast %eq3A_1304 : i32 to vector<400x17xi32>
    %eq3A_1306 = arith.cmpi eq, %add3A_1288, %eq3A_1305 : vector<400x17xi32>
    %jit3A_1307 = arith.constant 0.000000e+00 : f32
    %broadcast_in_dim3A_1308 = vector.broadcast %jit3A_1307 : f32 to vector<400x17xf32>
    %select_n3A_1309 = arith.select %eq3A_1306, %concatenate3A, %broadcast_in_dim3A_1308 : vector<400x17xi1>, vector<400x17xf32>
    %reduce_sum3A_1310 = arith.constant dense<0.000000e+00> : vector<400xf32>
    %reduce_sum3A_1311 = vector.multi_reduction <add>, %select_n3A_1309, %reduce_sum3A_1310 [1] : vector<400x17xf32> to vector<400xf32>
    %broadcast_in_dim3A_1312 = vector.shape_cast %reduce_sum3A_1311 : vector<400xf32> to vector<400x1xf32>
    %le3A_1313 = arith.constant 1 : i32
    %le3A_1314 = vector.broadcast %le3A_1313 : i32 to vector<400x17xi32>
    %le3A_1315 = arith.cmpi sle, %add3A_1288, %le3A_1314 : vector<400x17xi32>
    %jit3A_1316 = arith.constant 0.000000e+00 : f32
    %broadcast_in_dim3A_1317 = vector.broadcast %jit3A_1316 : f32 to vector<400x17xf32>
    %select_n3A_1318 = arith.select %le3A_1315, %concatenate3A, %broadcast_in_dim3A_1317 : vector<400x17xi1>, vector<400x17xf32>
    %reduce_sum3A_1319 = arith.constant dense<0.000000e+00> : vector<400xf32>
    %reduce_sum3A_1320 = vector.multi_reduction <add>, %select_n3A_1318, %reduce_sum3A_1319 [1] : vector<400x17xf32> to vector<400xf32>
    %broadcast_in_dim3A_1321 = vector.shape_cast %reduce_sum3A_1320 : vector<400xf32> to vector<400x1xf32>
    %jit3A_1322 = arith.constant 0.000000e+00 : f32
    %broadcast_in_dim3A_1323 = vector.broadcast %jit3A_1322 : f32 to vector<400x17xf32>
    %select_n3A_1324 = arith.select %le3A_1315, %mul3A_1289, %broadcast_in_dim3A_1323 : vector<400x17xi1>, vector<400x17xf32>
    %reduce_sum3A_1325 = arith.constant dense<0.000000e+00> : vector<400xf32>
    %reduce_sum3A_1326 = vector.multi_reduction <add>, %select_n3A_1324, %reduce_sum3A_1325 [1] : vector<400x17xf32> to vector<400xf32>
    %broadcast_in_dim3A_1327 = vector.shape_cast %reduce_sum3A_1326 : vector<400xf32> to vector<400x1xf32>
    %eq3A_1328 = arith.constant 1 : i32
    %eq3A_1329 = vector.broadcast %eq3A_1328 : i32 to vector<400x17xi32>
    %eq3A_1330 = arith.cmpi eq, %add3A_1288, %eq3A_1329 : vector<400x17xi32>
    %jit3A_1331 = arith.constant 0.000000e+00 : f32
    %broadcast_in_dim3A_1332 = vector.broadcast %jit3A_1331 : f32 to vector<400x17xf32>
    %select_n3A_1333 = arith.select %eq3A_1330, %concatenate3A, %broadcast_in_dim3A_1332 : vector<400x17xi1>, vector<400x17xf32>
    %reduce_sum3A_1334 = arith.constant dense<0.000000e+00> : vector<400xf32>
    %reduce_sum3A_1335 = vector.multi_reduction <add>, %select_n3A_1333, %reduce_sum3A_1334 [1] : vector<400x17xf32> to vector<400xf32>
    %broadcast_in_dim3A_1336 = vector.shape_cast %reduce_sum3A_1335 : vector<400xf32> to vector<400x1xf32>
    %le3A_1337 = arith.constant 2 : i32
    %le3A_1338 = vector.broadcast %le3A_1337 : i32 to vector<400x17xi32>
    %le3A_1339 = arith.cmpi sle, %add3A_1288, %le3A_1338 : vector<400x17xi32>
    %jit3A_1340 = arith.constant 0.000000e+00 : f32
    %broadcast_in_dim3A_1341 = vector.broadcast %jit3A_1340 : f32 to vector<400x17xf32>
    %select_n3A_1342 = arith.select %le3A_1339, %concatenate3A, %broadcast_in_dim3A_1341 : vector<400x17xi1>, vector<400x17xf32>
    %reduce_sum3A_1343 = arith.constant dense<0.000000e+00> : vector<400xf32>
    %reduce_sum3A_1344 = vector.multi_reduction <add>, %select_n3A_1342, %reduce_sum3A_1343 [1] : vector<400x17xf32> to vector<400xf32>
    %broadcast_in_dim3A_1345 = vector.shape_cast %reduce_sum3A_1344 : vector<400xf32> to vector<400x1xf32>
    %jit3A_1346 = arith.constant 0.000000e+00 : f32
    %broadcast_in_dim3A_1347 = vector.broadcast %jit3A_1346 : f32 to vector<400x17xf32>
    %select_n3A_1348 = arith.select %le3A_1339, %mul3A_1289, %broadcast_in_dim3A_1347 : vector<400x17xi1>, vector<400x17xf32>
    %reduce_sum3A_1349 = arith.constant dense<0.000000e+00> : vector<400xf32>
    %reduce_sum3A_1350 = vector.multi_reduction <add>, %select_n3A_1348, %reduce_sum3A_1349 [1] : vector<400x17xf32> to vector<400xf32>
    %broadcast_in_dim3A_1351 = vector.shape_cast %reduce_sum3A_1350 : vector<400xf32> to vector<400x1xf32>
    %eq3A_1352 = arith.constant 2 : i32
    %eq3A_1353 = vector.broadcast %eq3A_1352 : i32 to vector<400x17xi32>
    %eq3A_1354 = arith.cmpi eq, %add3A_1288, %eq3A_1353 : vector<400x17xi32>
    %jit3A_1355 = arith.constant 0.000000e+00 : f32
    %broadcast_in_dim3A_1356 = vector.broadcast %jit3A_1355 : f32 to vector<400x17xf32>
    %select_n3A_1357 = arith.select %eq3A_1354, %concatenate3A, %broadcast_in_dim3A_1356 : vector<400x17xi1>, vector<400x17xf32>
    %reduce_sum3A_1358 = arith.constant dense<0.000000e+00> : vector<400xf32>
    %reduce_sum3A_1359 = vector.multi_reduction <add>, %select_n3A_1357, %reduce_sum3A_1358 [1] : vector<400x17xf32> to vector<400xf32>
    %broadcast_in_dim3A_1360 = vector.shape_cast %reduce_sum3A_1359 : vector<400xf32> to vector<400x1xf32>
    %le3A_1361 = arith.constant 3 : i32
    %le3A_1362 = vector.broadcast %le3A_1361 : i32 to vector<400x17xi32>
    %le3A_1363 = arith.cmpi sle, %add3A_1288, %le3A_1362 : vector<400x17xi32>
    %jit3A_1364 = arith.constant 0.000000e+00 : f32
    %broadcast_in_dim3A_1365 = vector.broadcast %jit3A_1364 : f32 to vector<400x17xf32>
    %select_n3A_1366 = arith.select %le3A_1363, %concatenate3A, %broadcast_in_dim3A_1365 : vector<400x17xi1>, vector<400x17xf32>
    %reduce_sum3A_1367 = arith.constant dense<0.000000e+00> : vector<400xf32>
    %reduce_sum3A_1368 = vector.multi_reduction <add>, %select_n3A_1366, %reduce_sum3A_1367 [1] : vector<400x17xf32> to vector<400xf32>
    %broadcast_in_dim3A_1369 = vector.shape_cast %reduce_sum3A_1368 : vector<400xf32> to vector<400x1xf32>
    %jit3A_1370 = arith.constant 0.000000e+00 : f32
    %broadcast_in_dim3A_1371 = vector.broadcast %jit3A_1370 : f32 to vector<400x17xf32>
    %select_n3A_1372 = arith.select %le3A_1363, %mul3A_1289, %broadcast_in_dim3A_1371 : vector<400x17xi1>, vector<400x17xf32>
    %reduce_sum3A_1373 = arith.constant dense<0.000000e+00> : vector<400xf32>
    %reduce_sum3A_1374 = vector.multi_reduction <add>, %select_n3A_1372, %reduce_sum3A_1373 [1] : vector<400x17xf32> to vector<400xf32>
    %broadcast_in_dim3A_1375 = vector.shape_cast %reduce_sum3A_1374 : vector<400xf32> to vector<400x1xf32>
    %eq3A_1376 = arith.constant 3 : i32
    %eq3A_1377 = vector.broadcast %eq3A_1376 : i32 to vector<400x17xi32>
    %eq3A_1378 = arith.cmpi eq, %add3A_1288, %eq3A_1377 : vector<400x17xi32>
    %jit3A_1379 = arith.constant 0.000000e+00 : f32
    %broadcast_in_dim3A_1380 = vector.broadcast %jit3A_1379 : f32 to vector<400x17xf32>
    %select_n3A_1381 = arith.select %eq3A_1378, %concatenate3A, %broadcast_in_dim3A_1380 : vector<400x17xi1>, vector<400x17xf32>
    %reduce_sum3A_1382 = arith.constant dense<0.000000e+00> : vector<400xf32>
    %reduce_sum3A_1383 = vector.multi_reduction <add>, %select_n3A_1381, %reduce_sum3A_1382 [1] : vector<400x17xf32> to vector<400xf32>
    %broadcast_in_dim3A_1384 = vector.shape_cast %reduce_sum3A_1383 : vector<400xf32> to vector<400x1xf32>
    %le3A_1385 = arith.constant 4 : i32
    %le3A_1386 = vector.broadcast %le3A_1385 : i32 to vector<400x17xi32>
    %le3A_1387 = arith.cmpi sle, %add3A_1288, %le3A_1386 : vector<400x17xi32>
    %jit3A_1388 = arith.constant 0.000000e+00 : f32
    %broadcast_in_dim3A_1389 = vector.broadcast %jit3A_1388 : f32 to vector<400x17xf32>
    %select_n3A_1390 = arith.select %le3A_1387, %concatenate3A, %broadcast_in_dim3A_1389 : vector<400x17xi1>, vector<400x17xf32>
    %reduce_sum3A_1391 = arith.constant dense<0.000000e+00> : vector<400xf32>
    %reduce_sum3A_1392 = vector.multi_reduction <add>, %select_n3A_1390, %reduce_sum3A_1391 [1] : vector<400x17xf32> to vector<400xf32>
    %broadcast_in_dim3A_1393 = vector.shape_cast %reduce_sum3A_1392 : vector<400xf32> to vector<400x1xf32>
    %jit3A_1394 = arith.constant 0.000000e+00 : f32
    %broadcast_in_dim3A_1395 = vector.broadcast %jit3A_1394 : f32 to vector<400x17xf32>
    %select_n3A_1396 = arith.select %le3A_1387, %mul3A_1289, %broadcast_in_dim3A_1395 : vector<400x17xi1>, vector<400x17xf32>
    %reduce_sum3A_1397 = arith.constant dense<0.000000e+00> : vector<400xf32>
    %reduce_sum3A_1398 = vector.multi_reduction <add>, %select_n3A_1396, %reduce_sum3A_1397 [1] : vector<400x17xf32> to vector<400xf32>
    %broadcast_in_dim3A_1399 = vector.shape_cast %reduce_sum3A_1398 : vector<400xf32> to vector<400x1xf32>
    %eq3A_1400 = arith.constant 4 : i32
    %eq3A_1401 = vector.broadcast %eq3A_1400 : i32 to vector<400x17xi32>
    %eq3A_1402 = arith.cmpi eq, %add3A_1288, %eq3A_1401 : vector<400x17xi32>
    %jit3A_1403 = arith.constant 0.000000e+00 : f32
    %broadcast_in_dim3A_1404 = vector.broadcast %jit3A_1403 : f32 to vector<400x17xf32>
    %select_n3A_1405 = arith.select %eq3A_1402, %concatenate3A, %broadcast_in_dim3A_1404 : vector<400x17xi1>, vector<400x17xf32>
    %reduce_sum3A_1406 = arith.constant dense<0.000000e+00> : vector<400xf32>
    %reduce_sum3A_1407 = vector.multi_reduction <add>, %select_n3A_1405, %reduce_sum3A_1406 [1] : vector<400x17xf32> to vector<400xf32>
    %broadcast_in_dim3A_1408 = vector.shape_cast %reduce_sum3A_1407 : vector<400xf32> to vector<400x1xf32>
    %le3A_1409 = arith.constant 5 : i32
    %le3A_1410 = vector.broadcast %le3A_1409 : i32 to vector<400x17xi32>
    %le3A_1411 = arith.cmpi sle, %add3A_1288, %le3A_1410 : vector<400x17xi32>
    %jit3A_1412 = arith.constant 0.000000e+00 : f32
    %broadcast_in_dim3A_1413 = vector.broadcast %jit3A_1412 : f32 to vector<400x17xf32>
    %select_n3A_1414 = arith.select %le3A_1411, %concatenate3A, %broadcast_in_dim3A_1413 : vector<400x17xi1>, vector<400x17xf32>
    %reduce_sum3A_1415 = arith.constant dense<0.000000e+00> : vector<400xf32>
    %reduce_sum3A_1416 = vector.multi_reduction <add>, %select_n3A_1414, %reduce_sum3A_1415 [1] : vector<400x17xf32> to vector<400xf32>
    %broadcast_in_dim3A_1417 = vector.shape_cast %reduce_sum3A_1416 : vector<400xf32> to vector<400x1xf32>
    %jit3A_1418 = arith.constant 0.000000e+00 : f32
    %broadcast_in_dim3A_1419 = vector.broadcast %jit3A_1418 : f32 to vector<400x17xf32>
    %select_n3A_1420 = arith.select %le3A_1411, %mul3A_1289, %broadcast_in_dim3A_1419 : vector<400x17xi1>, vector<400x17xf32>
    %reduce_sum3A_1421 = arith.constant dense<0.000000e+00> : vector<400xf32>
    %reduce_sum3A_1422 = vector.multi_reduction <add>, %select_n3A_1420, %reduce_sum3A_1421 [1] : vector<400x17xf32> to vector<400xf32>
    %broadcast_in_dim3A_1423 = vector.shape_cast %reduce_sum3A_1422 : vector<400xf32> to vector<400x1xf32>
    %eq3A_1424 = arith.constant 5 : i32
    %eq3A_1425 = vector.broadcast %eq3A_1424 : i32 to vector<400x17xi32>
    %eq3A_1426 = arith.cmpi eq, %add3A_1288, %eq3A_1425 : vector<400x17xi32>
    %jit3A_1427 = arith.constant 0.000000e+00 : f32
    %broadcast_in_dim3A_1428 = vector.broadcast %jit3A_1427 : f32 to vector<400x17xf32>
    %select_n3A_1429 = arith.select %eq3A_1426, %concatenate3A, %broadcast_in_dim3A_1428 : vector<400x17xi1>, vector<400x17xf32>
    %reduce_sum3A_1430 = arith.constant dense<0.000000e+00> : vector<400xf32>
    %reduce_sum3A_1431 = vector.multi_reduction <add>, %select_n3A_1429, %reduce_sum3A_1430 [1] : vector<400x17xf32> to vector<400xf32>
    %broadcast_in_dim3A_1432 = vector.shape_cast %reduce_sum3A_1431 : vector<400xf32> to vector<400x1xf32>
    %le3A_1433 = arith.constant 6 : i32
    %le3A_1434 = vector.broadcast %le3A_1433 : i32 to vector<400x17xi32>
    %le3A_1435 = arith.cmpi sle, %add3A_1288, %le3A_1434 : vector<400x17xi32>
    %jit3A_1436 = arith.constant 0.000000e+00 : f32
    %broadcast_in_dim3A_1437 = vector.broadcast %jit3A_1436 : f32 to vector<400x17xf32>
    %select_n3A_1438 = arith.select %le3A_1435, %concatenate3A, %broadcast_in_dim3A_1437 : vector<400x17xi1>, vector<400x17xf32>
    %reduce_sum3A_1439 = arith.constant dense<0.000000e+00> : vector<400xf32>
    %reduce_sum3A_1440 = vector.multi_reduction <add>, %select_n3A_1438, %reduce_sum3A_1439 [1] : vector<400x17xf32> to vector<400xf32>
    %broadcast_in_dim3A_1441 = vector.shape_cast %reduce_sum3A_1440 : vector<400xf32> to vector<400x1xf32>
    %jit3A_1442 = arith.constant 0.000000e+00 : f32
    %broadcast_in_dim3A_1443 = vector.broadcast %jit3A_1442 : f32 to vector<400x17xf32>
    %select_n3A_1444 = arith.select %le3A_1435, %mul3A_1289, %broadcast_in_dim3A_1443 : vector<400x17xi1>, vector<400x17xf32>
    %reduce_sum3A_1445 = arith.constant dense<0.000000e+00> : vector<400xf32>
    %reduce_sum3A_1446 = vector.multi_reduction <add>, %select_n3A_1444, %reduce_sum3A_1445 [1] : vector<400x17xf32> to vector<400xf32>
    %broadcast_in_dim3A_1447 = vector.shape_cast %reduce_sum3A_1446 : vector<400xf32> to vector<400x1xf32>
    %eq3A_1448 = arith.constant 6 : i32
    %eq3A_1449 = vector.broadcast %eq3A_1448 : i32 to vector<400x17xi32>
    %eq3A_1450 = arith.cmpi eq, %add3A_1288, %eq3A_1449 : vector<400x17xi32>
    %jit3A_1451 = arith.constant 0.000000e+00 : f32
    %broadcast_in_dim3A_1452 = vector.broadcast %jit3A_1451 : f32 to vector<400x17xf32>
    %select_n3A_1453 = arith.select %eq3A_1450, %concatenate3A, %broadcast_in_dim3A_1452 : vector<400x17xi1>, vector<400x17xf32>
    %reduce_sum3A_1454 = arith.constant dense<0.000000e+00> : vector<400xf32>
    %reduce_sum3A_1455 = vector.multi_reduction <add>, %select_n3A_1453, %reduce_sum3A_1454 [1] : vector<400x17xf32> to vector<400xf32>
    %broadcast_in_dim3A_1456 = vector.shape_cast %reduce_sum3A_1455 : vector<400xf32> to vector<400x1xf32>
    %le3A_1457 = arith.constant 7 : i32
    %le3A_1458 = vector.broadcast %le3A_1457 : i32 to vector<400x17xi32>
    %le3A_1459 = arith.cmpi sle, %add3A_1288, %le3A_1458 : vector<400x17xi32>
    %jit3A_1460 = arith.constant 0.000000e+00 : f32
    %broadcast_in_dim3A_1461 = vector.broadcast %jit3A_1460 : f32 to vector<400x17xf32>
    %select_n3A_1462 = arith.select %le3A_1459, %concatenate3A, %broadcast_in_dim3A_1461 : vector<400x17xi1>, vector<400x17xf32>
    %reduce_sum3A_1463 = arith.constant dense<0.000000e+00> : vector<400xf32>
    %reduce_sum3A_1464 = vector.multi_reduction <add>, %select_n3A_1462, %reduce_sum3A_1463 [1] : vector<400x17xf32> to vector<400xf32>
    %broadcast_in_dim3A_1465 = vector.shape_cast %reduce_sum3A_1464 : vector<400xf32> to vector<400x1xf32>
    %jit3A_1466 = arith.constant 0.000000e+00 : f32
    %broadcast_in_dim3A_1467 = vector.broadcast %jit3A_1466 : f32 to vector<400x17xf32>
    %select_n3A_1468 = arith.select %le3A_1459, %mul3A_1289, %broadcast_in_dim3A_1467 : vector<400x17xi1>, vector<400x17xf32>
    %reduce_sum3A_1469 = arith.constant dense<0.000000e+00> : vector<400xf32>
    %reduce_sum3A_1470 = vector.multi_reduction <add>, %select_n3A_1468, %reduce_sum3A_1469 [1] : vector<400x17xf32> to vector<400xf32>
    %broadcast_in_dim3A_1471 = vector.shape_cast %reduce_sum3A_1470 : vector<400xf32> to vector<400x1xf32>
    %eq3A_1472 = arith.constant 7 : i32
    %eq3A_1473 = vector.broadcast %eq3A_1472 : i32 to vector<400x17xi32>
    %eq3A_1474 = arith.cmpi eq, %add3A_1288, %eq3A_1473 : vector<400x17xi32>
    %jit3A_1475 = arith.constant 0.000000e+00 : f32
    %broadcast_in_dim3A_1476 = vector.broadcast %jit3A_1475 : f32 to vector<400x17xf32>
    %select_n3A_1477 = arith.select %eq3A_1474, %concatenate3A, %broadcast_in_dim3A_1476 : vector<400x17xi1>, vector<400x17xf32>
    %reduce_sum3A_1478 = arith.constant dense<0.000000e+00> : vector<400xf32>
    %reduce_sum3A_1479 = vector.multi_reduction <add>, %select_n3A_1477, %reduce_sum3A_1478 [1] : vector<400x17xf32> to vector<400xf32>
    %broadcast_in_dim3A_1480 = vector.shape_cast %reduce_sum3A_1479 : vector<400xf32> to vector<400x1xf32>
    %le3A_1481 = arith.constant 8 : i32
    %le3A_1482 = vector.broadcast %le3A_1481 : i32 to vector<400x17xi32>
    %le3A_1483 = arith.cmpi sle, %add3A_1288, %le3A_1482 : vector<400x17xi32>
    %jit3A_1484 = arith.constant 0.000000e+00 : f32
    %broadcast_in_dim3A_1485 = vector.broadcast %jit3A_1484 : f32 to vector<400x17xf32>
    %select_n3A_1486 = arith.select %le3A_1483, %concatenate3A, %broadcast_in_dim3A_1485 : vector<400x17xi1>, vector<400x17xf32>
    %reduce_sum3A_1487 = arith.constant dense<0.000000e+00> : vector<400xf32>
    %reduce_sum3A_1488 = vector.multi_reduction <add>, %select_n3A_1486, %reduce_sum3A_1487 [1] : vector<400x17xf32> to vector<400xf32>
    %broadcast_in_dim3A_1489 = vector.shape_cast %reduce_sum3A_1488 : vector<400xf32> to vector<400x1xf32>
    %jit3A_1490 = arith.constant 0.000000e+00 : f32
    %broadcast_in_dim3A_1491 = vector.broadcast %jit3A_1490 : f32 to vector<400x17xf32>
    %select_n3A_1492 = arith.select %le3A_1483, %mul3A_1289, %broadcast_in_dim3A_1491 : vector<400x17xi1>, vector<400x17xf32>
    %reduce_sum3A_1493 = arith.constant dense<0.000000e+00> : vector<400xf32>
    %reduce_sum3A_1494 = vector.multi_reduction <add>, %select_n3A_1492, %reduce_sum3A_1493 [1] : vector<400x17xf32> to vector<400xf32>
    %broadcast_in_dim3A_1495 = vector.shape_cast %reduce_sum3A_1494 : vector<400xf32> to vector<400x1xf32>
    %eq3A_1496 = arith.constant 8 : i32
    %eq3A_1497 = vector.broadcast %eq3A_1496 : i32 to vector<400x17xi32>
    %eq3A_1498 = arith.cmpi eq, %add3A_1288, %eq3A_1497 : vector<400x17xi32>
    %jit3A_1499 = arith.constant 0.000000e+00 : f32
    %broadcast_in_dim3A_1500 = vector.broadcast %jit3A_1499 : f32 to vector<400x17xf32>
    %select_n3A_1501 = arith.select %eq3A_1498, %concatenate3A, %broadcast_in_dim3A_1500 : vector<400x17xi1>, vector<400x17xf32>
    %reduce_sum3A_1502 = arith.constant dense<0.000000e+00> : vector<400xf32>
    %reduce_sum3A_1503 = vector.multi_reduction <add>, %select_n3A_1501, %reduce_sum3A_1502 [1] : vector<400x17xf32> to vector<400xf32>
    %broadcast_in_dim3A_1504 = vector.shape_cast %reduce_sum3A_1503 : vector<400xf32> to vector<400x1xf32>
    %le3A_1505 = arith.constant 9 : i32
    %le3A_1506 = vector.broadcast %le3A_1505 : i32 to vector<400x17xi32>
    %le3A_1507 = arith.cmpi sle, %add3A_1288, %le3A_1506 : vector<400x17xi32>
    %jit3A_1508 = arith.constant 0.000000e+00 : f32
    %broadcast_in_dim3A_1509 = vector.broadcast %jit3A_1508 : f32 to vector<400x17xf32>
    %select_n3A_1510 = arith.select %le3A_1507, %concatenate3A, %broadcast_in_dim3A_1509 : vector<400x17xi1>, vector<400x17xf32>
    %reduce_sum3A_1511 = arith.constant dense<0.000000e+00> : vector<400xf32>
    %reduce_sum3A_1512 = vector.multi_reduction <add>, %select_n3A_1510, %reduce_sum3A_1511 [1] : vector<400x17xf32> to vector<400xf32>
    %broadcast_in_dim3A_1513 = vector.shape_cast %reduce_sum3A_1512 : vector<400xf32> to vector<400x1xf32>
    %jit3A_1514 = arith.constant 0.000000e+00 : f32
    %broadcast_in_dim3A_1515 = vector.broadcast %jit3A_1514 : f32 to vector<400x17xf32>
    %select_n3A_1516 = arith.select %le3A_1507, %mul3A_1289, %broadcast_in_dim3A_1515 : vector<400x17xi1>, vector<400x17xf32>
    %reduce_sum3A_1517 = arith.constant dense<0.000000e+00> : vector<400xf32>
    %reduce_sum3A_1518 = vector.multi_reduction <add>, %select_n3A_1516, %reduce_sum3A_1517 [1] : vector<400x17xf32> to vector<400xf32>
    %broadcast_in_dim3A_1519 = vector.shape_cast %reduce_sum3A_1518 : vector<400xf32> to vector<400x1xf32>
    %eq3A_1520 = arith.constant 9 : i32
    %eq3A_1521 = vector.broadcast %eq3A_1520 : i32 to vector<400x17xi32>
    %eq3A_1522 = arith.cmpi eq, %add3A_1288, %eq3A_1521 : vector<400x17xi32>
    %jit3A_1523 = arith.constant 0.000000e+00 : f32
    %broadcast_in_dim3A_1524 = vector.broadcast %jit3A_1523 : f32 to vector<400x17xf32>
    %select_n3A_1525 = arith.select %eq3A_1522, %concatenate3A, %broadcast_in_dim3A_1524 : vector<400x17xi1>, vector<400x17xf32>
    %reduce_sum3A_1526 = arith.constant dense<0.000000e+00> : vector<400xf32>
    %reduce_sum3A_1527 = vector.multi_reduction <add>, %select_n3A_1525, %reduce_sum3A_1526 [1] : vector<400x17xf32> to vector<400xf32>
    %broadcast_in_dim3A_1528 = vector.shape_cast %reduce_sum3A_1527 : vector<400xf32> to vector<400x1xf32>
    %le3A_1529 = arith.constant 10 : i32
    %le3A_1530 = vector.broadcast %le3A_1529 : i32 to vector<400x17xi32>
    %le3A_1531 = arith.cmpi sle, %add3A_1288, %le3A_1530 : vector<400x17xi32>
    %jit3A_1532 = arith.constant 0.000000e+00 : f32
    %broadcast_in_dim3A_1533 = vector.broadcast %jit3A_1532 : f32 to vector<400x17xf32>
    %select_n3A_1534 = arith.select %le3A_1531, %concatenate3A, %broadcast_in_dim3A_1533 : vector<400x17xi1>, vector<400x17xf32>
    %reduce_sum3A_1535 = arith.constant dense<0.000000e+00> : vector<400xf32>
    %reduce_sum3A_1536 = vector.multi_reduction <add>, %select_n3A_1534, %reduce_sum3A_1535 [1] : vector<400x17xf32> to vector<400xf32>
    %broadcast_in_dim3A_1537 = vector.shape_cast %reduce_sum3A_1536 : vector<400xf32> to vector<400x1xf32>
    %jit3A_1538 = arith.constant 0.000000e+00 : f32
    %broadcast_in_dim3A_1539 = vector.broadcast %jit3A_1538 : f32 to vector<400x17xf32>
    %select_n3A_1540 = arith.select %le3A_1531, %mul3A_1289, %broadcast_in_dim3A_1539 : vector<400x17xi1>, vector<400x17xf32>
    %reduce_sum3A_1541 = arith.constant dense<0.000000e+00> : vector<400xf32>
    %reduce_sum3A_1542 = vector.multi_reduction <add>, %select_n3A_1540, %reduce_sum3A_1541 [1] : vector<400x17xf32> to vector<400xf32>
    %broadcast_in_dim3A_1543 = vector.shape_cast %reduce_sum3A_1542 : vector<400xf32> to vector<400x1xf32>
    %eq3A_1544 = arith.constant 10 : i32
    %eq3A_1545 = vector.broadcast %eq3A_1544 : i32 to vector<400x17xi32>
    %eq3A_1546 = arith.cmpi eq, %add3A_1288, %eq3A_1545 : vector<400x17xi32>
    %jit3A_1547 = arith.constant 0.000000e+00 : f32
    %broadcast_in_dim3A_1548 = vector.broadcast %jit3A_1547 : f32 to vector<400x17xf32>
    %select_n3A_1549 = arith.select %eq3A_1546, %concatenate3A, %broadcast_in_dim3A_1548 : vector<400x17xi1>, vector<400x17xf32>
    %reduce_sum3A_1550 = arith.constant dense<0.000000e+00> : vector<400xf32>
    %reduce_sum3A_1551 = vector.multi_reduction <add>, %select_n3A_1549, %reduce_sum3A_1550 [1] : vector<400x17xf32> to vector<400xf32>
    %broadcast_in_dim3A_1552 = vector.shape_cast %reduce_sum3A_1551 : vector<400xf32> to vector<400x1xf32>
    %le3A_1553 = arith.constant 11 : i32
    %le3A_1554 = vector.broadcast %le3A_1553 : i32 to vector<400x17xi32>
    %le3A_1555 = arith.cmpi sle, %add3A_1288, %le3A_1554 : vector<400x17xi32>
    %jit3A_1556 = arith.constant 0.000000e+00 : f32
    %broadcast_in_dim3A_1557 = vector.broadcast %jit3A_1556 : f32 to vector<400x17xf32>
    %select_n3A_1558 = arith.select %le3A_1555, %concatenate3A, %broadcast_in_dim3A_1557 : vector<400x17xi1>, vector<400x17xf32>
    %reduce_sum3A_1559 = arith.constant dense<0.000000e+00> : vector<400xf32>
    %reduce_sum3A_1560 = vector.multi_reduction <add>, %select_n3A_1558, %reduce_sum3A_1559 [1] : vector<400x17xf32> to vector<400xf32>
    %broadcast_in_dim3A_1561 = vector.shape_cast %reduce_sum3A_1560 : vector<400xf32> to vector<400x1xf32>
    %jit3A_1562 = arith.constant 0.000000e+00 : f32
    %broadcast_in_dim3A_1563 = vector.broadcast %jit3A_1562 : f32 to vector<400x17xf32>
    %select_n3A_1564 = arith.select %le3A_1555, %mul3A_1289, %broadcast_in_dim3A_1563 : vector<400x17xi1>, vector<400x17xf32>
    %reduce_sum3A_1565 = arith.constant dense<0.000000e+00> : vector<400xf32>
    %reduce_sum3A_1566 = vector.multi_reduction <add>, %select_n3A_1564, %reduce_sum3A_1565 [1] : vector<400x17xf32> to vector<400xf32>
    %broadcast_in_dim3A_1567 = vector.shape_cast %reduce_sum3A_1566 : vector<400xf32> to vector<400x1xf32>
    %eq3A_1568 = arith.constant 11 : i32
    %eq3A_1569 = vector.broadcast %eq3A_1568 : i32 to vector<400x17xi32>
    %eq3A_1570 = arith.cmpi eq, %add3A_1288, %eq3A_1569 : vector<400x17xi32>
    %jit3A_1571 = arith.constant 0.000000e+00 : f32
    %broadcast_in_dim3A_1572 = vector.broadcast %jit3A_1571 : f32 to vector<400x17xf32>
    %select_n3A_1573 = arith.select %eq3A_1570, %concatenate3A, %broadcast_in_dim3A_1572 : vector<400x17xi1>, vector<400x17xf32>
    %reduce_sum3A_1574 = arith.constant dense<0.000000e+00> : vector<400xf32>
    %reduce_sum3A_1575 = vector.multi_reduction <add>, %select_n3A_1573, %reduce_sum3A_1574 [1] : vector<400x17xf32> to vector<400xf32>
    %broadcast_in_dim3A_1576 = vector.shape_cast %reduce_sum3A_1575 : vector<400xf32> to vector<400x1xf32>
    %le3A_1577 = arith.constant 12 : i32
    %le3A_1578 = vector.broadcast %le3A_1577 : i32 to vector<400x17xi32>
    %le3A_1579 = arith.cmpi sle, %add3A_1288, %le3A_1578 : vector<400x17xi32>
    %jit3A_1580 = arith.constant 0.000000e+00 : f32
    %broadcast_in_dim3A_1581 = vector.broadcast %jit3A_1580 : f32 to vector<400x17xf32>
    %select_n3A_1582 = arith.select %le3A_1579, %concatenate3A, %broadcast_in_dim3A_1581 : vector<400x17xi1>, vector<400x17xf32>
    %reduce_sum3A_1583 = arith.constant dense<0.000000e+00> : vector<400xf32>
    %reduce_sum3A_1584 = vector.multi_reduction <add>, %select_n3A_1582, %reduce_sum3A_1583 [1] : vector<400x17xf32> to vector<400xf32>
    %broadcast_in_dim3A_1585 = vector.shape_cast %reduce_sum3A_1584 : vector<400xf32> to vector<400x1xf32>
    %jit3A_1586 = arith.constant 0.000000e+00 : f32
    %broadcast_in_dim3A_1587 = vector.broadcast %jit3A_1586 : f32 to vector<400x17xf32>
    %select_n3A_1588 = arith.select %le3A_1579, %mul3A_1289, %broadcast_in_dim3A_1587 : vector<400x17xi1>, vector<400x17xf32>
    %reduce_sum3A_1589 = arith.constant dense<0.000000e+00> : vector<400xf32>
    %reduce_sum3A_1590 = vector.multi_reduction <add>, %select_n3A_1588, %reduce_sum3A_1589 [1] : vector<400x17xf32> to vector<400xf32>
    %broadcast_in_dim3A_1591 = vector.shape_cast %reduce_sum3A_1590 : vector<400xf32> to vector<400x1xf32>
    %eq3A_1592 = arith.constant 12 : i32
    %eq3A_1593 = vector.broadcast %eq3A_1592 : i32 to vector<400x17xi32>
    %eq3A_1594 = arith.cmpi eq, %add3A_1288, %eq3A_1593 : vector<400x17xi32>
    %jit3A_1595 = arith.constant 0.000000e+00 : f32
    %broadcast_in_dim3A_1596 = vector.broadcast %jit3A_1595 : f32 to vector<400x17xf32>
    %select_n3A_1597 = arith.select %eq3A_1594, %concatenate3A, %broadcast_in_dim3A_1596 : vector<400x17xi1>, vector<400x17xf32>
    %reduce_sum3A_1598 = arith.constant dense<0.000000e+00> : vector<400xf32>
    %reduce_sum3A_1599 = vector.multi_reduction <add>, %select_n3A_1597, %reduce_sum3A_1598 [1] : vector<400x17xf32> to vector<400xf32>
    %broadcast_in_dim3A_1600 = vector.shape_cast %reduce_sum3A_1599 : vector<400xf32> to vector<400x1xf32>
    %le3A_1601 = arith.constant 13 : i32
    %le3A_1602 = vector.broadcast %le3A_1601 : i32 to vector<400x17xi32>
    %le3A_1603 = arith.cmpi sle, %add3A_1288, %le3A_1602 : vector<400x17xi32>
    %jit3A_1604 = arith.constant 0.000000e+00 : f32
    %broadcast_in_dim3A_1605 = vector.broadcast %jit3A_1604 : f32 to vector<400x17xf32>
    %select_n3A_1606 = arith.select %le3A_1603, %concatenate3A, %broadcast_in_dim3A_1605 : vector<400x17xi1>, vector<400x17xf32>
    %reduce_sum3A_1607 = arith.constant dense<0.000000e+00> : vector<400xf32>
    %reduce_sum3A_1608 = vector.multi_reduction <add>, %select_n3A_1606, %reduce_sum3A_1607 [1] : vector<400x17xf32> to vector<400xf32>
    %broadcast_in_dim3A_1609 = vector.shape_cast %reduce_sum3A_1608 : vector<400xf32> to vector<400x1xf32>
    %jit3A_1610 = arith.constant 0.000000e+00 : f32
    %broadcast_in_dim3A_1611 = vector.broadcast %jit3A_1610 : f32 to vector<400x17xf32>
    %select_n3A_1612 = arith.select %le3A_1603, %mul3A_1289, %broadcast_in_dim3A_1611 : vector<400x17xi1>, vector<400x17xf32>
    %reduce_sum3A_1613 = arith.constant dense<0.000000e+00> : vector<400xf32>
    %reduce_sum3A_1614 = vector.multi_reduction <add>, %select_n3A_1612, %reduce_sum3A_1613 [1] : vector<400x17xf32> to vector<400xf32>
    %broadcast_in_dim3A_1615 = vector.shape_cast %reduce_sum3A_1614 : vector<400xf32> to vector<400x1xf32>
    %eq3A_1616 = arith.constant 13 : i32
    %eq3A_1617 = vector.broadcast %eq3A_1616 : i32 to vector<400x17xi32>
    %eq3A_1618 = arith.cmpi eq, %add3A_1288, %eq3A_1617 : vector<400x17xi32>
    %jit3A_1619 = arith.constant 0.000000e+00 : f32
    %broadcast_in_dim3A_1620 = vector.broadcast %jit3A_1619 : f32 to vector<400x17xf32>
    %select_n3A_1621 = arith.select %eq3A_1618, %concatenate3A, %broadcast_in_dim3A_1620 : vector<400x17xi1>, vector<400x17xf32>
    %reduce_sum3A_1622 = arith.constant dense<0.000000e+00> : vector<400xf32>
    %reduce_sum3A_1623 = vector.multi_reduction <add>, %select_n3A_1621, %reduce_sum3A_1622 [1] : vector<400x17xf32> to vector<400xf32>
    %broadcast_in_dim3A_1624 = vector.shape_cast %reduce_sum3A_1623 : vector<400xf32> to vector<400x1xf32>
    %le3A_1625 = arith.constant 14 : i32
    %le3A_1626 = vector.broadcast %le3A_1625 : i32 to vector<400x17xi32>
    %le3A_1627 = arith.cmpi sle, %add3A_1288, %le3A_1626 : vector<400x17xi32>
    %jit3A_1628 = arith.constant 0.000000e+00 : f32
    %broadcast_in_dim3A_1629 = vector.broadcast %jit3A_1628 : f32 to vector<400x17xf32>
    %select_n3A_1630 = arith.select %le3A_1627, %concatenate3A, %broadcast_in_dim3A_1629 : vector<400x17xi1>, vector<400x17xf32>
    %reduce_sum3A_1631 = arith.constant dense<0.000000e+00> : vector<400xf32>
    %reduce_sum3A_1632 = vector.multi_reduction <add>, %select_n3A_1630, %reduce_sum3A_1631 [1] : vector<400x17xf32> to vector<400xf32>
    %broadcast_in_dim3A_1633 = vector.shape_cast %reduce_sum3A_1632 : vector<400xf32> to vector<400x1xf32>
    %jit3A_1634 = arith.constant 0.000000e+00 : f32
    %broadcast_in_dim3A_1635 = vector.broadcast %jit3A_1634 : f32 to vector<400x17xf32>
    %select_n3A_1636 = arith.select %le3A_1627, %mul3A_1289, %broadcast_in_dim3A_1635 : vector<400x17xi1>, vector<400x17xf32>
    %reduce_sum3A_1637 = arith.constant dense<0.000000e+00> : vector<400xf32>
    %reduce_sum3A_1638 = vector.multi_reduction <add>, %select_n3A_1636, %reduce_sum3A_1637 [1] : vector<400x17xf32> to vector<400xf32>
    %broadcast_in_dim3A_1639 = vector.shape_cast %reduce_sum3A_1638 : vector<400xf32> to vector<400x1xf32>
    %eq3A_1640 = arith.constant 14 : i32
    %eq3A_1641 = vector.broadcast %eq3A_1640 : i32 to vector<400x17xi32>
    %eq3A_1642 = arith.cmpi eq, %add3A_1288, %eq3A_1641 : vector<400x17xi32>
    %jit3A_1643 = arith.constant 0.000000e+00 : f32
    %broadcast_in_dim3A_1644 = vector.broadcast %jit3A_1643 : f32 to vector<400x17xf32>
    %select_n3A_1645 = arith.select %eq3A_1642, %concatenate3A, %broadcast_in_dim3A_1644 : vector<400x17xi1>, vector<400x17xf32>
    %reduce_sum3A_1646 = arith.constant dense<0.000000e+00> : vector<400xf32>
    %reduce_sum3A_1647 = vector.multi_reduction <add>, %select_n3A_1645, %reduce_sum3A_1646 [1] : vector<400x17xf32> to vector<400xf32>
    %broadcast_in_dim3A_1648 = vector.shape_cast %reduce_sum3A_1647 : vector<400xf32> to vector<400x1xf32>
    %le3A_1649 = arith.constant 15 : i32
    %le3A_1650 = vector.broadcast %le3A_1649 : i32 to vector<400x17xi32>
    %le3A_1651 = arith.cmpi sle, %add3A_1288, %le3A_1650 : vector<400x17xi32>
    %jit3A_1652 = arith.constant 0.000000e+00 : f32
    %broadcast_in_dim3A_1653 = vector.broadcast %jit3A_1652 : f32 to vector<400x17xf32>
    %select_n3A_1654 = arith.select %le3A_1651, %concatenate3A, %broadcast_in_dim3A_1653 : vector<400x17xi1>, vector<400x17xf32>
    %reduce_sum3A_1655 = arith.constant dense<0.000000e+00> : vector<400xf32>
    %reduce_sum3A_1656 = vector.multi_reduction <add>, %select_n3A_1654, %reduce_sum3A_1655 [1] : vector<400x17xf32> to vector<400xf32>
    %broadcast_in_dim3A_1657 = vector.shape_cast %reduce_sum3A_1656 : vector<400xf32> to vector<400x1xf32>
    %jit3A_1658 = arith.constant 0.000000e+00 : f32
    %broadcast_in_dim3A_1659 = vector.broadcast %jit3A_1658 : f32 to vector<400x17xf32>
    %select_n3A_1660 = arith.select %le3A_1651, %mul3A_1289, %broadcast_in_dim3A_1659 : vector<400x17xi1>, vector<400x17xf32>
    %reduce_sum3A_1661 = arith.constant dense<0.000000e+00> : vector<400xf32>
    %reduce_sum3A_1662 = vector.multi_reduction <add>, %select_n3A_1660, %reduce_sum3A_1661 [1] : vector<400x17xf32> to vector<400xf32>
    %broadcast_in_dim3A_1663 = vector.shape_cast %reduce_sum3A_1662 : vector<400xf32> to vector<400x1xf32>
    %eq3A_1664 = arith.constant 15 : i32
    %eq3A_1665 = vector.broadcast %eq3A_1664 : i32 to vector<400x17xi32>
    %eq3A_1666 = arith.cmpi eq, %add3A_1288, %eq3A_1665 : vector<400x17xi32>
    %jit3A_1667 = arith.constant 0.000000e+00 : f32
    %broadcast_in_dim3A_1668 = vector.broadcast %jit3A_1667 : f32 to vector<400x17xf32>
    %select_n3A_1669 = arith.select %eq3A_1666, %concatenate3A, %broadcast_in_dim3A_1668 : vector<400x17xi1>, vector<400x17xf32>
    %reduce_sum3A_1670 = arith.constant dense<0.000000e+00> : vector<400xf32>
    %reduce_sum3A_1671 = vector.multi_reduction <add>, %select_n3A_1669, %reduce_sum3A_1670 [1] : vector<400x17xf32> to vector<400xf32>
    %broadcast_in_dim3A_1672 = vector.shape_cast %reduce_sum3A_1671 : vector<400xf32> to vector<400x1xf32>
    %le3A_1673 = arith.constant 16 : i32
    %le3A_1674 = vector.broadcast %le3A_1673 : i32 to vector<400x17xi32>
    %le3A_1675 = arith.cmpi sle, %add3A_1288, %le3A_1674 : vector<400x17xi32>
    %jit3A_1676 = arith.constant 0.000000e+00 : f32
    %broadcast_in_dim3A_1677 = vector.broadcast %jit3A_1676 : f32 to vector<400x17xf32>
    %select_n3A_1678 = arith.select %le3A_1675, %concatenate3A, %broadcast_in_dim3A_1677 : vector<400x17xi1>, vector<400x17xf32>
    %reduce_sum3A_1679 = arith.constant dense<0.000000e+00> : vector<400xf32>
    %reduce_sum3A_1680 = vector.multi_reduction <add>, %select_n3A_1678, %reduce_sum3A_1679 [1] : vector<400x17xf32> to vector<400xf32>
    %broadcast_in_dim3A_1681 = vector.shape_cast %reduce_sum3A_1680 : vector<400xf32> to vector<400x1xf32>
    %jit3A_1682 = arith.constant 0.000000e+00 : f32
    %broadcast_in_dim3A_1683 = vector.broadcast %jit3A_1682 : f32 to vector<400x17xf32>
    %select_n3A_1684 = arith.select %le3A_1675, %mul3A_1289, %broadcast_in_dim3A_1683 : vector<400x17xi1>, vector<400x17xf32>
    %reduce_sum3A_1685 = arith.constant dense<0.000000e+00> : vector<400xf32>
    %reduce_sum3A_1686 = vector.multi_reduction <add>, %select_n3A_1684, %reduce_sum3A_1685 [1] : vector<400x17xf32> to vector<400xf32>
    %broadcast_in_dim3A_1687 = vector.shape_cast %reduce_sum3A_1686 : vector<400xf32> to vector<400x1xf32>
    %eq3A_1688 = arith.constant 16 : i32
    %eq3A_1689 = vector.broadcast %eq3A_1688 : i32 to vector<400x17xi32>
    %eq3A_1690 = arith.cmpi eq, %add3A_1288, %eq3A_1689 : vector<400x17xi32>
    %jit3A_1691 = arith.constant 0.000000e+00 : f32
    %broadcast_in_dim3A_1692 = vector.broadcast %jit3A_1691 : f32 to vector<400x17xf32>
    %select_n3A_1693 = arith.select %eq3A_1690, %concatenate3A, %broadcast_in_dim3A_1692 : vector<400x17xi1>, vector<400x17xf32>
    %reduce_sum3A_1694 = arith.constant dense<0.000000e+00> : vector<400xf32>
    %reduce_sum3A_1695 = vector.multi_reduction <add>, %select_n3A_1693, %reduce_sum3A_1694 [1] : vector<400x17xf32> to vector<400xf32>
    %broadcast_in_dim3A_1696 = vector.shape_cast %reduce_sum3A_1695 : vector<400xf32> to vector<400x1xf32>
    %concatenate3A_1697 = tpu.concatenate %broadcast_in_dim3A_1297, %broadcast_in_dim3A_1321, %broadcast_in_dim3A_1345, %broadcast_in_dim3A_1369, %broadcast_in_dim3A_1393, %broadcast_in_dim3A_1417, %broadcast_in_dim3A_1441, %broadcast_in_dim3A_1465, %broadcast_in_dim3A_1489, %broadcast_in_dim3A_1513, %broadcast_in_dim3A_1537, %broadcast_in_dim3A_1561, %broadcast_in_dim3A_1585, %broadcast_in_dim3A_1609, %broadcast_in_dim3A_1633, %broadcast_in_dim3A_1657, %broadcast_in_dim3A_1681 in 1 : vector<400x1xf32>, vector<400x1xf32>, vector<400x1xf32>, vector<400x1xf32>, vector<400x1xf32>, vector<400x1xf32>, vector<400x1xf32>, vector<400x1xf32>, vector<400x1xf32>, vector<400x1xf32>, vector<400x1xf32>, vector<400x1xf32>, vector<400x1xf32>, vector<400x1xf32>, vector<400x1xf32>, vector<400x1xf32>, vector<400x1xf32> -> vector<400x17xf32>
    %concatenate3A_1698 = tpu.concatenate %broadcast_in_dim3A_1303, %broadcast_in_dim3A_1327, %broadcast_in_dim3A_1351, %broadcast_in_dim3A_1375, %broadcast_in_dim3A_1399, %broadcast_in_dim3A_1423, %broadcast_in_dim3A_1447, %broadcast_in_dim3A_1471, %broadcast_in_dim3A_1495, %broadcast_in_dim3A_1519, %broadcast_in_dim3A_1543, %broadcast_in_dim3A_1567, %broadcast_in_dim3A_1591, %broadcast_in_dim3A_1615, %broadcast_in_dim3A_1639, %broadcast_in_dim3A_1663, %broadcast_in_dim3A_1687 in 1 : vector<400x1xf32>, vector<400x1xf32>, vector<400x1xf32>, vector<400x1xf32>, vector<400x1xf32>, vector<400x1xf32>, vector<400x1xf32>, vector<400x1xf32>, vector<400x1xf32>, vector<400x1xf32>, vector<400x1xf32>, vector<400x1xf32>, vector<400x1xf32>, vector<400x1xf32>, vector<400x1xf32>, vector<400x1xf32>, vector<400x1xf32> -> vector<400x17xf32>
    %concatenate3A_1699 = tpu.concatenate %broadcast_in_dim3A_1312, %broadcast_in_dim3A_1336, %broadcast_in_dim3A_1360, %broadcast_in_dim3A_1384, %broadcast_in_dim3A_1408, %broadcast_in_dim3A_1432, %broadcast_in_dim3A_1456, %broadcast_in_dim3A_1480, %broadcast_in_dim3A_1504, %broadcast_in_dim3A_1528, %broadcast_in_dim3A_1552, %broadcast_in_dim3A_1576, %broadcast_in_dim3A_1600, %broadcast_in_dim3A_1624, %broadcast_in_dim3A_1648, %broadcast_in_dim3A_1672, %broadcast_in_dim3A_1696 in 1 : vector<400x1xf32>, vector<400x1xf32>, vector<400x1xf32>, vector<400x1xf32>, vector<400x1xf32>, vector<400x1xf32>, vector<400x1xf32>, vector<400x1xf32>, vector<400x1xf32>, vector<400x1xf32>, vector<400x1xf32>, vector<400x1xf32>, vector<400x1xf32>, vector<400x1xf32>, vector<400x1xf32>, vector<400x1xf32>, vector<400x1xf32> -> vector<400x17xf32>
    %add3A_1700 = arith.constant 1.000000e+00 : f32
    %add3A_1701 = vector.broadcast %add3A_1700 : f32 to vector<400x17xf32>
    %add3A_1702 = arith.addf %convert_element_type3A_1067, %add3A_1701 : vector<400x17xf32>
    %div3A = arith.divf %concatenate3A_1697, %add3A_1702 : vector<400x17xf32>
    %div3A_1703 = arith.divf %concatenate3A_1698, %add3A_1702 : vector<400x17xf32>
    %mul3A_1704 = arith.mulf %div3A, %div3A : vector<400x17xf32>
    %sub3A = arith.subf %mul3A_1704, %div3A_1703 : vector<400x17xf32>
    %div3A_1705 = arith.constant 1.000000e+00 : f32
    %div3A_1706 = vector.broadcast %div3A_1705 : f32 to vector<400x17xf32>
    %div3A_1707 = arith.divf %div3A_1706, %add3A_1702 : vector<400x17xf32>
    %add3A_1708 = arith.addf %sub3A, %div3A_1707 : vector<400x17xf32>
    %max3A = arith.constant 0.000000e+00 : f32
    %max3A_1709 = vector.broadcast %max3A : f32 to vector<400x17xf32>
    %max3A_1710 = arith.maximumf %add3A_1708, %max3A_1709 : vector<400x17xf32>
    %add3A_1711 = arith.constant 9.99999996E-13 : f32
    %add3A_1712 = vector.broadcast %add3A_1711 : f32 to vector<400x17xf32>
    %add3A_1713 = arith.addf %max3A_1710, %add3A_1712 : vector<400x17xf32>
    %sqrt3A = math.sqrt %add3A_1713 : vector<400x17xf32>
    %sub3A_1714 = arith.subf %div3A, %sqrt3A : vector<400x17xf32>
    %gt3A_1715 = arith.cmpf ogt, %concatenate3A_1699, %sub3A_1714 : vector<400x17xf32>
    %convert_element_type3A_1716 = arith.extui %gt3A_1715 : vector<400x17xi1> to vector<400x17xi32>
    %convert_element_type3A_1717 = arith.sitofp %convert_element_type3A_1716 : vector<400x17xi32> to vector<400x17xf32>
    %reduce_sum3A_1718 = arith.constant dense<0.000000e+00> : vector<400xf32>
    %reduce_sum3A_1719 = vector.multi_reduction <add>, %convert_element_type3A_1717, %reduce_sum3A_1718 [1] : vector<400x17xf32> to vector<400xf32>
    %broadcast_in_dim3A_1720 = vector.shape_cast %reduce_sum3A_1719 : vector<400xf32> to vector<400x1xf32>
    %sub3A_1721 = arith.constant 1.000000e+00 : f32
    %sub3A_1722 = vector.broadcast %sub3A_1721 : f32 to vector<400x1xf32>
    %sub3A_1723 = arith.subf %broadcast_in_dim3A_1720, %sub3A_1722 : vector<400x1xf32>
    %eq3A_1724 = vector.broadcast %sub3A_1723 : vector<400x1xf32> to vector<400x17xf32>
    %eq3A_1725 = arith.cmpf oeq, %convert_element_type3A_1067, %eq3A_1724 : vector<400x17xf32>
    %jit3A_1726 = arith.constant 0.000000e+00 : f32
    %broadcast_in_dim3A_1727 = vector.broadcast %jit3A_1726 : f32 to vector<400x17xf32>
    %select_n3A_1728 = arith.select %eq3A_1725, %sub3A_1714, %broadcast_in_dim3A_1727 : vector<400x17xi1>, vector<400x17xf32>
    %reduce_sum3A_1729 = arith.constant dense<0.000000e+00> : vector<400xf32>
    %reduce_sum3A_1730 = vector.multi_reduction <add>, %select_n3A_1728, %reduce_sum3A_1729 [1] : vector<400x17xf32> to vector<400xf32>
    %broadcast_in_dim3A_1731 = vector.shape_cast %reduce_sum3A_1730 : vector<400xf32> to vector<400x1xf32>
    %sub3A_1732 = vector.broadcast %broadcast_in_dim3A_1731 : vector<400x1xf32> to vector<400x17xf32>
    %sub3A_1733 = arith.subf %concatenate3A, %sub3A_1732 : vector<400x17xf32>
    %max3A_1734 = arith.constant 0.000000e+00 : f32
    %max3A_1735 = vector.broadcast %max3A_1734 : f32 to vector<400x17xf32>
    %max3A_1736 = arith.maximumf %sub3A_1733, %max3A_1735 : vector<400x17xf32>
    %mul3A_1737 = arith.mulf %max3A_1736, %max3A_1736 : vector<400x17xf32>
    %mul3A_1738 = arith.mulf %add3A_1702, %concatenate3A_1699 : vector<400x17xf32>
    %sub3A_1739 = arith.constant 1.000000e+00 : f32
    %sub3A_1740 = vector.broadcast %sub3A_1739 : f32 to vector<400x17xf32>
    %sub3A_1741 = arith.subf %concatenate3A_1697, %sub3A_1740 : vector<400x17xf32>
    %gt3A_1742 = arith.cmpf ogt, %mul3A_1738, %sub3A_1741 : vector<400x17xf32>
    %convert_element_type3A_1743 = arith.extui %gt3A_1742 : vector<400x17xi1> to vector<400x17xi32>
    %convert_element_type3A_1744 = arith.sitofp %convert_element_type3A_1743 : vector<400x17xi32> to vector<400x17xf32>
    %reduce_sum3A_1745 = arith.constant dense<0.000000e+00> : vector<400xf32>
    %reduce_sum3A_1746 = vector.multi_reduction <add>, %convert_element_type3A_1744, %reduce_sum3A_1745 [1] : vector<400x17xf32> to vector<400xf32>
    %broadcast_in_dim3A_1747 = vector.shape_cast %reduce_sum3A_1746 : vector<400xf32> to vector<400x1xf32>
    %sub3A_1748 = arith.constant 1.000000e+00 : f32
    %sub3A_1749 = vector.broadcast %sub3A_1748 : f32 to vector<400x1xf32>
    %sub3A_1750 = arith.subf %broadcast_in_dim3A_1747, %sub3A_1749 : vector<400x1xf32>
    %eq3A_1751 = vector.broadcast %sub3A_1750 : vector<400x1xf32> to vector<400x17xf32>
    %eq3A_1752 = arith.cmpf oeq, %convert_element_type3A_1067, %eq3A_1751 : vector<400x17xf32>
    %jit3A_1753 = arith.constant 0.000000e+00 : f32
    %broadcast_in_dim3A_1754 = vector.broadcast %jit3A_1753 : f32 to vector<400x17xf32>
    %select_n3A_1755 = arith.select %eq3A_1752, %concatenate3A_1697, %broadcast_in_dim3A_1754 : vector<400x17xi1>, vector<400x17xf32>
    %reduce_sum3A_1756 = arith.constant dense<0.000000e+00> : vector<400xf32>
    %reduce_sum3A_1757 = vector.multi_reduction <add>, %select_n3A_1755, %reduce_sum3A_1756 [1] : vector<400x17xf32> to vector<400xf32>
    %broadcast_in_dim3A_1758 = vector.shape_cast %reduce_sum3A_1757 : vector<400xf32> to vector<400x1xf32>
    %sub3A_1759 = arith.constant 1.000000e+00 : f32
    %sub3A_1760 = vector.broadcast %sub3A_1759 : f32 to vector<400x1xf32>
    %sub3A_1761 = arith.subf %broadcast_in_dim3A_1758, %sub3A_1760 : vector<400x1xf32>
    %div3A_1762 = arith.divf %sub3A_1761, %broadcast_in_dim3A_1747 : vector<400x1xf32>
    %sub3A_1763 = vector.broadcast %div3A_1762 : vector<400x1xf32> to vector<400x17xf32>
    %sub3A_1764 = arith.subf %concatenate3A, %sub3A_1763 : vector<400x17xf32>
    %max3A_1765 = arith.constant 0.000000e+00 : f32
    %max3A_1766 = vector.broadcast %max3A_1765 : f32 to vector<400x17xf32>
    %max3A_1767 = arith.maximumf %sub3A_1764, %max3A_1766 : vector<400x17xf32>
    %reduce_max3A = arith.constant dense<0xFF800000> : vector<400xf32>
    %reduce_max3A_1768 = vector.multi_reduction <maximumf>, %concatenate3A, %reduce_max3A [1] : vector<400x17xf32> to vector<400xf32>
    %broadcast_in_dim3A_1769 = vector.shape_cast %reduce_max3A_1768 : vector<400xf32> to vector<400x1xf32>
    %sub3A_1770 = vector.broadcast %broadcast_in_dim3A_1769 : vector<400x1xf32> to vector<400x17xf32>
    %sub3A_1771 = arith.subf %concatenate3A, %sub3A_1770 : vector<400x17xf32>
    %exp3A = math.exp %sub3A_1771 : vector<400x17xf32>
    %reduce_sum3A_1772 = arith.constant dense<0.000000e+00> : vector<400xf32>
    %reduce_sum3A_1773 = vector.multi_reduction <add>, %exp3A, %reduce_sum3A_1772 [1] : vector<400x17xf32> to vector<400xf32>
    %broadcast_in_dim3A_1774 = vector.shape_cast %reduce_sum3A_1773 : vector<400xf32> to vector<400x1xf32>
    %div3A_1775 = vector.broadcast %broadcast_in_dim3A_1774 : vector<400x1xf32> to vector<400x17xf32>
    %div3A_1776 = arith.divf %exp3A, %div3A_1775 : vector<400x17xf32>
    %mul3A_1777 = arith.constant 2.000000e+00 : f32
    %mul3A_1778 = vector.broadcast %mul3A_1777 : f32 to vector<400x1xf32>
    %mul3A_1779 = arith.mulf %dot_general3A_64, %mul3A_1778 : vector<400x1xf32>
    %sub3A_1780 = arith.constant 5.000000e-01 : f32
    %sub3A_1781 = vector.broadcast %sub3A_1780 : f32 to vector<400x1xf32>
    %sub3A_1782 = arith.subf %dot_general3A_64, %sub3A_1781 : vector<400x1xf32>
    %mul3A_1783 = arith.constant 2.000000e+00 : f32
    %mul3A_1784 = vector.broadcast %mul3A_1783 : f32 to vector<400x1xf32>
    %mul3A_1785 = arith.mulf %sub3A_1782, %mul3A_1784 : vector<400x1xf32>
    %sub3A_1786 = arith.constant 1.000000e+00 : f32
    %sub3A_1787 = vector.broadcast %sub3A_1786 : f32 to vector<400x1xf32>
    %sub3A_1788 = arith.subf %sub3A_1787, %mul3A_1779 : vector<400x1xf32>
    %mul3A_1789 = vector.broadcast %sub3A_1788 : vector<400x1xf32> to vector<400x17xf32>
    %mul3A_1790 = arith.mulf %mul3A_1789, %div3A_1776 : vector<400x17xf32>
    %mul3A_1791 = vector.broadcast %mul3A_1779 : vector<400x1xf32> to vector<400x17xf32>
    %mul3A_1792 = arith.mulf %mul3A_1791, %mul3A_1737 : vector<400x17xf32>
    %add3A_1793 = arith.addf %mul3A_1790, %mul3A_1792 : vector<400x17xf32>
    %sub3A_1794 = arith.constant 1.000000e+00 : f32
    %sub3A_1795 = vector.broadcast %sub3A_1794 : f32 to vector<400x1xf32>
    %sub3A_1796 = arith.subf %sub3A_1795, %mul3A_1785 : vector<400x1xf32>
    %mul3A_1797 = vector.broadcast %sub3A_1796 : vector<400x1xf32> to vector<400x17xf32>
    %mul3A_1798 = arith.mulf %mul3A_1797, %mul3A_1737 : vector<400x17xf32>
    %mul3A_1799 = vector.broadcast %mul3A_1785 : vector<400x1xf32> to vector<400x17xf32>
    %mul3A_1800 = arith.mulf %mul3A_1799, %max3A_1767 : vector<400x17xf32>
    %add3A_1801 = arith.addf %mul3A_1798, %mul3A_1800 : vector<400x17xf32>
    %le3A_1802 = arith.constant 5.000000e-01 : f32
    %le3A_1803 = vector.broadcast %le3A_1802 : f32 to vector<400x1xf32>
    %le3A_1804 = arith.cmpf ole, %dot_general3A_64, %le3A_1803 : vector<400x1xf32>
    %broadcast_in_dim3A_1805 = vector.shape_cast %le3A_1804 : vector<400x1xi1> to vector<400x1xi1>
    %broadcast_in_dim3A_1806 = vector.broadcast %broadcast_in_dim3A_1805 : vector<400x1xi1> to vector<400x17xi1>
    %select_n3A_1807 = arith.select %broadcast_in_dim3A_1806, %add3A_1793, %add3A_1801 : vector<400x17xi1>, vector<400x17xf32>
    %gt3A_1808 = arith.constant 9.99999997E-7 : f32
    %gt3A_1809 = vector.broadcast %gt3A_1808 : f32 to vector<400x17xf32>
    %gt3A_1810 = arith.cmpf ogt, %select_n3A_1807, %gt3A_1809 : vector<400x17xf32>
    %convert_element_type3A_1811 = arith.extui %gt3A_1810 : vector<400x17xi1> to vector<400x17xi32>
    %convert_element_type3A_1812 = arith.sitofp %convert_element_type3A_1811 : vector<400x17xi32> to vector<400x17xf32>
    %reduce_sum3A_1813 = arith.constant dense<0.000000e+00> : vector<400xf32>
    %reduce_sum3A_1814 = vector.multi_reduction <add>, %convert_element_type3A_1812, %reduce_sum3A_1813 [1] : vector<400x17xf32> to vector<400xf32>
    %broadcast_in_dim3A_1815 = vector.shape_cast %reduce_sum3A_1814 : vector<400xf32> to vector<400x1xf32>
    %add3A_1816 = arith.constant 9.99999971E-10 : f32
    %add3A_1817 = vector.broadcast %add3A_1816 : f32 to vector<400x1xf32>
    %add3A_1818 = arith.addf %broadcast_in_dim3A_1815, %add3A_1817 : vector<400x1xf32>
    %div3A_1819 = vector.broadcast %add3A_1818 : vector<400x1xf32> to vector<400x17xf32>
    %div3A_1820 = arith.divf %convert_element_type3A_1812, %div3A_1819 : vector<400x17xf32>
    %slice3A_1821 = vector.extract_strided_slice %div3A_1820 {offsets = [0, 0], sizes = [400, 1], strides = [1, 1]} : vector<400x17xf32> to vector<400x1xf32>
    %mul3A_1822 = vector.broadcast %slice3A_1821 : vector<400x1xf32> to vector<400x256xf32>
    %mul3A_1823 = arith.mulf %mul3A_1822, %dot_general3A_62 : vector<400x256xf32>
    %slice3A_1824 = vector.extract_strided_slice %div3A_1820 {offsets = [0, 1], sizes = [400, 1], strides = [1, 1]} : vector<400x17xf32> to vector<400x1xf32>
    %mul3A_1825 = vector.broadcast %slice3A_1824 : vector<400x1xf32> to vector<400x256xf32>
    %mul3A_1826 = arith.mulf %mul3A_1825, %add3A_128 : vector<400x256xf32>
    %add3A_1827 = arith.addf %mul3A_1823, %mul3A_1826 : vector<400x256xf32>
    %slice3A_1828 = vector.extract_strided_slice %div3A_1820 {offsets = [0, 2], sizes = [400, 1], strides = [1, 1]} : vector<400x17xf32> to vector<400x1xf32>
    %mul3A_1829 = vector.broadcast %slice3A_1828 : vector<400x1xf32> to vector<400x256xf32>
    %mul3A_1830 = arith.mulf %mul3A_1829, %add3A_190 : vector<400x256xf32>
    %add3A_1831 = arith.addf %add3A_1827, %mul3A_1830 : vector<400x256xf32>
    %slice3A_1832 = vector.extract_strided_slice %div3A_1820 {offsets = [0, 3], sizes = [400, 1], strides = [1, 1]} : vector<400x17xf32> to vector<400x1xf32>
    %mul3A_1833 = vector.broadcast %slice3A_1832 : vector<400x1xf32> to vector<400x256xf32>
    %mul3A_1834 = arith.mulf %mul3A_1833, %add3A_252 : vector<400x256xf32>
    %add3A_1835 = arith.addf %add3A_1831, %mul3A_1834 : vector<400x256xf32>
    %slice3A_1836 = vector.extract_strided_slice %div3A_1820 {offsets = [0, 4], sizes = [400, 1], strides = [1, 1]} : vector<400x17xf32> to vector<400x1xf32>
    %mul3A_1837 = vector.broadcast %slice3A_1836 : vector<400x1xf32> to vector<400x256xf32>
    %mul3A_1838 = arith.mulf %mul3A_1837, %add3A_314 : vector<400x256xf32>
    %add3A_1839 = arith.addf %add3A_1835, %mul3A_1838 : vector<400x256xf32>
    %slice3A_1840 = vector.extract_strided_slice %div3A_1820 {offsets = [0, 5], sizes = [400, 1], strides = [1, 1]} : vector<400x17xf32> to vector<400x1xf32>
    %mul3A_1841 = vector.broadcast %slice3A_1840 : vector<400x1xf32> to vector<400x256xf32>
    %mul3A_1842 = arith.mulf %mul3A_1841, %add3A_376 : vector<400x256xf32>
    %add3A_1843 = arith.addf %add3A_1839, %mul3A_1842 : vector<400x256xf32>
    %slice3A_1844 = vector.extract_strided_slice %div3A_1820 {offsets = [0, 6], sizes = [400, 1], strides = [1, 1]} : vector<400x17xf32> to vector<400x1xf32>
    %mul3A_1845 = vector.broadcast %slice3A_1844 : vector<400x1xf32> to vector<400x256xf32>
    %mul3A_1846 = arith.mulf %mul3A_1845, %add3A_438 : vector<400x256xf32>
    %add3A_1847 = arith.addf %add3A_1843, %mul3A_1846 : vector<400x256xf32>
    %slice3A_1848 = vector.extract_strided_slice %div3A_1820 {offsets = [0, 7], sizes = [400, 1], strides = [1, 1]} : vector<400x17xf32> to vector<400x1xf32>
    %mul3A_1849 = vector.broadcast %slice3A_1848 : vector<400x1xf32> to vector<400x256xf32>
    %mul3A_1850 = arith.mulf %mul3A_1849, %add3A_500 : vector<400x256xf32>
    %add3A_1851 = arith.addf %add3A_1847, %mul3A_1850 : vector<400x256xf32>
    %slice3A_1852 = vector.extract_strided_slice %div3A_1820 {offsets = [0, 8], sizes = [400, 1], strides = [1, 1]} : vector<400x17xf32> to vector<400x1xf32>
    %mul3A_1853 = vector.broadcast %slice3A_1852 : vector<400x1xf32> to vector<400x256xf32>
    %mul3A_1854 = arith.mulf %mul3A_1853, %add3A_562 : vector<400x256xf32>
    %add3A_1855 = arith.addf %add3A_1851, %mul3A_1854 : vector<400x256xf32>
    %slice3A_1856 = vector.extract_strided_slice %div3A_1820 {offsets = [0, 9], sizes = [400, 1], strides = [1, 1]} : vector<400x17xf32> to vector<400x1xf32>
    %mul3A_1857 = vector.broadcast %slice3A_1856 : vector<400x1xf32> to vector<400x256xf32>
    %mul3A_1858 = arith.mulf %mul3A_1857, %add3A_624 : vector<400x256xf32>
    %add3A_1859 = arith.addf %add3A_1855, %mul3A_1858 : vector<400x256xf32>
    %slice3A_1860 = vector.extract_strided_slice %div3A_1820 {offsets = [0, 10], sizes = [400, 1], strides = [1, 1]} : vector<400x17xf32> to vector<400x1xf32>
    %mul3A_1861 = vector.broadcast %slice3A_1860 : vector<400x1xf32> to vector<400x256xf32>
    %mul3A_1862 = arith.mulf %mul3A_1861, %add3A_686 : vector<400x256xf32>
    %add3A_1863 = arith.addf %add3A_1859, %mul3A_1862 : vector<400x256xf32>
    %slice3A_1864 = vector.extract_strided_slice %div3A_1820 {offsets = [0, 11], sizes = [400, 1], strides = [1, 1]} : vector<400x17xf32> to vector<400x1xf32>
    %mul3A_1865 = vector.broadcast %slice3A_1864 : vector<400x1xf32> to vector<400x256xf32>
    %mul3A_1866 = arith.mulf %mul3A_1865, %add3A_748 : vector<400x256xf32>
    %add3A_1867 = arith.addf %add3A_1863, %mul3A_1866 : vector<400x256xf32>
    %slice3A_1868 = vector.extract_strided_slice %div3A_1820 {offsets = [0, 12], sizes = [400, 1], strides = [1, 1]} : vector<400x17xf32> to vector<400x1xf32>
    %mul3A_1869 = vector.broadcast %slice3A_1868 : vector<400x1xf32> to vector<400x256xf32>
    %mul3A_1870 = arith.mulf %mul3A_1869, %add3A_810 : vector<400x256xf32>
    %add3A_1871 = arith.addf %add3A_1867, %mul3A_1870 : vector<400x256xf32>
    %slice3A_1872 = vector.extract_strided_slice %div3A_1820 {offsets = [0, 13], sizes = [400, 1], strides = [1, 1]} : vector<400x17xf32> to vector<400x1xf32>
    %mul3A_1873 = vector.broadcast %slice3A_1872 : vector<400x1xf32> to vector<400x256xf32>
    %mul3A_1874 = arith.mulf %mul3A_1873, %add3A_872 : vector<400x256xf32>
    %add3A_1875 = arith.addf %add3A_1871, %mul3A_1874 : vector<400x256xf32>
    %slice3A_1876 = vector.extract_strided_slice %div3A_1820 {offsets = [0, 14], sizes = [400, 1], strides = [1, 1]} : vector<400x17xf32> to vector<400x1xf32>
    %mul3A_1877 = vector.broadcast %slice3A_1876 : vector<400x1xf32> to vector<400x256xf32>
    %mul3A_1878 = arith.mulf %mul3A_1877, %add3A_934 : vector<400x256xf32>
    %add3A_1879 = arith.addf %add3A_1875, %mul3A_1878 : vector<400x256xf32>
    %slice3A_1880 = vector.extract_strided_slice %div3A_1820 {offsets = [0, 15], sizes = [400, 1], strides = [1, 1]} : vector<400x17xf32> to vector<400x1xf32>
    %mul3A_1881 = vector.broadcast %slice3A_1880 : vector<400x1xf32> to vector<400x256xf32>
    %mul3A_1882 = arith.mulf %mul3A_1881, %add3A_996 : vector<400x256xf32>
    %add3A_1883 = arith.addf %add3A_1879, %mul3A_1882 : vector<400x256xf32>
    %slice3A_1884 = vector.extract_strided_slice %div3A_1820 {offsets = [0, 16], sizes = [400, 1], strides = [1, 1]} : vector<400x17xf32> to vector<400x1xf32>
    %mul3A_1885 = vector.broadcast %slice3A_1884 : vector<400x1xf32> to vector<400x256xf32>
    %mul3A_1886 = arith.mulf %mul3A_1885, %add3A_1058 : vector<400x256xf32>
    %add3A_1887 = arith.addf %add3A_1883, %mul3A_1886 : vector<400x256xf32>
    %add3A_1888 = arith.addf %dot_general3A_56, %add3A_1887 : vector<400x256xf32>
    %swap3A = arith.constant 0 : index
    %swap3A_1889 = arith.constant 0 : index
    %swap3A_1890 = vector.load %arg19[%swap3A, %swap3A_1889] : memref<400x256xf32, #tpu.memory_space<vmem>>, vector<400x256xf32>
    tpu.vector_store %arg19[%swap3A, %swap3A_1889], %add3A_1888 {strides = array<i32>} : memref<400x256xf32, #tpu.memory_space<vmem>>, vector<400x256xf32>,
    %add3A_1891 = arith.addf %dot_general3A_112, %add3A_1887 : vector<400x256xf32>
    %swap3A_1892 = arith.constant 0 : index
    %swap3A_1893 = arith.constant 0 : index
    %swap3A_1894 = vector.load %arg20[%swap3A_1892, %swap3A_1893] : memref<400x4096xf32, #tpu.memory_space<vmem>>, vector<400x256xf32>
    tpu.vector_store %arg20[%swap3A_1892, %swap3A_1893], %add3A_1891 {strides = array<i32>} : memref<400x4096xf32, #tpu.memory_space<vmem>>, vector<400x256xf32>,
    %add3A_1895 = arith.addf %dot_general3A_174, %add3A_1887 : vector<400x256xf32>
    %swap3A_1896 = arith.constant 0 : index
    %swap3A_1897 = arith.constant 256 : index
    %swap3A_1898 = vector.load %arg20[%swap3A_1896, %swap3A_1897] : memref<400x4096xf32, #tpu.memory_space<vmem>>, vector<400x256xf32>
    tpu.vector_store %arg20[%swap3A_1896, %swap3A_1897], %add3A_1895 {strides = array<i32>} : memref<400x4096xf32, #tpu.memory_space<vmem>>, vector<400x256xf32>,
    %add3A_1899 = arith.addf %dot_general3A_236, %add3A_1887 : vector<400x256xf32>
    %swap3A_1900 = arith.constant 0 : index
    %swap3A_1901 = arith.constant 512 : index
    %swap3A_1902 = vector.load %arg20[%swap3A_1900, %swap3A_1901] : memref<400x4096xf32, #tpu.memory_space<vmem>>, vector<400x256xf32>
    tpu.vector_store %arg20[%swap3A_1900, %swap3A_1901], %add3A_1899 {strides = array<i32>} : memref<400x4096xf32, #tpu.memory_space<vmem>>, vector<400x256xf32>,
    %add3A_1903 = arith.addf %dot_general3A_298, %add3A_1887 : vector<400x256xf32>
    %swap3A_1904 = arith.constant 0 : index
    %swap3A_1905 = arith.constant 768 : index
    %swap3A_1906 = vector.load %arg20[%swap3A_1904, %swap3A_1905] : memref<400x4096xf32, #tpu.memory_space<vmem>>, vector<400x256xf32>
    tpu.vector_store %arg20[%swap3A_1904, %swap3A_1905], %add3A_1903 {strides = array<i32>} : memref<400x4096xf32, #tpu.memory_space<vmem>>, vector<400x256xf32>,
    %add3A_1907 = arith.addf %dot_general3A_360, %add3A_1887 : vector<400x256xf32>
    %swap3A_1908 = arith.constant 0 : index
    %swap3A_1909 = arith.constant 1024 : index
    %swap3A_1910 = vector.load %arg20[%swap3A_1908, %swap3A_1909] : memref<400x4096xf32, #tpu.memory_space<vmem>>, vector<400x256xf32>
    tpu.vector_store %arg20[%swap3A_1908, %swap3A_1909], %add3A_1907 {strides = array<i32>} : memref<400x4096xf32, #tpu.memory_space<vmem>>, vector<400x256xf32>,
    %add3A_1911 = arith.addf %dot_general3A_422, %add3A_1887 : vector<400x256xf32>
    %swap3A_1912 = arith.constant 0 : index
    %swap3A_1913 = arith.constant 1280 : index
    %swap3A_1914 = vector.load %arg20[%swap3A_1912, %swap3A_1913] : memref<400x4096xf32, #tpu.memory_space<vmem>>, vector<400x256xf32>
    tpu.vector_store %arg20[%swap3A_1912, %swap3A_1913], %add3A_1911 {strides = array<i32>} : memref<400x4096xf32, #tpu.memory_space<vmem>>, vector<400x256xf32>,
    %add3A_1915 = arith.addf %dot_general3A_484, %add3A_1887 : vector<400x256xf32>
    %swap3A_1916 = arith.constant 0 : index
    %swap3A_1917 = arith.constant 1536 : index
    %swap3A_1918 = vector.load %arg20[%swap3A_1916, %swap3A_1917] : memref<400x4096xf32, #tpu.memory_space<vmem>>, vector<400x256xf32>
    tpu.vector_store %arg20[%swap3A_1916, %swap3A_1917], %add3A_1915 {strides = array<i32>} : memref<400x4096xf32, #tpu.memory_space<vmem>>, vector<400x256xf32>,
    %add3A_1919 = arith.addf %dot_general3A_546, %add3A_1887 : vector<400x256xf32>
    %swap3A_1920 = arith.constant 0 : index
    %swap3A_1921 = arith.constant 1792 : index
    %swap3A_1922 = vector.load %arg20[%swap3A_1920, %swap3A_1921] : memref<400x4096xf32, #tpu.memory_space<vmem>>, vector<400x256xf32>
    tpu.vector_store %arg20[%swap3A_1920, %swap3A_1921], %add3A_1919 {strides = array<i32>} : memref<400x4096xf32, #tpu.memory_space<vmem>>, vector<400x256xf32>,
    %add3A_1923 = arith.addf %dot_general3A_608, %add3A_1887 : vector<400x256xf32>
    %swap3A_1924 = arith.constant 0 : index
    %swap3A_1925 = arith.constant 2048 : index
    %swap3A_1926 = vector.load %arg20[%swap3A_1924, %swap3A_1925] : memref<400x4096xf32, #tpu.memory_space<vmem>>, vector<400x256xf32>
    tpu.vector_store %arg20[%swap3A_1924, %swap3A_1925], %add3A_1923 {strides = array<i32>} : memref<400x4096xf32, #tpu.memory_space<vmem>>, vector<400x256xf32>,
    %add3A_1927 = arith.addf %dot_general3A_670, %add3A_1887 : vector<400x256xf32>
    %swap3A_1928 = arith.constant 0 : index
    %swap3A_1929 = arith.constant 2304 : index
    %swap3A_1930 = vector.load %arg20[%swap3A_1928, %swap3A_1929] : memref<400x4096xf32, #tpu.memory_space<vmem>>, vector<400x256xf32>
    tpu.vector_store %arg20[%swap3A_1928, %swap3A_1929], %add3A_1927 {strides = array<i32>} : memref<400x4096xf32, #tpu.memory_space<vmem>>, vector<400x256xf32>,
    %add3A_1931 = arith.addf %dot_general3A_732, %add3A_1887 : vector<400x256xf32>
    %swap3A_1932 = arith.constant 0 : index
    %swap3A_1933 = arith.constant 2560 : index
    %swap3A_1934 = vector.load %arg20[%swap3A_1932, %swap3A_1933] : memref<400x4096xf32, #tpu.memory_space<vmem>>, vector<400x256xf32>
    tpu.vector_store %arg20[%swap3A_1932, %swap3A_1933], %add3A_1931 {strides = array<i32>} : memref<400x4096xf32, #tpu.memory_space<vmem>>, vector<400x256xf32>,
    %add3A_1935 = arith.addf %dot_general3A_794, %add3A_1887 : vector<400x256xf32>
    %swap3A_1936 = arith.constant 0 : index
    %swap3A_1937 = arith.constant 2816 : index
    %swap3A_1938 = vector.load %arg20[%swap3A_1936, %swap3A_1937] : memref<400x4096xf32, #tpu.memory_space<vmem>>, vector<400x256xf32>
    tpu.vector_store %arg20[%swap3A_1936, %swap3A_1937], %add3A_1935 {strides = array<i32>} : memref<400x4096xf32, #tpu.memory_space<vmem>>, vector<400x256xf32>,
    %add3A_1939 = arith.addf %dot_general3A_856, %add3A_1887 : vector<400x256xf32>
    %swap3A_1940 = arith.constant 0 : index
    %swap3A_1941 = arith.constant 3072 : index
    %swap3A_1942 = vector.load %arg20[%swap3A_1940, %swap3A_1941] : memref<400x4096xf32, #tpu.memory_space<vmem>>, vector<400x256xf32>
    tpu.vector_store %arg20[%swap3A_1940, %swap3A_1941], %add3A_1939 {strides = array<i32>} : memref<400x4096xf32, #tpu.memory_space<vmem>>, vector<400x256xf32>,
    %add3A_1943 = arith.addf %dot_general3A_918, %add3A_1887 : vector<400x256xf32>
    %swap3A_1944 = arith.constant 0 : index
    %swap3A_1945 = arith.constant 3328 : index
    %swap3A_1946 = vector.load %arg20[%swap3A_1944, %swap3A_1945] : memref<400x4096xf32, #tpu.memory_space<vmem>>, vector<400x256xf32>
    tpu.vector_store %arg20[%swap3A_1944, %swap3A_1945], %add3A_1943 {strides = array<i32>} : memref<400x4096xf32, #tpu.memory_space<vmem>>, vector<400x256xf32>,
    %add3A_1947 = arith.addf %dot_general3A_980, %add3A_1887 : vector<400x256xf32>
    %swap3A_1948 = arith.constant 0 : index
    %swap3A_1949 = arith.constant 3584 : index
    %swap3A_1950 = vector.load %arg20[%swap3A_1948, %swap3A_1949] : memref<400x4096xf32, #tpu.memory_space<vmem>>, vector<400x256xf32>
    tpu.vector_store %arg20[%swap3A_1948, %swap3A_1949], %add3A_1947 {strides = array<i32>} : memref<400x4096xf32, #tpu.memory_space<vmem>>, vector<400x256xf32>,
    %add3A_1951 = arith.addf %dot_general3A_1042, %add3A_1887 : vector<400x256xf32>
    %swap3A_1952 = arith.constant 0 : index
    %swap3A_1953 = arith.constant 3840 : index
    %swap3A_1954 = vector.load %arg20[%swap3A_1952, %swap3A_1953] : memref<400x4096xf32, #tpu.memory_space<vmem>>, vector<400x256xf32>
    tpu.vector_store %arg20[%swap3A_1952, %swap3A_1953], %add3A_1951 {strides = array<i32>} : memref<400x4096xf32, #tpu.memory_space<vmem>>, vector<400x256xf32>,
    return
  }
  func.func @transform_0(%arg0: i32) -> (i32, i32) {
    %c0_i32 = arith.constant 0 : i32
    %c0_i32_0 = arith.constant 0 : i32
    return %arg0, %c0_i32 : i32, i32
  }
  func.func @transform_1(%arg0: i32) -> (i32, i32) {
    %c0_i32 = arith.constant 0 : i32
    %c0_i32_0 = arith.constant 0 : i32
    return %arg0, %c0_i32 : i32, i32
  }
  func.func @transform_2(%arg0: i32) -> (i32, i32) {
    %c0_i32 = arith.constant 0 : i32
    %c0_i32_0 = arith.constant 0 : i32
    return %arg0, %c0_i32 : i32, i32
  }
  func.func @transform_3(%arg0: i32) -> (i32, i32) {
    %c0_i32 = arith.constant 0 : i32
    %c0_i32_0 = arith.constant 0 : i32
    return %arg0, %c0_i32 : i32, i32
  }
  func.func @transform_4(%arg0: i32) -> (i32, i32) {
    %c0_i32 = arith.constant 0 : i32
    %c0_i32_0 = arith.constant 0 : i32
    return %arg0, %c0_i32 : i32, i32
  }
  func.func @transform_5(%arg0: i32) -> (i32, i32) {
    %c0_i32 = arith.constant 0 : i32
    %c0_i32_0 = arith.constant 0 : i32
    return %arg0, %c0_i32 : i32, i32
  }
  func.func @transform_6(%arg0: i32) -> (i32, i32) {
    %c0_i32 = arith.constant 0 : i32
    %c0_i32_0 = arith.constant 0 : i32
    return %arg0, %c0_i32 : i32, i32
  }
  func.func @transform_7(%arg0: i32) -> (i32, i32) {
    %c0_i32 = arith.constant 0 : i32
    %c0_i32_0 = arith.constant 0 : i32
    return %arg0, %c0_i32 : i32, i32
  }
  func.func @transform_8(%arg0: i32) -> (i32, i32) {
    %c0_i32 = arith.constant 0 : i32
    %c0_i32_0 = arith.constant 0 : i32
    %c0_i32_1 = arith.constant 0 : i32
    return %c0_i32, %c0_i32_0 : i32, i32
  }
  func.func @transform_9(%arg0: i32) -> (i32, i32) {
    %c0_i32 = arith.constant 0 : i32
    %c0_i32_0 = arith.constant 0 : i32
    %c0_i32_1 = arith.constant 0 : i32
    return %c0_i32, %c0_i32_0 : i32, i32
  }
  func.func @transform_10(%arg0: i32) -> (i32, i32) {
    %c0_i32 = arith.constant 0 : i32
    %c0_i32_0 = arith.constant 0 : i32
    %c0_i32_1 = arith.constant 0 : i32
    return %c0_i32, %c0_i32_0 : i32, i32
  }
  func.func @transform_11(%arg0: i32) -> (i32, i32) {
    %c0_i32 = arith.constant 0 : i32
    %c0_i32_0 = arith.constant 0 : i32
    %c0_i32_1 = arith.constant 0 : i32
    return %c0_i32, %c0_i32_0 : i32, i32
  }
  func.func @transform_12(%arg0: i32) -> (i32, i32) {
    %c0_i32 = arith.constant 0 : i32
    %c0_i32_0 = arith.constant 0 : i32
    %c0_i32_1 = arith.constant 0 : i32
    return %c0_i32, %c0_i32_0 : i32, i32
  }
  func.func @transform_13(%arg0: i32) -> (i32, i32) {
    %c0_i32 = arith.constant 0 : i32
    %c0_i32_0 = arith.constant 0 : i32
    %c0_i32_1 = arith.constant 0 : i32
    return %c0_i32, %c0_i32_0 : i32, i32
  }
  func.func @transform_14(%arg0: i32) -> (i32, i32) {
    %c0_i32 = arith.constant 0 : i32
    %c0_i32_0 = arith.constant 0 : i32
    %c0_i32_1 = arith.constant 0 : i32
    return %c0_i32, %c0_i32_0 : i32, i32
  }
  func.func @transform_15(%arg0: i32) -> (i32, i32) {
    %c0_i32 = arith.constant 0 : i32
    %c0_i32_0 = arith.constant 0 : i32
    %c0_i32_1 = arith.constant 0 : i32
    return %c0_i32, %c0_i32_0 : i32, i32
  }
  func.func @transform_16(%arg0: i32) -> (i32, i32) {
    %c0_i32 = arith.constant 0 : i32
    %c0_i32_0 = arith.constant 0 : i32
    %c0_i32_1 = arith.constant 0 : i32
    return %c0_i32, %c0_i32_0 : i32, i32
  }
  func.func @transform_17(%arg0: i32) -> (i32, i32) {
    %c0_i32 = arith.constant 0 : i32
    %c0_i32_0 = arith.constant 0 : i32
    %c0_i32_1 = arith.constant 0 : i32
    return %c0_i32, %c0_i32_0 : i32, i32
  }
  func.func @transform_18(%arg0: i32) -> (i32, i32) {
    %c0_i32 = arith.constant 0 : i32
    %c0_i32_0 = arith.constant 0 : i32
    return %arg0, %c0_i32 : i32, i32
  }
  func.func @transform_19(%arg0: i32) -> (i32, i32) {
    %c0_i32 = arith.constant 0 : i32
    %c0_i32_0 = arith.constant 0 : i32
    return %arg0, %c0_i32 : i32, i32
  }
}

</mosaic_0001>

<sc_bundles>
// kernel: gather_offload_async_start
scs
__scs_entry_jumppad:
0x0: {  	(pc) =	sbr.rel $0x88, $3  }
0x1: {  	(tag) =	ssettag $0x0;
	lr =	simm.s32 $0x1  }
0x2: {  	[smem:$0x3F8D] =	sst lr;
	_ =	strace $0xD0000000  }
0x3: {  	_ = 	snop  }
0x4: {  	_ = 	snop  }
0x5: {  	_ = 	snop  }
0x6: {  	_ = 	snop  }
0x7: {  	_ = 	snop  }
__scs_overlays_trampoline_lowered:
0x8: {  	[smem:$0x3F9C] =	sst s0  }
0x9: {  	[smem:$0x3F9D] =	sst s1  }
0xa: {  	[smem:$0x3F9E] =	sst s2  }
0xb: {  	[smem:$0x3F9F] =	sst s3  }
0xc: {  	[smem:$0x3FA0] =	sst s4  }
0xd: {  	[smem:$0x3FA1] =	sst s5  }
0xe: {  	[smem:$0x3FA2] =	sst s6  }
0xf: {  	[smem:$0x3FA3] =	sst s7  }
0x10: {  	[smem:$0x3FA4] =	sst s8  }
0x11: {  	[smem:$0x3FA5] =	sst s9;
	s0 =	simm.s32 @!p0 $0x0  }
0x12: {  	s1 =	sld [smem:$0x3F8B];
	s0 =	simm.s32 @p0 $0x1  }
0x13: {  	[smem:$0x3FA6] =	sst s0;
	s0 =	simm.s32 @!p1 $0x0  }
0x14: {  	s2 =	sld [smem:$0x3F8A];
	s0 =	simm.s32 @p1 $0x1  }
0x15: {  	[smem:$0x3FA7] =	sst s0;
	s0 =	simm.s32 @!p2 $0x0  }
0x16: {  	s3 =	sld [smem:$0x3FDB];
	s0 =	simm.s32 @p2 $0x1  }
0x17: {  	s4 =	simm.s32 $0x1BF5;
	[smem:$0x3FA9] =	sst s0  }
0x18: {  	s0 =	sld [smem:$0x3F8C];
	_ =	swait.ge [sflag:s4], $0x0  }
0x19: {  	s7 =	sld [smem:$0x3F8D]  }
0x1a: {  	s8 =	sadd.s32 $0xFFFFE003, lr  }
0x1b: {  	s9 =	sadd.s32 $0xFFFFFEF7, lr;
	s5 =	simm.s32 $0xFFFFFFFF;
	p2 =	slt.u32 s8, $0xFFFFF086  }
0x1c: {  	p1 =	slt.u32 s9, $0xF7A;
	s5 =	simm.s32 @!p2 $0x0  }
0x1d: {  	s5 =	simm.s32 @p1 $0x1;
	p0 =	seq.s32 s7, s2  }
0x1e: {  	s7 =	smul.u32 @!p0 $0xF7A, s2;
	p2 =	seq.s32 @!p0 s5, $0x0  }
0x1f: {  	s9 =	smul.u32 $0xF7A, s1;
	s8 =	simm.s32 @!p0 $0x1BF5;
	p2 =	por !p2, p0  }
0x20: {  	[sflag:s8] =	ssyncset.s32 @!p0 $0xFFFFF086;
	s6 =	sadd.s32 @!p0 s3, s7;
	s7 =	simm.s32 @!p0 $0x108  }
0x21: {  	s3 =	sadd.s32 s3, s9;
	s6 =	sadd.s32 @!p0 $0x88, s6;
	s7 =	simm.s32 @p2 $0x1082  }
0x22: {  	[simem:s7], [sflag:s8] =	dma.local @!p0 [hbm:s6], $0xF7A  }
0x23: {  	s9 =	sor.u32 $0xD0000000, s2;
	s6 =	simm.s32 $0x108;
	_ =	swait.ge @!p0 [sflag:s8], $0x0  }
0x24: {  	s3 =	sadd.s32 $0x88, s3;
	s6 =	simm.s32 @!p1 $0x1082;
	[sflag:s4] =	ssyncset.s32 $0xFFFFF086  }
0x25: {  	[simem:s6], [sflag:s4] =	dma.local [hbm:s3], $0xF7A  }
0x26: {  	[smem:$0x3F8D] =	sst s1;
	(tag) =	ssettag s2;
	_ =	strace s9  }
0x27: {  	s1 =	sld [smem:$0x3F9D]  }
0x28: {  	s2 =	sld [smem:$0x3F9E]  }
0x29: {  	s4 =	sld [smem:$0x3FA0]  }
0x2a: {  	p0 =	seq.s32 s5, $0x0;
	s5 =	sld [smem:$0x3FA1]  }
0x2b: {  	s6 =	sld [smem:$0x3FA2]  }
0x2c: {  	s7 =	sld [smem:$0x3FA3]  }
0x2d: {  	s3 =	simm.s32 $0x108;
	s8 =	sld [smem:$0x3FA4]  }
0x2e: {  	s3 =	simm.s32 @!p0 $0x1082;
	s9 =	sld [smem:$0x3FA5]  }
0x2f: {  	lr =	sadd.s32 s0, s3;
	s0 =	sld [smem:$0x3F9C]  }
0x30: {  	s3 =	sld [smem:$0x3F9F]  }
0x31: {  	[smem:$0x3FA8] =	sst s10  }
0x32: {  	s10 =	sld [smem:$0x3FA6];
	_ =	sdelay $0x3  }
0x33: {  	p0 =	seq.s32 s10, $0x1;
	s10 =	sld [smem:$0x3FA8];
	_ =	sdelay $0x3  }
0x34: {  	[smem:$0x3FA8] =	sst s10  }
0x35: {  	s10 =	sld [smem:$0x3FA7];
	_ =	sdelay $0x3  }
0x36: {  	p1 =	seq.s32 s10, $0x1;
	s10 =	sld [smem:$0x3FA8];
	_ =	sdelay $0x3  }
0x37: {  	[smem:$0x3FA8] =	sst s10  }
0x38: {  	s10 =	sld [smem:$0x3FA9]  }
0x39: {  	_ = 	snop;
	(pc) =	sbr.ind lr, $3  }
0x3a: {  	_ = 	snop  }
0x3b: {  	_ = 	snop  }
0x3c: {  	p2 =	seq.s32 s10, $0x1;
	s10 =	sld [smem:$0x3FA8]  }
0x3d: {  	_ =	shalt  }
0x3e: {  	_ =	shalt  }
0x3f: {  	_ =	shalt  }
0x40: {  	_ =	shalt  }
0x41: {  	_ =	shalt  }
0x42: {  	_ =	shalt  }
0x43: {  	_ =	shalt  }
0x44: {  	_ =	shalt  }
0x45: {  	_ =	shalt  }
0x46: {  	_ =	shalt  }
0x47: {  	_ =	shalt  }
0x48: {  	_ =	shalt  }
0x49: {  	_ =	shalt  }
0x4a: {  	_ =	shalt  }
0x4b: {  	_ =	shalt  }
0x4c: {  	_ =	shalt  }
0x4d: {  	_ =	shalt  }
0x4e: {  	_ =	shalt  }
0x4f: {  	_ =	shalt  }
0x50: {  	_ =	shalt  }
0x51: {  	_ =	shalt  }
0x52: {  	_ =	shalt  }
0x53: {  	_ =	shalt  }
0x54: {  	_ =	shalt  }
0x55: {  	_ =	shalt  }
0x56: {  	_ =	shalt  }
0x57: {  	_ =	shalt  }
0x58: {  	_ =	shalt  }
0x59: {  	_ =	shalt  }
0x5a: {  	_ =	shalt  }
0x5b: {  	_ =	shalt  }
0x5c: {  	_ =	shalt  }
0x5d: {  	_ =	shalt  }
0x5e: {  	_ =	shalt  }
0x5f: {  	_ =	shalt  }
0x60: {  	_ =	shalt  }
0x61: {  	_ =	shalt  }
0x62: {  	_ =	shalt  }
0x63: {  	_ =	shalt  }
0x64: {  	_ =	shalt  }
0x65: {  	_ =	shalt  }
0x66: {  	_ =	shalt  }
0x67: {  	_ =	shalt  }
0x68: {  	_ =	shalt  }
0x69: {  	_ =	shalt  }
0x6a: {  	_ =	shalt  }
0x6b: {  	_ =	shalt  }
0x6c: {  	_ =	shalt  }
0x6d: {  	_ =	shalt  }
0x6e: {  	_ =	shalt  }
0x6f: {  	_ =	shalt  }
0x70: {  	_ =	shalt  }
0x71: {  	_ =	shalt  }
0x72: {  	_ =	shalt  }
0x73: {  	_ =	shalt  }
0x74: {  	_ =	shalt  }
0x75: {  	_ =	shalt  }
0x76: {  	_ =	shalt  }
0x77: {  	_ =	shalt  }
0x78: {  	_ =	shalt  }
0x79: {  	_ =	shalt  }
0x7a: {  	_ =	shalt  }
0x7b: {  	_ =	shalt  }
0x7c: {  	_ =	shalt  }
0x7d: {  	_ =	shalt  }
0x7e: {  	_ =	shalt  }
0x7f: {  	_ =	shalt  }
0x80: {  	_ =	shalt  }
0x81: {  	_ =	shalt  }
0x82: {  	_ =	shalt  }
0x83: {  	_ =	shalt  }
0x84: {  	_ =	shalt  }
0x85: {  	_ =	shalt  }
0x86: {  	_ =	shalt  }
0x87: {  	_ =	shalt  }
.Lfunc_end0:
.L_simem_size_0:
called_computation.1_lowered:
.L_overlay_start_0:
0x88: {  	s2 =	sld [smem:$0x3FD9]  }
0x89: {  	s3 =	sld [smem:$0x3FFE];
	_ =	sdelay $0x1  }
0x8a: {  	s1 =	srdreg.scid  }
0x8b: {  	s0 =	sand.u32 $0x1, s1  }
0x8c: {  	s16 =	sshll.u32 s0, $0xA;
	s2 =	sadd.s32 s3, s2  }
0x8d: {  	s2 =	sadd.s32 s2, s16  }
0x8e: {  	[smem:$0x3FB4] =	sst s2  }
0x8f: {  	_ = 	snop  }
0x90: {  	(tm) =	ssettm $0x1  }
0x91: {  	s17 =	sld [smem:$0x3FFB];
	_ =	sdelay $0x3  }
0x92: {  	_ =	strace s17  }
0x93: {  	s2 =	sld [smem:$0x3FFC];
	_ =	sdelay $0x3  }
0x94: {  	_ =	strace s2  }
0x95: {  	s2 =	sld [smem:$0x3FFD];
	_ =	sdelay $0x3  }
0x96: {  	_ =	strace s2  }
0x97: {  	_ =	strace $0x8FFFFFFF  }
0x98: {  	s18 =	sld [smem:$0x3FDB];
	_ =	sdelay $0x1  }
0x99: {  	s19 =	simm.s32 $_scs_section_size  }
0x9a: {  	s4 =	simm.s32 $_size__tile_overlayer_lowered;
	s5 =	simm.s32 $_tile_overlayer_lowered  }
0x9b: {  	s22 =	simm.s32 $0x1BFF;
	s21 =	sshll.u32 s5, $0x1;
	s2 =	sadd.s32 s19, s18  }
0x9c: {  	s6 =	simm.s32 $0x0;
	s20 =	sshll.u32 s4, $0x1;
	s4 =	sadd.s32 s21, s2  }
0x9d: {  	[timem:s6], [sflag:s22] =	dma.local [hbm:s4], s20  }
0x9e: {  	_ =	swait.ge [sflag:s22], s20  }
0x9f: {  	s3 =	ssub.s32 $0x0, s20;
	[sflag:s22] =	ssyncset.done $0x0  }
0xa0: {  	[sflag:s22] =	ssyncadd.s32 s3;
	_ =	sdelay $0x1  }
0xa1: {  	s23 =	simm.s32 $0x1B8B  }
0xa2: {  	_ =	swait.ge [sflag:s23], $0x1  }
0xa3: {  	[sflag:s23] =	ssyncset.done $0x0  }
0xa4: {  	s25 =	simm.s32 $0x1B8E;
	s24 =	sld [smem:$0x3FFE];
	[sflag:s23] =	ssyncadd.s32 $0xFFFFFFFF  }
0xa5: {  	s26 =	simm.s32 $execute0_lowered;
	[smem:$0x3FD2] =	sst s25  }
0xa6: {  	s4 =	sshll.u32 s26, $0x1;
	_ =	strace $0x80000049;
	[dreg:$0x1] =	wrdreg $0xFFFFFFFF  }
0xa7: {  	s28 =	simm.s32 $_size_execute0_lowered;
	s2 =	sadd.s32 s2, s4;
	[dreg:$0x0] =	wrdreg $0x0  }
0xa8: {  	s4 =	sshll.u32 s28, $0x1;
	[dreg:$0x2] =	wrdreg s2  }
0xa9: {  	[dreg:$0x3] =	wrdreg s4  }
0xaa: {  	[dreg:$0x4] =	wrdreg $0xC0  }
0xab: {  	_ =	task [dreg:s6], $0x5FFFF  }
0xac: {  	[dreg:$0x1] =	wrdreg $0xFFFFFFFF  }
0xad: {  	[dreg:$0x0] =	wrdreg $0x60  }
0xae: {  	[dreg:$0x2] =	wrdreg s24  }
0xaf: {  	[dreg:$0x3] =	wrdreg $0x9  }
0xb0: {  	_ =	task.clear_ibuf [dreg:s6], $0x4FFFF;
	_ =	strace $0x90000049  }
0xb1: {  	s29 =	simm.s32 $0x9;
	_ =	strace $0x8000004B  }
0xb2: {  	_ =	swait.ge [sflag:s29], $0x1  }
0xb3: {  	[sflag:s29] =	ssyncadd.s32 $0xFFFFFFFF  }
0xb4: {  	_ =	strace $0x9000004B  }
0xb5: {  	_ =	sfence  }
0xb6: {  	s30 =	sld [smem:$0x0];
	_ =	sdelay $0x2  }
0xb7: {  	s31 =	sshll.u32 s1, $0xD;
	s1 =	sshrl.u32 s1, $0x2  }
0xb8: {  	s3 =	sand.u32 $0x4000, s31;
	s1 =	sadd.s32 s1, s30  }
0xb9: {  	s0 =	sor.u32 s3, s0;
	s1 =	sshll.u32 s1, $0x11  }
0xba: {  	s0 =	sor.u32 s1, s0  }
0xbb: {  	s0 =	sadd.s32 $0x8F2B, s0  }
0xbc: {  	[sflag:s0] =	ssyncadd.remote.s32 $0x1  }
0xbd: {  	_ =	sfence.sel $0xFFFF  }
0xbe: {  	[dreg:$0x0] =	wrdreg $0xFFFFFFFF;
	(pc) =	sbr.abs _section_cstart, $3  }
0xbf: {  	[dreg:$0x1] =	wrdreg $0xFFFFFFFF  }
0xc0: {  	_ =	task.clear_ibuf [dreg:s6], $0x2FFFF;
	_ =	strace $0x9FFFFFFF  }
0xc1: {  	(tm) =	ssettm $0x7FFFFFFF  }
tec
execute0_lowered:
.L_overlay_start_1:
0x0: {  	(tag) =	ssettag $0x1  }
0x1: {  	s8 =	rddreg [dreg:$0x0]  }
0x2: {  	s0 =	rddreg [dreg:$0x1];
	_ =	strace $0x8000004A;
	s1 =	stileid.u32  }
0x3: {  	s3 =	srdreg.scid;
	s4 =	simm.s32 $0x1;
	s7 =	simm.s32 $0x1  }
0x4: {  	s9 =	simm.s32 $0x1;
	s10 =	simm.s32 $0x3;
	s13 =	simm.s32 $0x0  }
0x5: {  	s12 =	simm.s32 $0x0;
	s5 =	sand.u32 $0x1, s3;
	s6 =	sshll.u32 s1, $0x1  }
0x6: {  	s2 =	sadd.s32 $0x5AA00, s8;
	s3 =	sadd.s32 $0x7600, s8;
	s5 =	sor.u32 s6, s5  }
.Ltmp0:
0x7: {  	[sflag:s4] =	ssyncpa.u1 $0x0;
	p0 =	slt.u32 s5, $0x9;
	(pc) =	sbr.rel .LBB2_1-.Ltmp0, $4  }
0x8: {  	s6 =	simm.s32 $0x2;
	s7 =	simm.s32 @!p0 $0x0;
	p0 =	sne.s32 s5, $0x8  }
0x9: {  	[sflag:s6] =	ssyncpa.u1 $0x0;
	s5 =	smul.u32 $0xFA0, s5;
	s9 =	simm.s32 @!p0 $0x0  }
0xa: {  	s8 =	sadd.s32 $0xADE00, s8;
	[sflag:s10] =	ssyncpa.u1 $0x0;
	s7 =	sadd.s32 s9, s7  }
0xb: {  	vm0 =	vmmov $0xffff;
	s10 =	simm.s32 $0x0;
	s11 =	smov.u32 s5;
	s9 =	sadd.s32 $0x1, s7  }
.LBB2_4:
0xc: {  	v2 =	vnsel vm1, $0x0, v2  }
0xd: {  	vm1 =	vgt.s32 v0, $0x0;
	v2 =	vmin.u32 v2, $0x270FF  }
0xe: {  	v0 =	vnsel vm1, $0x0, v0  }
0xf: {  	v0 =	vmin.u32 v0, $0x270FF  }
0x10: {  	[tilespmem:s18], [sflag:$0x1] =	stream.indirect_vreg.gather [hbm4b:s2+s10], $0x1, v1, vm0, $0x4038;
	[tilespmem:$0x3E80] =	vst v63  }
0x11: {  	(ifvalue) =	ssetifvalue $0x7FFFFFFF  }
0x12: {  	[tilespmem:s15], [sflag:$0x1] =	stream.indirect_vreg.gather [hbm4b:s2+s10], $0x1, v2, vm0, $0x4038;
	[tilespmem:$0x3E80] =	vst v63  }
0x13: {  	s29 =	sadd.s32 $0x10, s15;
	(ifvalue) =	ssetifvalue $0x7FFFFFFF  }
0x14: {  	[tilespmem:s29], [sflag:$0x1] =	stream.indirect_vreg.gather [hbm4b:s2+s10], $0x1, v0, vm0, $0x4038;
	[tilespmem:$0x3E80] =	vst v63  }
0x15: {  	_ =	swait.ge [sflag:s4], $0xFA0  }
0x16: {  	s30 =	sshrl.u32 s13, $0x3;
	[sflag:s4] =	ssyncset.done $0x0  }
0x17: {  	s31 =	sand.u32 $0x7, s13;
	s15 =	sadd.s32 s8, s30;
	[sflag:s4] =	ssyncadd.s32 $0xFFFFF060  }
0x18: {  	[hbm4b:s15+s31] =	stream.linear.scatter [tilespmem:s14], [sflag:$0x3], $0xFA0, $0x38;
	[tilespmem:$0x3E80] =	vst v63  }
.LBB2_5:
0x19: {  	s15 =	sadd.s32 $0x1F400, s11  }
0x1a: {  	p1 =	sgt.s32 s15, $0x270FF  }
0x1b: {  	s15 =	smov.u32 @p1 s5;
	p1 =	sne.s32 s12, s9  }
.Ltmp1:
0x1c: {  	p0 =	slt.u32 s12, $0x2;
	(pc) =	sbr.rel @!p1 .LBB2_6-.Ltmp1, $4  }
0x1d: {  	s14 =	simm.s32 @!p0 $0x3  }
0x1e: {  	_ =	swait.ge @!p0 [sflag:s14], $0xFA0  }
0x1f: {  	s16 =	sadd.s32 $0x1, s12;
	s13 =	smov.u32 s11;
	[sflag:s14] =	ssyncset.done @!p0 $0x0  }
0x20: {  	s12 =	smov.u32 s16;
	s11 =	smov.u32 s15;
	[sflag:s14] =	ssyncadd.s32 @!p0 $0xFFFFF060  }
.LBB2_1:
0x21: {  	p0 =	sge.u32 s12, s7  }
0x22: {  	s14 =	sxor.u32 @!p0 $0x1, s12  }
0x23: {  	s14 =	smul.u32 @!p0 $0x3E80, s14  }
0x24: {  	s31 =	sadd.s32 $0xFFFFFFFF, s12;
	s15 =	sshrl.u32 @!p0 s11, $0x3  }
0x25: {  	s16 =	sand.u32 @!p0 $0x7, s11;
	s15 =	sadd.s32 @!p0 s3, s15;
	s14 =	sshra.s32 @!p0 s14, $0x2  }
0x26: {  	[tilespmem:s14], [sflag:$0x2] =	stream.linear.gather @!p0 [hbm4b:s15+s16], $0xFA0, $0x38;
	[tilespmem:$0x3E80] =	vst v63  }
0x27: {  	p0 =	sge.u32 s31, s7  }
.Ltmp2:
0x28: {  	_ = 	snop;
	(pc) =	sbr.rel @p0 .LBB2_5-.Ltmp2, $1  }
0x29: {  	_ =	sdelay $0x3  }
0x2a: {  	s14 =	sand.u32 $0x1, s12  }
0x2b: {  	_ =	swait.ge [sflag:s6], $0xFA0;
	p0 =	seq.s32 s14, $0x1;
	s14 =	simm.s32 $0xFA0  }
0x2c: {  	[sflag:s6] =	ssyncset.done $0x0;
	s14 =	simm.s32 @!p0 $0x0  }
0x2d: {  	[sflag:s6] =	ssyncadd.s32 $0xFFFFF060;
	(ifvalue) =	ssetifvalue $0x7FFFFFFF;
	v0 =	vld.msk [tilespmem:s14+$0x0 ss:$0x1], $0xffff;
	_ =	sdelay $0x4  }
0x2e: {  	s15 =	sadd.s32 $0x10, s14;
	vm1 =	vgt.s32 v0, $0x0  }
0x2f: {  	v2 =	vld.msk [tilespmem:s15+$0x0 ss:$0x1], $0xffff;
	v1 =	vnsel vm1, $0x0, v0  }
0x30: {  	v1 =	vmin.u32 v1, $0x270FF;
	_ =	sdelay $0x2  }
0x31: {  	s17 =	simm.s32 $0x20;
	s14 =	sadd.s32 $0x1F40, s14;
	s16 =	sadd.s32 $0x10, s15  }
0x32: {  	s15 =	sadd.s32 $0x10, s14;
	s18 =	smov.u32 s14;
	v0 =	vld.msk [tilespmem:s16+$0x0 ss:$0x1], $0xffff;
	vm1 =	vgt.s32 v2, $0x0;
	(ifvalue) =	ssetifvalue $0x7FFFFFFF  }
.LBB2_3:
0x33: {  	[tilespmem:s18], [sflag:$0x1] =	stream.indirect_vreg.gather [hbm4b:s2+s10], $0x1, v1, vm0, $0x4038;
	[tilespmem:$0x3E80] =	vst v63  }
0x34: {  	s17 =	sadd.s32 $0x10, s17  }
0x35: {  	v2 =	vnsel vm1, $0x0, v2;
	p0 =	slt.u32 s17, $0xF90  }
.Ltmp3:
0x36: {  	s18 =	smov.u32 s15;
	v1 =	vmin.u32 v2, $0x270FF;
	(pc) =	sbr.rel @p0 .LBB2_3-.Ltmp3, $3  }
0x37: {  	_ =	sdelay $0x1  }
0x38: {  	s16 =	sadd.s32 $0x10, s16  }
0x39: {  	vm1 =	vgt.s32 v0, $0x0;
	s15 =	sadd.s32 $0x10, s15;
	v2 =	vmov v0;
	(ifvalue) =	ssetifvalue $0x7FFFFFFF;
	v0 =	vld.msk [tilespmem:s16+$0x0 ss:$0x1], $0xffff  }
.Ltmp4:
0x3a: {  	_ = 	snop;
	(pc) =	sbr.rel .LBB2_4-.Ltmp4, $1  }
0x3b: {  	_ =	sdelay $0x3  }
.LBB2_6:
0x3c: {  	_ =	sfence.sel $0x180000  }
0x3d: {  	s2 =	simm.s32 $0x2;
	[bflag:$0x0] =	sbarrier.arrive $0xFFFF  }
0x3e: {  	s30 =	simm.s32 $0x3;
	[sflag:s2] =	ssyncpa.u1 $0x1  }
0x3f: {  	s31 =	simm.s32 $0x1;
	[sflag:s30] =	ssyncpa.u1 $0x1  }
0x40: {  	[sflag:s31] =	ssyncpa.u1 $0x1  }
0x41: {  	p0 =	sne.s32 s1, $0x0;
	_ =	strace $0x9000004A  }
0x42: {  	s0 =	sadd.s32 @!p0 $0x100000, s0;
	[bflag:$0x2] =	sbarrier.arrive $0xFFFF  }
0x43: {  	[sflag:s0] =	ssyncadd.tile.s32 @!p0 $0x1;
	_ =	shalt  }
.Lfunc_end2:
_tile_overlayer_lowered:
.L_overlay_start_2:
0x44: {  	(tag) =	ssettag $0x2  }
0x45: {  	s0 =	rddreg [dreg:$0x0];
	s2 =	stileid.u32  }
0x46: {  	s1 =	rddreg [dreg:$0x1];
	p0 =	sne.s32 s2, $0x0  }
0x47: {  	s3 =	rddreg [dreg:$0x2];
	[bflag:$0x3] =	sbarrier.arrive $0xFFFF;
	s2 =	simm.s32 @!p0 $0x1C01  }
0x48: {  	[timem:s3], [sflag:s2] =	dma.local @!p0 [hbm:s0], s1  }
0x49: {  	s0 =	simm.s32 @!p0 $0x1  }
0x4a: {  	_ =	swait.ge @!p0 [sflag:s0], s1  }
0x4b: {  	s1 =	ssub.s32 @!p0 $0x0, s1;
	[sflag:s0] =	ssyncset.done @!p0 $0x0  }
0x4c: {  	[sflag:s0] =	ssyncadd.s32 @!p0 s1  }
0x4d: {  	[bflag:$0x3] =	sbarrier.arrive $0xFFFF  }
0x4e: {  	_ =	shalt  }

// kernel: scatter_offload_async_start
scs
__scs_entry_jumppad:
0x0: {  	(pc) =	sbr.rel $0x88, $3  }
0x1: {  	(tag) =	ssettag $0x0;
	lr =	simm.s32 $0x1  }
0x2: {  	[smem:$0x3F8D] =	sst lr;
	_ =	strace $0xD0000000  }
0x3: {  	_ = 	snop  }
0x4: {  	_ = 	snop  }
0x5: {  	_ = 	snop  }
0x6: {  	_ = 	snop  }
0x7: {  	_ = 	snop  }
__scs_overlays_trampoline_lowered:
0x8: {  	[smem:$0x3F9C] =	sst s0  }
0x9: {  	[smem:$0x3F9D] =	sst s1  }
0xa: {  	[smem:$0x3F9E] =	sst s2  }
0xb: {  	[smem:$0x3F9F] =	sst s3  }
0xc: {  	[smem:$0x3FA0] =	sst s4  }
0xd: {  	[smem:$0x3FA1] =	sst s5  }
0xe: {  	[smem:$0x3FA2] =	sst s6  }
0xf: {  	[smem:$0x3FA3] =	sst s7  }
0x10: {  	[smem:$0x3FA4] =	sst s8  }
0x11: {  	[smem:$0x3FA5] =	sst s9;
	s0 =	simm.s32 @!p0 $0x0  }
0x12: {  	s1 =	sld [smem:$0x3F8B];
	s0 =	simm.s32 @p0 $0x1  }
0x13: {  	[smem:$0x3FA6] =	sst s0;
	s0 =	simm.s32 @!p1 $0x0  }
0x14: {  	s2 =	sld [smem:$0x3F8A];
	s0 =	simm.s32 @p1 $0x1  }
0x15: {  	[smem:$0x3FA7] =	sst s0;
	s0 =	simm.s32 @!p2 $0x0  }
0x16: {  	s3 =	sld [smem:$0x3FDB];
	s0 =	simm.s32 @p2 $0x1  }
0x17: {  	s4 =	simm.s32 $0x1BF5;
	[smem:$0x3FA9] =	sst s0  }
0x18: {  	s0 =	sld [smem:$0x3F8C];
	_ =	swait.ge [sflag:s4], $0x0  }
0x19: {  	s7 =	sld [smem:$0x3F8D]  }
0x1a: {  	s8 =	sadd.s32 $0xFFFFE003, lr  }
0x1b: {  	s9 =	sadd.s32 $0xFFFFFEF7, lr;
	s5 =	simm.s32 $0xFFFFFFFF;
	p2 =	slt.u32 s8, $0xFFFFF086  }
0x1c: {  	p1 =	slt.u32 s9, $0xF7A;
	s5 =	simm.s32 @!p2 $0x0  }
0x1d: {  	s5 =	simm.s32 @p1 $0x1;
	p0 =	seq.s32 s7, s2  }
0x1e: {  	s7 =	smul.u32 @!p0 $0xF7A, s2;
	p2 =	seq.s32 @!p0 s5, $0x0  }
0x1f: {  	s9 =	smul.u32 $0xF7A, s1;
	s8 =	simm.s32 @!p0 $0x1BF5;
	p2 =	por !p2, p0  }
0x20: {  	[sflag:s8] =	ssyncset.s32 @!p0 $0xFFFFF086;
	s6 =	sadd.s32 @!p0 s3, s7;
	s7 =	simm.s32 @!p0 $0x108  }
0x21: {  	s3 =	sadd.s32 s3, s9;
	s6 =	sadd.s32 @!p0 $0x88, s6;
	s7 =	simm.s32 @p2 $0x1082  }
0x22: {  	[simem:s7], [sflag:s8] =	dma.local @!p0 [hbm:s6], $0xF7A  }
0x23: {  	s9 =	sor.u32 $0xD0000000, s2;
	s6 =	simm.s32 $0x108;
	_ =	swait.ge @!p0 [sflag:s8], $0x0  }
0x24: {  	s3 =	sadd.s32 $0x88, s3;
	s6 =	simm.s32 @!p1 $0x1082;
	[sflag:s4] =	ssyncset.s32 $0xFFFFF086  }
0x25: {  	[simem:s6], [sflag:s4] =	dma.local [hbm:s3], $0xF7A  }
0x26: {  	[smem:$0x3F8D] =	sst s1;
	(tag) =	ssettag s2;
	_ =	strace s9  }
0x27: {  	s1 =	sld [smem:$0x3F9D]  }
0x28: {  	s2 =	sld [smem:$0x3F9E]  }
0x29: {  	s4 =	sld [smem:$0x3FA0]  }
0x2a: {  	p0 =	seq.s32 s5, $0x0;
	s5 =	sld [smem:$0x3FA1]  }
0x2b: {  	s6 =	sld [smem:$0x3FA2]  }
0x2c: {  	s7 =	sld [smem:$0x3FA3]  }
0x2d: {  	s3 =	simm.s32 $0x108;
	s8 =	sld [smem:$0x3FA4]  }
0x2e: {  	s3 =	simm.s32 @!p0 $0x1082;
	s9 =	sld [smem:$0x3FA5]  }
0x2f: {  	lr =	sadd.s32 s0, s3;
	s0 =	sld [smem:$0x3F9C]  }
0x30: {  	s3 =	sld [smem:$0x3F9F]  }
0x31: {  	[smem:$0x3FA8] =	sst s10  }
0x32: {  	s10 =	sld [smem:$0x3FA6];
	_ =	sdelay $0x3  }
0x33: {  	p0 =	seq.s32 s10, $0x1;
	s10 =	sld [smem:$0x3FA8];
	_ =	sdelay $0x3  }
0x34: {  	[smem:$0x3FA8] =	sst s10  }
0x35: {  	s10 =	sld [smem:$0x3FA7];
	_ =	sdelay $0x3  }
0x36: {  	p1 =	seq.s32 s10, $0x1;
	s10 =	sld [smem:$0x3FA8];
	_ =	sdelay $0x3  }
0x37: {  	[smem:$0x3FA8] =	sst s10  }
0x38: {  	s10 =	sld [smem:$0x3FA9]  }
0x39: {  	_ = 	snop;
	(pc) =	sbr.ind lr, $3  }
0x3a: {  	_ = 	snop  }
0x3b: {  	_ = 	snop  }
0x3c: {  	p2 =	seq.s32 s10, $0x1;
	s10 =	sld [smem:$0x3FA8]  }
0x3d: {  	_ =	shalt  }
0x3e: {  	_ =	shalt  }
0x3f: {  	_ =	shalt  }
0x40: {  	_ =	shalt  }
0x41: {  	_ =	shalt  }
0x42: {  	_ =	shalt  }
0x43: {  	_ =	shalt  }
0x44: {  	_ =	shalt  }
0x45: {  	_ =	shalt  }
0x46: {  	_ =	shalt  }
0x47: {  	_ =	shalt  }
0x48: {  	_ =	shalt  }
0x49: {  	_ =	shalt  }
0x4a: {  	_ =	shalt  }
0x4b: {  	_ =	shalt  }
0x4c: {  	_ =	shalt  }
0x4d: {  	_ =	shalt  }
0x4e: {  	_ =	shalt  }
0x4f: {  	_ =	shalt  }
0x50: {  	_ =	shalt  }
0x51: {  	_ =	shalt  }
0x52: {  	_ =	shalt  }
0x53: {  	_ =	shalt  }
0x54: {  	_ =	shalt  }
0x55: {  	_ =	shalt  }
0x56: {  	_ =	shalt  }
0x57: {  	_ =	shalt  }
0x58: {  	_ =	shalt  }
0x59: {  	_ =	shalt  }
0x5a: {  	_ =	shalt  }
0x5b: {  	_ =	shalt  }
0x5c: {  	_ =	shalt  }
0x5d: {  	_ =	shalt  }
0x5e: {  	_ =	shalt  }
0x5f: {  	_ =	shalt  }
0x60: {  	_ =	shalt  }
0x61: {  	_ =	shalt  }
0x62: {  	_ =	shalt  }
0x63: {  	_ =	shalt  }
0x64: {  	_ =	shalt  }
0x65: {  	_ =	shalt  }
0x66: {  	_ =	shalt  }
0x67: {  	_ =	shalt  }
0x68: {  	_ =	shalt  }
0x69: {  	_ =	shalt  }
0x6a: {  	_ =	shalt  }
0x6b: {  	_ =	shalt  }
0x6c: {  	_ =	shalt  }
0x6d: {  	_ =	shalt  }
0x6e: {  	_ =	shalt  }
0x6f: {  	_ =	shalt  }
0x70: {  	_ =	shalt  }
0x71: {  	_ =	shalt  }
0x72: {  	_ =	shalt  }
0x73: {  	_ =	shalt  }
0x74: {  	_ =	shalt  }
0x75: {  	_ =	shalt  }
0x76: {  	_ =	shalt  }
0x77: {  	_ =	shalt  }
0x78: {  	_ =	shalt  }
0x79: {  	_ =	shalt  }
0x7a: {  	_ =	shalt  }
0x7b: {  	_ =	shalt  }
0x7c: {  	_ =	shalt  }
0x7d: {  	_ =	shalt  }
0x7e: {  	_ =	shalt  }
0x7f: {  	_ =	shalt  }
0x80: {  	_ =	shalt  }
0x81: {  	_ =	shalt  }
0x82: {  	_ =	shalt  }
0x83: {  	_ =	shalt  }
0x84: {  	_ =	shalt  }
0x85: {  	_ =	shalt  }
0x86: {  	_ =	shalt  }
0x87: {  	_ =	shalt  }
.Lfunc_end0:
.L_simem_size_0:
called_computation_lowered:
.L_overlay_start_0:
0x88: {  	s0 =	sld [smem:$0x3FD9]  }
0x89: {  	s1 =	sld [smem:$0x3FFE];
	_ =	sdelay $0x3  }
0x8a: {  	s0 =	sadd.s32 s1, s0  }
0x8b: {  	[smem:$0x3FB4] =	sst s0  }
0x8c: {  	_ = 	snop  }
0x8d: {  	s0 =	sld [smem:$0x3FD0];
	_ =	sdelay $0x2  }
0x8e: {  	s13 =	simm.s32 $0xA;
	s2 =	simm.s32 $0x10  }
0x8f: {  	[smem:s2], [sflag:s13] =	dma.local [hbm:s0], $0x1  }
0x90: {  	_ =	swait.eq [sflag:s13], $0x1  }
0x91: {  	[sflag:s13] =	ssyncset.done $0x0  }
0x92: {  	[sflag:s13] =	ssyncadd.s32 $0xFFFFFFFF  }
0x93: {  	s14 =	sld [smem:$0x10];
	(tm) =	ssettm $0x1  }
0x94: {  	s15 =	sld [smem:$0x3FFB];
	_ =	sdelay $0x3  }
0x95: {  	_ =	strace s15  }
0x96: {  	s1 =	sld [smem:$0x3FFC];
	_ =	sdelay $0x3  }
0x97: {  	_ =	strace s1  }
0x98: {  	s1 =	sld [smem:$0x3FFD];
	_ =	sdelay $0x3  }
0x99: {  	_ =	strace s1  }
0x9a: {  	_ =	strace $0x8FFFFFFF  }
0x9b: {  	s16 =	sld [smem:$0x3FDB];
	_ =	sdelay $0x1  }
0x9c: {  	s17 =	simm.s32 $_scs_section_size  }
0x9d: {  	s3 =	simm.s32 $_size__tile_overlayer_lowered;
	s4 =	simm.s32 $_tile_overlayer_lowered  }
0x9e: {  	s20 =	simm.s32 $0x1BFF;
	s19 =	sshll.u32 s4, $0x1;
	s1 =	sadd.s32 s17, s16  }
0x9f: {  	s5 =	simm.s32 $0x0;
	s18 =	sshll.u32 s3, $0x1;
	s3 =	sadd.s32 s19, s1  }
0xa0: {  	[timem:s5], [sflag:s20] =	dma.local [hbm:s3], s18  }
0xa1: {  	_ =	swait.ge [sflag:s20], s18  }
0xa2: {  	s2 =	ssub.s32 $0x0, s18;
	[sflag:s20] =	ssyncset.done $0x0  }
0xa3: {  	[sflag:s20] =	ssyncadd.s32 s2;
	_ =	sdelay $0x1  }
0xa4: {  	s21 =	simm.s32 $0x1B8B  }
0xa5: {  	_ =	swait.ge [sflag:s21], $0x1  }
0xa6: {  	[sflag:s21] =	ssyncset.done $0x0  }
0xa7: {  	s23 =	simm.s32 $0x1B8E;
	s22 =	sld [smem:$0x3FFE];
	[sflag:s21] =	ssyncadd.s32 $0xFFFFFFFF  }
0xa8: {  	s24 =	simm.s32 $execute0_lowered;
	[smem:$0x3FD2] =	sst s23  }
0xa9: {  	s3 =	sshll.u32 s24, $0x1;
	_ =	strace $0x80000046;
	[dreg:$0x1] =	wrdreg $0xFFFFFFFF  }
0xaa: {  	s25 =	simm.s32 $_size_execute0_lowered;
	s1 =	sadd.s32 s1, s3;
	[dreg:$0x0] =	wrdreg $0x0  }
0xab: {  	s3 =	sshll.u32 s25, $0x1;
	[dreg:$0x2] =	wrdreg s1  }
0xac: {  	[dreg:$0x3] =	wrdreg s3  }
0xad: {  	[dreg:$0x4] =	wrdreg $0xC0  }
0xae: {  	_ =	task [dreg:s5], $0x5FFFF  }
0xaf: {  	[dreg:$0x1] =	wrdreg $0xFFFFFFFF  }
0xb0: {  	[dreg:$0x0] =	wrdreg $0x60  }
0xb1: {  	[dreg:$0x2] =	wrdreg s14  }
0xb2: {  	[dreg:$0x3] =	wrdreg s22  }
0xb3: {  	[dreg:$0x4] =	wrdreg $0x9  }
0xb4: {  	_ =	task.clear_ibuf [dreg:s5], $0x5FFFF;
	_ =	strace $0x90000046  }
0xb5: {  	s26 =	simm.s32 $0x9;
	_ =	strace $0x80000048  }
0xb6: {  	_ =	swait.ge [sflag:s26], $0x1  }
0xb7: {  	[sflag:s26] =	ssyncadd.s32 $0xFFFFFFFF  }
0xb8: {  	_ =	strace $0x90000048  }
0xb9: {  	_ =	sfence  }
0xba: {  	s28 =	sld [smem:$0x0];
	_ =	sdelay $0x1  }
0xbb: {  	s29 =	srdreg.scid  }
0xbc: {  	s30 =	sshll.u32 s29, $0xD;
	s31 =	sshrl.u32 s29, $0x2  }
0xbd: {  	s2 =	sand.u32 $0x4000, s30;
	s1 =	sand.u32 $0x1, s29;
	s0 =	sadd.s32 s31, s28  }
0xbe: {  	s1 =	sor.u32 s2, s1;
	s0 =	sshll.u32 s0, $0x11  }
0xbf: {  	s0 =	sor.u32 s0, s1  }
0xc0: {  	s0 =	sadd.s32 $0x8F2B, s0  }
0xc1: {  	[sflag:s0] =	ssyncadd.remote.s32 $0x1  }
0xc2: {  	_ =	sfence.sel $0xFFFF  }
0xc3: {  	[dreg:$0x0] =	wrdreg $0xFFFFFFFF;
	(pc) =	sbr.abs _section_cstart, $3  }
0xc4: {  	[dreg:$0x1] =	wrdreg $0xFFFFFFFF  }
0xc5: {  	_ =	task.clear_ibuf [dreg:s5], $0x2FFFF;
	_ =	strace $0x9FFFFFFF  }
0xc6: {  	(tm) =	ssettm $0x7FFFFFFF  }
0xc7: {  	_ =	shalt  }
tec
execute0_lowered:
.L_overlay_start_1:
0x0: {  	(tag) =	ssettag $0x1  }
0x1: {  	s1 =	rddreg [dreg:$0x0]  }
0x2: {  	s0 =	rddreg [dreg:$0x1];
	s11 =	stileid.u32  }
0x3: {  	_ =	strace $0x80000047;
	s6 =	simm.s32 $0x1;
	s2 =	smin.u32 s11, $0x9  }
0x4: {  	v1 =	vimm.s32 $0xFFFFFFFF;
	[sflag:s6] =	ssyncpa.u1 $0x0;
	s2 =	sadd.s32 s11, s2  }
0x5: {  	p0 =	slt.u32 s11, $0x9;
	[tilespmem:$0x10] =	vst v1;
	s3 =	smul.u32 $0x190, s2;
	s2 =	simm.s32 $0x320  }
0x6: {  	v0 =	vimm.f32 $+Inf;
	[tilespmem:$0x20] =	vst v1;
	s2 =	simm.s32 @!p0 $0x190  }
0x7: {  	[tilespmem:$0x30] =	vst v0;
	s2 =	sadd.s32 s2, s3  }
0x8: {  	[tilespmem:$0x40] =	vst v0;
	s4 =	smin.u32 s2, $0x2710  }
0x9: {  	[tilespmem:$0x50] =	vst v0;
	s2 =	ssub.s32 s4, s3  }
0xa: {  	[tilespmem:$0x60] =	vst v1;
	p0 =	sgt.s32 s2, $0x0  }
0xb: {  	s7 =	simm.s32 $0x2;
	s8 =	simm.s32 $0x8;
	[tilespmem:$0x70] =	vst v1;
	s2 =	simm.s32 @!p0 $0x0  }
0xc: {  	s29 =	simm.s32 $0x9;
	s16 =	simm.s32 $0x0;
	[tilespmem:$0x80] =	vst v1;
	s5 =	sand.u32 $0xFFF0, s2  }
0xd: {  	s17 =	simm.s32 $0xF0;
	s18 =	simm.s32 $0xFFFFFFFF;
	v1 =	vimm.s32 $0x0;
	[tilespmem:$0xB0] =	vst v0;
	s5 =	sshrl.u32 s5, $0x4  }
0xe: {  	s19 =	simm.s32 $0xFFFFFDE0;
	s20 =	simm.s32 $0xFFFFFFFE;
	[tilespmem:$0x90] =	vst v1;
	s5 =	smul.u32 $0xA3E, s5  }
0xf: {  	s21 =	simm.s32 $0xF;
	[tilespmem:$0xA0] =	vst v1;
	[sflag:s7] =	ssyncpa.u1 $0x0;
	s7 =	simm.s32 $0x7  }
0x10: {  	s25 =	simm.s32 $0x0;
	[sflag:s7] =	ssyncpa.u1 $0x0;
	s9 =	sshrl.u32 s5, $0x10  }
0x11: {  	s24 =	simm.s32 $0x0;
	[sflag:s8] =	ssyncpa.u1 $0x0;
	s10 =	smul.u32 $0x190, s9  }
0x12: {  	s14 =	sshllo.u32 s11, $0x1;
	s23 =	smov.u32 s3;
	[sflag:s29] =	ssyncpa.u1 $0x0  }
.Ltmp0:
0x13: {  	s5 =	sadd.s32 $0x6A00, s0;
	p0 =	sne.s32 s2, s10;
	(pc) =	sbr.rel .LBB2_1-.Ltmp0, $4  }
0x14: {  	s0 =	sadd.s32 $0x7000, s0;
	s10 =	sshll.u32 s11, $0x1;
	s6 =	simm.s32 @!p0 $0x0  }
0x15: {  	[dreg:$0x3] =	wrdreg s0;
	s31 =	sor.u32 $0x81, s10;
	s9 =	sadd.s32 s9, s6  }
0x16: {  	vm0 =	vmmov $0xffff;
	v2 =	vlaneseq.u32;
	vm1 =	vmxor vm1, vm1;
	s15 =	sor.u32 $0x80, s10;
	[dreg:$0x5] =	wrdreg s31;
	s30 =	sadd.s32 $0x1, s9  }
0x17: {  	vm2 =	vmmov $0x1;
	v3 =	vimm.f32 $0.0e+00;
	vm3 =	vcmask $0x3F3C;
	p0 =	por $0x0, $0x0;
	s12 =	sadd.s32 $0x2, s9;
	[dreg:$0x4] =	wrdreg s30  }
.LBB2_9:
0x18: {  	p1 =	slt.u32 s24, $0x3  }
0x19: {  	s0 =	simm.s32 @!p1 $0x2  }
0x1a: {  	_ =	swait.ge @!p1 [sflag:s0], $0x190  }
0x1b: {  	[sflag:s0] =	ssyncset.done @!p1 $0x0  }
0x1c: {  	[sflag:s0] =	ssyncadd.s32 @!p1 $0xFFFFFE70;
	s0 =	simm.s32 @!p1 $0x9  }
0x1d: {  	_ =	swait.ge @!p1 [sflag:s0], $0x10  }
0x1e: {  	[sflag:s0] =	ssyncset.done @!p1 $0x0  }
0x1f: {  	[sflag:s0] =	ssyncadd.s32 @!p1 $0xFFFFFFF0;
	p1 =	sne.s32 s24, s12  }
.Ltmp1:
0x20: {  	s2 =	sadd.s32 $0x190, s23;
	(pc) =	sbr.rel @!p1 .LBB2_10-.Ltmp1, $4  }
0x21: {  	s6 =	smov.u32 s3;
	s31 =	sadd.s32 $0x1, s24;
	s17 =	sadd.s32 $0x190, s17  }
0x22: {  	s18 =	sadd.s32 $0x1, s18;
	s25 =	smov.u32 s23;
	p2 =	slt.s32 s2, s4  }
0x23: {  	p0 =	por !p0, !p0;
	s19 =	sadd.s32 $0x190, s19;
	s6 =	smov.u32 @p2 s2  }
0x24: {  	s20 =	sadd.s32 $0x1, s20;
	s23 =	smov.u32 s6;
	s24 =	smov.u32 s31  }
.LBB2_1:
0x25: {  	p1 =	sge.u32 s24, s9  }
0x26: {  	s0 =	smulhi.u32 @!p1 $0xAAAAAAAB, s24;
	_ =	sdelay $0x1  }
0x27: {  	s0 =	sshrl.u32 @!p1 s0, $0x1  }
0x28: {  	s0 =	smul.u32 @!p1 $0x3, s0;
	_ =	sdelay $0x1  }
0x29: {  	s0 =	ssub.s32 @!p1 s24, s0  }
0x2a: {  	s0 =	smul.u32 @!p1 $0x640, s0;
	_ =	sdelay $0x1  }
0x2b: {  	s2 =	sshrl.u32 @!p1 s23, $0x3;
	s0 =	sshrl.u32 @!p1 s0, $0x2  }
0x2c: {  	s6 =	sand.u32 @!p1 $0x7, s23;
	s2 =	sadd.s32 @!p1 s5, s2;
	s0 =	sadd.s32 @!p1 $0x100, s0  }
0x2d: {  	[tilespmem:s0], [sflag:$0x7] =	stream.linear.gather @!p1 [hbm4b:s2+s6], $0x190, $0x38;
	[tilespmem:$0xF30] =	vst v63  }
0x2e: {  	s0 =	sadd.s32 $0xFFFFFFFF, s24  }
0x2f: {  	p1 =	sge.u32 s0, s9  }
.Ltmp2:
0x30: {  	_ = 	snop;
	(pc) =	sbr.rel @p1 .LBB2_5-.Ltmp2, $1  }
0x31: {  	_ =	sdelay $0x3  }
0x32: {  	s2 =	smulhi.u32 $0xAAAAAAAB, s0;
	_ =	sdelay $0x1  }
0x33: {  	s2 =	sshrl.u32 s2, $0x1  }
0x34: {  	s2 =	smul.u32 $0x3, s2;
	_ =	sdelay $0x1  }
0x35: {  	s2 =	ssub.s32 s0, s2  }
0x36: {  	s2 =	smul.u32 $0x640, s2  }
0x37: {  	_ =	swait.ge [sflag:s7], $0x190  }
0x38: {  	[sflag:s7] =	ssyncset.done $0x0;
	s2 =	sshrl.u32 s2, $0x2  }
0x39: {  	[sflag:s7] =	ssyncadd.s32 $0xFFFFFE70;
	(ifvalue) =	ssetifvalue $0xFFFFFFFF;
	v4 =	vld.msk [tilespmem:s2+$0x100 ss:$0x1], $0xffff;
	_ =	sdelay $0x2  }
0x3a: {  	s29 =	smulhi.u32 $0xAAAAAAAB, s18;
	p1 =	sne.s32 s24, $0x1  }
0x3b: {  	v5 =	vimm.s32 @!p1 $0x0  }
0x3c: {  	s2 =	sshrl.u32 s29, $0x1;
	v5 =	vperm.xlane @!p1 v4, v5  }
0x3d: {  	s6 =	sshll.u32 s24, $0x4;
	s2 =	smul.u32 $0xFFFFED40, s2;
	vm4 =	vlt.u32 v4, $0x400  }
0x3e: {  	s6 =	sand.u32 $0x10, s6;
	v4 =	vnsel vm4, $0xFFFFFFFE, v4;
	vm4 =	vlt.u32 @!p1 v5, $0x400  }
0x3f: {  	s2 =	sshra.s32 s2, $0x2;
	[tilespmem:s6+$0x60] =	vst v4;
	v4 =	vnsel @!p1 vm4, $0xFFFFFFFE, v5  }
0x40: {  	s30 =	sadd.s32 s2, s17;
	[tilespmem:$0x80] =	vst @!p1 v4  }
0x41: {  	v4 =	vld.msk [tilespmem:s30+$0x0 ss:$0x1], $0xffff;
	_ =	sdelay $0x4  }
0x42: {  	(xrf1) =	vunique.msk.u32 $0xffff, v4;
	_ =	sdelay $0xd  }
0x43: {  	v5 =	vimm.s32 $0xFFFFFFFF;
	v6, _, _ =	vpop (xrf1)  }
0x44: {  	vm5 =	vne.s32 v4, v5;
	vm4 =	veq.s32 v6, v2  }
0x45: {  	vm6 =	vlt.u32 v4, $0x400;
	vm4 =	vmand vm5, vm4  }
0x46: {  	vm4 =	vmand vm6, vm4  }
0x47: {  	v5 =	vnsel vm4, $0xFFFFFFFF, v4  }
0x48: {  	s31 =	sand.u32 $0x1, s0  }
0x49: {  	s26 =	simm.s32 $0x190;
	p1 =	seq.s32 s31, $0x1  }
0x4a: {  	s26 =	simm.s32 @!p1 $0x0  }
0x4b: {  	s28 =	sadd.s32 $0x730, s26;
	(ifvalue) =	ssetifvalue $0xFFFFFFFF  }
0x4c: {  	v4 =	vperm.xlane v4, v1;
	[tilespmem:s28], [sflag:$0x8] =	stream.indirect_vreg.gather [hbm4b:s1+s16], $0x1, v5, vm0, $0x4038;
	v5 =	vnsel vm6, $0xFFFFFFFE, v5;
	[tilespmem:$0xF30] =	vst v63  }
0x4d: {  	s0 =	simm.s32 $0x0;
	s2 =	sadd.s32 $0xFFFFFFF0, s30;
	[tilespmem:s30+$0x0] =	vst v5  }
.LBB2_3:
0x4e: {  	v5 =	vld.msk [tilespmem:s2+$0x0 ss:$0x1], $0xffff;
	s0 =	sadd.s32 $0x10, s0;
	v6 =	vmov v4;
	s6 =	smov.u32 s2  }
0x4f: {  	p1 =	slt.u32 s0, $0x180;
	_ =	sdelay $0x4  }
0x50: {  	v4 =	vperm.xlane v5, v1;
	(xrf1) =	vunique.msk.u32 $0xffff, v5;
	_ =	sdelay $0xd  }
0x51: {  	v7, _, _ =	vpop (xrf1)  }
0x52: {  	vm5 =	vne.s32 v5, v6;
	vm4 =	veq.s32 v7, v2  }
0x53: {  	vm6 =	vlt.u32 v5, $0x400;
	vm4 =	vmand vm5, vm4  }
0x54: {  	vm4 =	vmand vm6, vm4  }
0x55: {  	v5 =	vnsel vm4, $0xFFFFFFFF, v5  }
.Ltmp3:
0x56: {  	v6 =	vnsel vm6, $0xFFFFFFFE, v5;
	(pc) =	sbr.rel @p1 .LBB2_3-.Ltmp3, $3  }
0x57: {  	_ =	sdelay $0x1  }
0x58: {  	s2 =	sadd.s32 $0xFFFFFFF0, s2;
	s28 =	sadd.s32 $0xFFFFFFF0, s28;
	(ifvalue) =	ssetifvalue $0xFFFFFFFF  }
0x59: {  	[tilespmem:s28], [sflag:$0x8] =	stream.indirect_vreg.gather [hbm4b:s1+s16], $0x1, v5, vm0, $0x4038;
	[tilespmem:s6+$0x0] =	vst v6  }
0x5a: {  	s0 =	sshrl.u32 s25, $0x3;
	s2 =	rddreg [dreg:$0x3]  }
0x5b: {  	s31 =	sadd.s32 $0x8D0, s26;
	s0 =	sadd.s32 s2, s0  }
0x5c: {  	[tilespmem:s31], [sflag:$0x8] =	stream.linear.gather [hbm:s0], $0x190, $0x38;
	[tilespmem:$0xF30] =	vst v63  }
.LBB2_5:
0x5d: {  	p1 =	slt.u32 s24, $0x2  }
0x5e: {  	p2 =	sge.u32 @!p1 s24, s12  }
0x5f: {  	p1 =	por p1, p2  }
.Ltmp4:
0x60: {  	_ = 	snop;
	(pc) =	sbr.rel @p1 .LBB2_9-.Ltmp4, $1  }
0x61: {  	_ =	sdelay $0x3  }
0x62: {  	s0 =	sadd.s32 $0xFFFFFFFE, s24  }
0x63: {  	s2 =	smulhi.u32 $0xAAAAAAAB, s0;
	_ =	sdelay $0x1  }
0x64: {  	s2 =	sshrl.u32 s2, $0x1  }
0x65: {  	s2 =	smul.u32 $0x3, s2;
	_ =	sdelay $0x1  }
0x66: {  	_ =	swait.ge [sflag:s8], $0x320;
	s0 =	ssub.s32 s0, s2  }
0x67: {  	s6 =	rddreg [dreg:$0x4];
	s0 =	smul.u32 $0x190, s0  }
0x68: {  	[sflag:s8] =	ssyncset.done $0x0;
	p1 =	sne.s32 s24, s6  }
0x69: {  	[sflag:s8] =	ssyncadd.s32 $0xFFFFFCE0;
	s6 =	rddreg [dreg:$0x5];
	s2 =	sadd.s32 @!p1 $0x28F, s0  }
0x6a: {  	[spmem:s6] =	stream.linear.scatter @!p1 [tilespmem:s2], [sflag:$0x1], $0x1, $0x38;
	[tilespmem:$0xF30] =	vst v63  }
0x6b: {  	s2 =	simm.s32 @!p1 $0x1  }
0x6c: {  	_ =	swait.ge @!p1 [sflag:s2], $0x1  }
0x6d: {  	s11 =	sshll.u32 s24, $0x4;
	[sflag:s2] =	ssyncset.done @!p1 $0x0  }
0x6e: {  	s25 =	sand.u32 $0x10, s11;
	[sflag:s2] =	ssyncadd.s32 @!p1 $0xFFFFFFFF  }
0x6f: {  	s2 =	sxor.u32 $0x10, s25;
	v5 =	vld [tilespmem:s25+$0x10]  }
0x70: {  	v6 =	vld [tilespmem:s2+$0x60]  }
0x71: {  	v4 =	vld [tilespmem:$0x80];
	_ =	sdelay $0x2  }
0x72: {  	(v2sf) =	vpush v5, $0x0  }
0x73: {  	(v2sf) =	vpush v6, $0x0  }
0x74: {  	(v2sf) =	vpush v4, $0x0;
	_ =	sdelay $0xc  }
0x75: {  	s13 =	spop (v2sf)  }
0x76: {  	s22 =	spop (v2sf)  }
0x77: {  	s26 =	spop (v2sf)  }
0x78: {  	p2 =	seq.s32 s13, s22;
	p3 =	seq.s32 s26, s13  }
0x79: {  	p3 =	por p2, p3  }
0x7a: {  	s22 =	sand.u32 $0x1, s24;
	v5 =	vpsel p3, $0xFFFFFFFF, v5  }
0x7b: {  	s28 =	smul.u32 $0x190, s22;
	[tilespmem:s25+$0x10] =	vst.msk $0x1, v5  }
0x7c: {  	v5 =	vld [tilespmem:$0x30]  }
0x7d: {  	v6 =	vld [tilespmem:s28+$0x8D0]  }
0x7e: {  	v7 =	vld [tilespmem:s25+$0x40];
	_ =	sdelay $0x2  }
0x7f: {  	vm4 =	vmmov vm1  }
0x80: {  	vm5 =	vmmov vm2;
	vm4 =	vmmov @p2 vm2;
	v6 =	vmin.f32 v5, v6  }
0x81: {  	s6 =	sshll.u32 s22, $0x4;
	vm5 =	vmmov @p3 vm1;
	v5 =	vmin.f32 v5, v7;
	[tilespmem:s28+$0x8D0] =	vst.msk vm4, v6  }
0x82: {  	[tilespmem:s6+$0xF10] =	vst.msk vm5, v5  }
0x83: {  	v5 =	vld [tilespmem:s28+$0x730];
	_ =	sdelay $0x4  }
0x84: {  	v5 =	vshift.insert v5, v3, s21  }
0x85: {  	s11 =	sor.u32 $0x40, s2  }
0x86: {  	v6 =	vimm.f32 $+Inf;
	[tilespmem:s11+$0x0] =	vst.msk $0x1, v5  }
0x87: {  	[tilespmem:s28+$0x73F] =	vst.msk $0x1, v6  }
0x88: {  	v5 =	vld [tilespmem:s0+$0x280]  }
0x89: {  	s13 =	smulhi.u32 $0xAAAAAAAB, s20;
	_ =	sdelay $0x1  }
0x8a: {  	s22 =	simm.s32 $0x1;
	s0 =	sshrl.u32 s13, $0x1  }
0x8b: {  	s22 =	simm.s32 @!p0 $0x0;
	s0 =	smul.u32 $0xFFFFED40, s0  }
0x8c: {  	s22 =	smul.u32 $0x640, s22;
	v5 =	vshift.insert v5, v1, s21  }
0x8d: {  	s0 =	sshra.s32 s0, $0x2  }
0x8e: {  	s22 =	sshrl.u32 s22, $0x2;
	s11 =	sadd.s32 s0, s19;
	[tilespmem:s2+$0x10] =	vst.msk $0x1, v5  }
0x8f: {  	s2 =	sadd.s32 $0x8D0, s22;
	v7 =	vld [tilespmem:s11+$0x0]  }
0x90: {  	v8 =	vld [tilespmem:s2+$0x0];
	_ =	sdelay $0x4  }
0x91: {  	vm4 =	vne.s32 v7, $0xFFFFFFFF;
	v6 =	vmin.f32 v8, v6  }
0x92: {  	(xrf0) =	vmin.seg.scan.f32 vm4, v6  }
0x93: {  	s13 =	sadd.s32 $0x5B0, s22;
	v8 =	vld [tilespmem:$0xA0]  }
0x94: {  	v9 =	vld [tilespmem:s13+$0x0];
	_ =	sdelay $0x1  }
0x95: {  	v6 =	vperm.xlane v5, v1;
	_ =	sdelay $0x1  }
0x96: {  	vm6 =	veq.s32 v7, v4;
	vm7 =	veq.s32 v7, v6;
	vm5 =	veq.s32 v8, $0x1;
	v8, _, _ =	vpop (xrf0)  }
0x97: {  	vm8 =	vgt.u32 v7, $0xFFFFFFFD;
	vm7 =	vmor vm7, vm6;
	v9 =	vmin.f32 v8, v9  }
0x98: {  	s30 =	sadd.s32 $0xBF0, s22;
	v10 =	vld [tilespmem:$0x90];
	vm7 =	vmor vm7, vm8;
	v9 =	vsel vm6, v8, v9  }
0x99: {  	[tilespmem:s30+$0x0] =	vst v9;
	v9 =	vsel vm7, $0xFFFFFFFF, v7;
	_ =	sdelay $0x1  }
0x9a: {  	s31 =	simm.s32 $0x0;
	vm9 =	vmand vm4, vm3  }
0x9b: {  	s29 =	sadd.s32 $0xF10, s6;
	s6 =	sadd.s32 $0x10, s13;
	s22 =	sadd.s32 $0x10, s30;
	v11 =	vsel vm9, $0x7F800000, v8  }
0x9c: {  	s0 =	sadd.s32 $0x10, s2;
	s2 =	sadd.s32 $0x10, s11;
	vm4 =	vmor vm5, vm6;
	v7 =	vsel vm6, v8, v10;
	v8 =	vshift.insert v11, v0, s21;
	(ifvalue) =	ssetifvalue $0xFFFFFFFF  }
.LBB2_7:
0x9d: {  	[hbm4b:s1+s16] =	stream.indirect_vreg.scatter [tilespmem:s30], [sflag:$0x2], $0x1, v9, vm0, $0x4038;
	[tilespmem:$0xF30] =	vst v63  }
0x9e: {  	s31 =	sadd.s32 $0x10, s31;
	s30 =	smov.u32 s22;
	v9 =	vld [tilespmem:s2+$0x0]  }
0x9f: {  	p2 =	slt.u32 s31, $0x180;
	v10 =	vld [tilespmem:s0+$0x0];
	_ =	sdelay $0x4  }
0xa0: {  	vm5 =	vne.s32 v9, $0xFFFFFFFF;
	v8 =	vmin.f32 v10, v8  }
0xa1: {  	(xrf0) =	vmin.seg.scan.f32 vm5, v8;
	_ =	sdelay $0x1  }
0xa2: {  	v8 =	vld [tilespmem:s6+$0x0]  }
0xa3: {  	vm6 =	veq.s32 v9, v4;
	vm7 =	veq.s32 v9, v6  }
0xa4: {  	vm8 =	vgt.u32 v9, $0xFFFFFFFD;
	vm4 =	vmor vm4, vm6;
	vm7 =	vmor vm7, vm6  }
0xa5: {  	vm7 =	vmor vm7, vm8  }
.Ltmp5:
0xa6: {  	vm5 =	vmand vm5, vm3;
	v9 =	vsel vm7, $0xFFFFFFFF, v9;
	v10, _, _ =	vpop (xrf0);
	(pc) =	sbr.rel @p2 .LBB2_7-.Ltmp5, $4  }
0xa7: {  	v7 =	vsel vm6, v10, v7;
	v8 =	vmin.f32 v10, v8;
	v11 =	vsel vm5, $0x7F800000, v10  }
0xa8: {  	v10 =	vsel vm6, v10, v8;
	v8 =	vshift.insert v11, v0, s21  }
0xa9: {  	s2 =	sadd.s32 $0x10, s2;
	s0 =	sadd.s32 $0x10, s0;
	[tilespmem:s22+$0x0] =	vst v10  }
0xaa: {  	s6 =	sadd.s32 $0x10, s6;
	s22 =	sadd.s32 $0x10, s22;
	(ifvalue) =	ssetifvalue $0xFFFFFFFF  }
0xab: {  	_ =	sdelay $0x3  }
0xac: {  	[hbm4b:s1+s16] =	stream.indirect_vreg.scatter [tilespmem:s30], [sflag:$0x2], $0x1, v9, vm0, $0x4038;
	[tilespmem:$0xF30] =	vst v63  }
0xad: {  	v4 =	vld [tilespmem:s28+$0xD70];
	_ =	sdelay $0x4  }
0xae: {  	v4 =	vshift.insert v4, v3, s21  }
0xaf: {  	s0 =	simm.s32 $0x30  }
0xb0: {  	[tilespmem:s0+$0x0] =	vst.msk $0x1, v4  }
0xb1: {  	v4 =	vsel vm4, $0x1, v1;
	[tilespmem:$0x90] =	vst v7  }
0xb2: {  	s0 =	sadd.s32 @!p1 $0xD7F, s28;
	[tilespmem:$0xA0] =	vst v4  }
0xb3: {  	[spmem:s14] =	stream.linear.scatter @!p1 [tilespmem:s0], [sflag:$0x1], $0x1, $0x38;
	[tilespmem:$0xF30] =	vst v63  }
0xb4: {  	s0 =	simm.s32 @!p1 $0x1  }
0xb5: {  	v4 =	vmctz.xlane @!p1 vm4;
	_ =	swait.ge @!p1 [sflag:s0], $0x1  }
0xb6: {  	(v2sf) =	vpush @!p1 v5, $0x0  }
0xb7: {  	(v2sf) =	vpush @!p1 v4, $0x0;
	_ =	sdelay $0xd  }
0xb8: {  	s2 =	spop @!p1 (v2sf)  }
0xb9: {  	s6 =	spop @!p1 (v2sf)  }
0xba: {  	p2 =	sne.s32 @!p1 s26, s2;
	p3 =	slt.s32 @!p1 s6, $0xF  }
0xbb: {  	[sflag:s0] =	ssyncset.done @!p1 $0x0;
	p2 =	por p2, p1;
	p3 =	por !p3, p1  }
0xbc: {  	[sflag:s0] =	ssyncadd.s32 @!p1 $0xFFFFFFFF;
	v4 =	vimm.s32 @!p2 $0xFFFFFFFF;
	s6 =	simm.s32 @p3 $0xF  }
0xbd: {  	[tilespmem:$0x80] =	vst @!p2 v4;
	s2 =	sadd.s32 @!p1 $0x90, s6  }
0xbe: {  	[spmem:s10] =	stream.linear.scatter @!p1 [tilespmem:s2], [sflag:$0x1], $0x1, $0x38;
	[tilespmem:$0xF30] =	vst v63  }
0xbf: {  	_ =	swait.ge @!p1 [sflag:s0], $0x1  }
0xc0: {  	[sflag:s0] =	ssyncset.done @!p1 $0x0  }
0xc1: {  	s2 =	simm.s32 @!p1 $0x80;
	[sflag:s0] =	ssyncadd.s32 @!p1 $0xFFFFFFFF  }
0xc2: {  	[spmem:s15] =	stream.linear.scatter @!p1 [tilespmem:s2], [sflag:$0x1], $0x1, $0x38;
	[tilespmem:$0xF30] =	vst v63  }
0xc3: {  	_ =	swait.ge @!p1 [sflag:s0], $0x1  }
0xc4: {  	[sflag:s0] =	ssyncset.done @!p1 $0x0  }
0xc5: {  	[sflag:s0] =	ssyncadd.s32 @!p1 $0xFFFFFFFF;
	(ifvalue) =	ssetifvalue $0xFFFFFFFF;
	v4 =	vld [tilespmem:s25+$0x10];
	_ =	sdelay $0x3  }
.Ltmp6:
0xc6: {  	_ = 	snop;
	(pc) =	sbr.rel .LBB2_9-.Ltmp6, $3  }
0xc7: {  	_ =	sdelay $0x1  }
0xc8: {  	(ifvalue) =	ssetifvalue $0xFFFFFFFF  }
0xc9: {  	[hbm4b:s1+s16] =	stream.indirect_vreg.scatter [tilespmem:s29], [sflag:$0x9], $0x1, v4, vm0, $0x4038;
	[tilespmem:$0xF30] =	vst v63  }
.LBB2_10:
0xca: {  	_ =	sfence.sel $0x180000  }
0xcb: {  	s0 =	simm.s32 $0x7;
	[bflag:$0x0] =	sbarrier.arrive $0xFFFF  }
0xcc: {  	s26 =	simm.s32 $0x8;
	[sflag:s0] =	ssyncpa.u1 $0x1  }
0xcd: {  	s28 =	simm.s32 $0x9;
	[sflag:s26] =	ssyncpa.u1 $0x1  }
0xce: {  	[sflag:s28] =	ssyncpa.u1 $0x1  }
0xcf: {  	_ =	sfence.stream.spmem  }
0xd0: {  	s29 =	simm.s32 $0x3;
	[bflag:$0x0] =	sbarrier.arrive $0xFFFF  }
0xd1: {  	s30 =	simm.s32 $0x4;
	[sflag:s29] =	ssyncpa.u1 $0x1  }
0xd2: {  	s31 =	simm.s32 $0x3C;
	s2 =	stileid.u32;
	[sflag:s30] =	ssyncpa.u1 $0x1  }
0xd3: {  	p0 =	sne.s32 s2, $0x0;
	[sflag:s31] =	ssyncpa.u1 $0x1  }
0xd4: {  	s0 =	simm.s32 @p0 $0x1;
	_ =	sfence @p0  }
0xd5: {  	[sflag:s0] =	ssyncpa.u1 @p0 $0x1;
	s0 =	simm.s32 @p0 $0x2  }
0xd6: {  	[sflag:s0] =	ssyncpa.u1 @p0 $0x1  }
0xd7: {  	_ =	strace @p0 $0x90000047  }
0xd8: {  	[bflag:$0x2] =	sbarrier.arrive @p0 $0xFFFF  }
0xd9: {  	_ =	shalt @p0  }
.LBB2_11:
0xda: {  	_ =	sfence.stream.spmem;
	s0 =	simm.s32 $0x5  }
0xdb: {  	s2 =	simm.s32 $0x80;
	s3 =	simm.s32 $0xC0;
	[sflag:s0] =	ssyncpa.u1 $0x0  }
0xdc: {  	[tilespmem:s3], [sflag:$0x5] =	stream.linear.gather [spmem:s2], $0x20, $0x38;
	[tilespmem:$0xF30] =	vst v63  }
0xdd: {  	s30 =	simm.s32 $0xE0;
	s2 =	simm.s32 $0x0  }
0xde: {  	[tilespmem:s30], [sflag:$0x5] =	stream.linear.gather [spmem:s2], $0x20, $0x38;
	[tilespmem:$0xF30] =	vst v63  }
.Ltmp7:
0xdf: {  	_ = 	snop;
	(pc) =	sbr.rel .LBB2_12-.Ltmp7, $4  }
0xe0: {  	_ =	swait.ge [sflag:s0], $0x40  }
0xe1: {  	[sflag:s0] =	ssyncset.done $0x0  }
0xe2: {  	s31 =	simm.s32 $0x6;
	[sflag:s0] =	ssyncadd.s32 $0xFFFFFFC0  }
0xe3: {  	s3 =	simm.s32 $0x0;
	[sflag:s31] =	ssyncpa.u1 $0x0  }
.LBB2_17:
0xe4: {  	p0 =	sgt.u32 s4, $0x3FF  }
0xe5: {  	s0 =	sshrl.u32 @!p0 s4, $0x3  }
0xe6: {  	s4 =	sand.u32 @!p0 $0x7, s4;
	s5 =	simm.s32 @!p0 $0xB0;
	s0 =	sadd.s32 @!p0 s1, s0  }
0xe7: {  	[tilespmem:s5], [sflag:$0x6] =	stream.linear.gather @!p0 [hbm4b:s0+s4], $0x1, $0x38;
	[tilespmem:$0xF30] =	vst v63  }
0xe8: {  	s0 =	simm.s32 @!p0 $0x6  }
0xe9: {  	_ =	swait.ge @!p0 [sflag:s0], $0x1  }
0xea: {  	[sflag:s0] =	ssyncset.done @!p0 $0x0  }
0xeb: {  	[sflag:s0] =	ssyncadd.s32 @!p0 $0xFFFFFFFF  }
0xec: {  	v1 =	vld.msk @!p0 [tilespmem:$0xB0], $0x1  }
0xed: {  	v2 =	vld.msk @!p0 [tilespmem:s3+$0xE0], $0x1;
	_ =	sdelay $0x4  }
0xee: {  	v1 =	vmin.f32 @!p0 v2, v1  }
0xef: {  	[tilespmem:s3+$0xE0] =	vst.msk @!p0 $0x1, v1  }
0xf0: {  	[tilespmem:s2+$0xC0] =	vst.msk $0x1, v0  }
0xf1: {  	v0 =	vld.msk [tilespmem:s3+$0xE0], $0x1;
	_ =	sdelay $0x4  }
0xf2: {  	[tilespmem:s2+$0xE0] =	vst.msk $0x1, v0;
	s2 =	sadd.s32 $0x1, s2  }
.LBB2_19:
0xf3: {  	s3 =	sadd.s32 $0x1, s3  }
0xf4: {  	p0 =	sne.s32 s3, $0x20  }
.Ltmp8:
0xf5: {  	_ = 	snop;
	(pc) =	sbr.rel @!p0 .LBB2_20-.Ltmp8, $1  }
0xf6: {  	_ =	sdelay $0x3  }
.LBB2_12:
0xf7: {  	v0 =	vld.msk [tilespmem:s3+$0xC0], $0x1;
	_ =	sdelay $0x4  }
0xf8: {  	(v2sf) =	vpush v0, $0x0;
	_ =	sdelay $0xe  }
0xf9: {  	s4 =	spop (v2sf)  }
0xfa: {  	p0 =	seq.s32 s4, $0xFFFFFFFF  }
.Ltmp9:
0xfb: {  	_ = 	snop;
	(pc) =	sbr.rel @p0 .LBB2_19-.Ltmp9, $1  }
0xfc: {  	_ =	sdelay $0x3  }
0xfd: {  	p0 =	slt.s32 s2, $0x1  }
.Ltmp10:
0xfe: {  	_ = 	snop;
	(pc) =	sbr.rel @p0 .LBB2_17-.Ltmp10, $1  }
0xff: {  	_ =	sdelay $0x3  }
0x100: {  	s0 =	simm.s32 $0xC0;
	p0 =	por $0x0, $0x0  }
0x101: {  	v1 =	vld.msk @!p0 [tilespmem:s0+$0x0], $0x1;
	_ =	sdelay $0x4  }
0x102: {  	(v2sf) =	vpush @!p0 v1, $0x0;
	_ =	sdelay $0xd  }
0x103: {  	p2 =	sne.s32 s2, $0x1  }
.Ltmp11:
0x104: {  	s5 =	spop @!p0 (v2sf);
	(pc) =	sbr.rel @!p2 .LBB2_16-.Ltmp11, $4  }
0x105: {  	p1 =	seq.s32 @!p0 s4, s5  }
0x106: {  	s5 =	simm.s32 $0x0;
	p1 =	por !p1, p0  }
0x107: {  	s7 =	simm.s32 $0xFFFFFFFF;
	s5 =	simm.s32 @p1 $0xFFFFFFFF  }
0x108: {  	s6 =	simm.s32 $0x1;
	s5 =	smov.u32 @p0 s7  }
.LBB2_15:
0x109: {  	s7 =	smov.u32 s5;
	p0 =	sne.s32 s5, $0xFFFFFFFF  }
0x10a: {  	s0 =	sadd.s32 $0x1, s0;
	s5 =	smov.u32 s6;
	s6 =	sadd.s32 $0x1, s6  }
0x10b: {  	p1 =	sne.s32 s2, s6;
	v1 =	vld.msk @!p0 [tilespmem:s0+$0x0], $0x1;
	_ =	sdelay $0x4  }
0x10c: {  	(v2sf) =	vpush @!p0 v1, $0x0;
	_ =	sdelay $0xe  }
.Ltmp12:
0x10d: {  	s8 =	spop @!p0 (v2sf);
	(pc) =	sbr.rel @p1 .LBB2_15-.Ltmp12, $4  }
0x10e: {  	p2 =	seq.s32 @!p0 s4, s8  }
0x10f: {  	p2 =	por !p2, p0  }
0x110: {  	s5 =	simm.s32 @p2 $0xFFFFFFFF  }
0x111: {  	s5 =	smov.u32 @p0 s7  }
.LBB2_16:
0x112: {  	p0 =	sne.s32 s5, $0xFFFFFFFF  }
.Ltmp13:
0x113: {  	_ = 	snop;
	(pc) =	sbr.rel @!p0 .LBB2_17-.Ltmp13, $1  }
0x114: {  	_ =	sdelay $0x3  }
0x115: {  	v0 =	vld.msk [tilespmem:s3+$0xE0], $0x1  }
0x116: {  	v1 =	vld.msk [tilespmem:s5+$0xE0], $0x1;
	_ =	sdelay $0x1  }
.Ltmp14:
0x117: {  	_ = 	snop;
	(pc) =	sbr.rel .LBB2_19-.Ltmp14, $3  }
0x118: {  	_ =	sdelay $0x1  }
0x119: {  	v0 =	vmin.f32 v1, v0  }
0x11a: {  	[tilespmem:s5+$0xE0] =	vst.msk $0x1, v0  }
.LBB2_20:
0x11b: {  	p0 =	slt.s32 s2, $0x1  }
.Ltmp15:
0x11c: {  	_ = 	snop;
	(pc) =	sbr.rel @p0 .LBB2_24-.Ltmp15, $3  }
0x11d: {  	_ =	sdelay $0x1  }
0x11e: {  	s0 =	simm.s32 $0x6  }
0x11f: {  	s3 =	simm.s32 $0x0;
	[sflag:s0] =	ssyncpa.u1 $0x1  }
0x120: {  	s0 =	simm.s32 $0xC0  }
0x121: {  	v0 =	vld.msk [tilespmem:s0+$0x0], $0x1;
	_ =	sdelay $0x4  }
0x122: {  	(v2sf) =	vpush v0, $0x0;
	_ =	sdelay $0xe  }
0x123: {  	s2 =	sadd.s32 $0xFFFFFFFF, s2;
	s4 =	spop (v2sf)  }
0x124: {  	p1 =	sne.s32 s2, $0x0;
	p0 =	sgt.u32 s4, $0x3FF  }
.Ltmp16:
0x125: {  	s5 =	sshrl.u32 @!p0 s4, $0x3;
	(pc) =	sbr.rel @!p1 .LBB2_23-.Ltmp16, $4  }
0x126: {  	s0 =	simm.s32 $0xE0;
	s4 =	sand.u32 @!p0 $0x7, s4;
	s5 =	sadd.s32 @!p0 s1, s5  }
0x127: {  	[hbm4b:s5+s4] =	stream.linear.scatter @!p0 [tilespmem:s0], [sflag:$0x5], $0x1, $0x38;
	[tilespmem:$0xF30] =	vst v63  }
0x128: {  	s5 =	simm.s32 $0x0  }
0x129: {  	s4 =	simm.s32 $0xC1;
	s5 =	simm.s32 @!p0 $0x4  }
.LBB2_22:
0x12a: {  	v0 =	vld.msk [tilespmem:s4+$0x0], $0x1;
	s2 =	sadd.s32 $0xFFFFFFFF, s2;
	s3 =	sadd.s32 s3, s5  }
0x12b: {  	p0 =	sne.s32 s2, $0x0;
	_ =	sdelay $0x3  }
0x12c: {  	(v2sf) =	vpush v0, $0x0;
	_ =	sdelay $0xe  }
.Ltmp17:
0x12d: {  	s6 =	spop (v2sf);
	(pc) =	sbr.rel @p0 .LBB2_22-.Ltmp17, $4  }
0x12e: {  	s5 =	simm.s32 $0x0;
	p1 =	sgt.u32 s6, $0x3FF  }
0x12f: {  	s0 =	sadd.s32 $0x1, s0;
	s5 =	simm.s32 @!p1 $0x4;
	s7 =	sshrl.u32 @!p1 s6, $0x3  }
0x130: {  	s4 =	sadd.s32 $0x1, s4;
	s6 =	sand.u32 @!p1 $0x7, s6;
	s7 =	sadd.s32 @!p1 s1, s7  }
0x131: {  	[hbm4b:s7+s6] =	stream.linear.scatter @!p1 [tilespmem:s0], [sflag:$0x5], $0x1, $0x38;
	[tilespmem:$0xF30] =	vst v63  }
.LBB2_23:
0x132: {  	s0 =	sadd.s32 s3, s5  }
0x133: {  	s3 =	sshrl.u32 s0, $0x2  }
.LBB2_24:
0x134: {  	s0 =	simm.s32 $0x5  }
0x135: {  	_ =	swait.ge [sflag:s0], s3  }
0x136: {  	s1 =	ssub.s32 $0x0, s3;
	[sflag:s0] =	ssyncset.done $0x0  }
0x137: {  	[sflag:s0] =	ssyncadd.s32 s1  }
0x138: {  	[sflag:s0] =	ssyncpa.u1 $0x1  }
0x139: {  	s29 =	simm.s32 $0x1;
	_ =	sfence  }
0x13a: {  	s30 =	simm.s32 $0x2;
	[sflag:s29] =	ssyncpa.u1 $0x1  }
0x13b: {  	[sflag:s30] =	ssyncpa.u1 $0x1  }
0x13c: {  	_ =	strace $0x90000047  }
0x13d: {  	[bflag:$0x2] =	sbarrier.arrive $0xFFFF  }
0x13e: {  	s31 =	rddreg [dreg:$0x2]  }
0x13f: {  	s0 =	sadd.s32 $0x100000, s31  }
0x140: {  	[sflag:s0] =	ssyncadd.tile.s32 $0x1;
	_ =	shalt  }
.Lfunc_end2:
_tile_overlayer_lowered:
.L_overlay_start_2:
0x141: {  	(tag) =	ssettag $0x2  }
0x142: {  	s0 =	rddreg [dreg:$0x0];
	s2 =	stileid.u32  }
0x143: {  	s1 =	rddreg [dreg:$0x1];
	p0 =	sne.s32 s2, $0x0  }
0x144: {  	s3 =	rddreg [dreg:$0x2];
	[bflag:$0x3] =	sbarrier.arrive $0xFFFF;
	s2 =	simm.s32 @!p0 $0x1C01  }
0x145: {  	[timem:s3], [sflag:s2] =	dma.local @!p0 [hbm:s0], s1  }
0x146: {  	s0 =	simm.s32 @!p0 $0x1  }
0x147: {  	_ =	swait.ge @!p0 [sflag:s0], s1  }
0x148: {  	s1 =	ssub.s32 @!p0 $0x0, s1;
	[sflag:s0] =	ssyncset.done @!p0 $0x0  }
0x149: {  	[sflag:s0] =	ssyncadd.s32 @!p0 s1  }
0x14a: {  	[bflag:$0x3] =	sbarrier.arrive $0xFFFF  }
0x14b: {  	_ =	shalt  }

</sc_bundles>
